<compile_context>
chip_gen: v7x
topology: tpu7x:2x2x1
jax: 0.10.2.dev20260603
libtpu: 0.0.44.dev20260713+nightly
codegen_flags: <defaults>
</compile_context>

<pallas_src>
import functools

import jax
import jax.numpy as jnp
from jax import lax
from jax.experimental import pallas as pl
from jax.experimental.pallas import tpu as pltpu
from jax.experimental.pallas import tpu_sc as plsc

_NUM_CORES = 2
_NUM_SUBCORES = 16
_NUM_WORKERS = _NUM_CORES * _NUM_SUBCORES
_LANES = 16


def kernel(x, table):
    B, S = x.shape
    V, D = table.shape
    BC = B // 128
    DG = D // 8
    assert BC == _NUM_WORKERS and D % 8 == 0

    xT3 = x.T.reshape(S, BC, 128)
    mesh = plsc.VectorSubcoreMesh(core_axis_name="c", subcore_axis_name="s")

    @functools.partial(
        pl.kernel,
        out_type=jax.ShapeDtypeStruct((S, DG, BC, 8, 128), jnp.float32),
        mesh=mesh,
        scratch_types=[
            pltpu.VMEM((S, 128), jnp.int32),
            pltpu.VMEM((2, 128, D), jnp.float32),
            pltpu.VMEM((2, D, 129), jnp.float32),
            pltpu.SemaphoreType.DMA((2,)),
            pltpu.SemaphoreType.DMA((2,)),
        ],
        compiler_params=pltpu.CompilerParams(
            use_tc_tiling_on_sc=False, needs_layout_passes=False),
    )
    def emb(idx_hbm, table_hbm, out_hbm, idx_v, vin, tbuf, gsem, osem):
        wid = lax.axis_index("s") * _NUM_CORES + lax.axis_index("c")
        pltpu.sync_copy(idx_hbm.at[:, wid], idx_v)

        base = [lax.iota(jnp.int32, _LANES) + c * _LANES for c in range(4)]

        def fire_gather(s, sl):
            pltpu.async_copy(table_hbm.at[idx_v.at[s]], vin.at[sl], gsem.at[sl])

        def drain_gather(sl):
            pltpu.make_async_copy(
                table_hbm.at[pl.ds(0, 128)], vin.at[sl], gsem.at[sl]).wait()

        def drain_out(sl):
            for dg in range(DG):
                pltpu.make_async_copy(
                    tbuf.at[sl, pl.ds(dg * 8, 8), pl.ds(0, 128)],
                    out_hbm.at[0, dg, wid], osem.at[sl]).wait()

        fire_gather(0, 0)

        @pl.loop(0, S, step=2)
        def _grp(s0):
            for sl in range(2):
                s = s0 + sl
                nsl = (sl + 1) % 2

                @pl.when(s + 1 < S)
                def _fire_next():
                    fire_gather(s + 1, nsl)

                drain_gather(sl)

                @pl.when(s >= 2)
                def _drain_prev():
                    drain_out(sl)

                dst = tbuf.at[sl]
                src = vin.at[sl]

                @plsc.parallel_loop(0, 128, step=1, unroll=8)
                def _transpose(l):
                    lvec = jnp.full((_LANES,), l, jnp.int32)
                    for c in range(4):
                        vals = src[l, pl.ds(c * _LANES, _LANES)]
                        plsc.store_scatter(dst, [base[c], lvec], vals)

                for dg in range(DG):
                    pltpu.async_copy(
                        tbuf.at[sl, pl.ds(dg * 8, 8), pl.ds(0, 128)],
                        out_hbm.at[s, dg, wid], osem.at[sl])

        for sl in range(2):
            drain_out(sl)

    o5 = emb(xT3, table)
    return o5.transpose(2, 4, 0, 1, 3).reshape(B, S, D)

# --- scband reference (transcript-rebuilt; emitter-appended) ---
"""Pipeline reference for scband-token-embedding-4715874091153 (READ-ONLY COPY).

The authoritative reference and input builder live on the scoring server;
editing this copy changes nothing except your own understanding.
"""

import jax, jax.numpy as jnp
import numpy as np

VOCAB = 1000000
D_MODEL = 64
BATCH = 4096
SEQ = 200

def setup_inputs(seed: int = 0) -> dict:
    key = jax.random.key(seed)
    k1, k2 = jax.random.split(key)
    x = jax.random.randint(k1, (BATCH, SEQ), 0, VOCAB, dtype=jnp.int32)
    # nn.Embedding default init: N(0, 1)
    table = jax.random.normal(k2, (VOCAB, D_MODEL), dtype=jnp.float32)
    return {"x": x, "table": table}

def reference(x, table):
    # TokenEmbedding.forward: self.embedding(x)
    return jnp.take(table, x, axis=0)

if __name__ == "__main__":
    import jax
    _d = setup_inputs()
    print(jax.jit(kernel)(*tuple(_d.values())))

</pallas_src>

<mosaic_0001>
#map = affine_map<(d0, d1) -> (0, 0, 0)>
#map1 = affine_map<(d0, d1) -> (0, 0)>
#map2 = affine_map<(d0, d1) -> (0, 0, 0, 0, 0)>
module attributes {stable_mosaic.version = 14 : i64} {
  func.func @emb(%arg0: i32, %arg1: i32, %arg2: memref<200x32x128xi32, #tpu.memory_space<hbm>>, %arg3: memref<1000000x64xf32, #tpu.memory_space<hbm>>, %arg4: memref<200x8x32x8x128xf32, #tpu.memory_space<hbm>>, %arg5: memref<200x128xi32, #tpu.memory_space<vmem>>, %arg6: memref<2x128x64xf32, #tpu.memory_space<vmem>>, %arg7: memref<2x64x129xf32, #tpu.memory_space<vmem>>, %arg8: memref<2x!tpu.dma_semaphore, #tpu.memory_space<semaphore_mem>>, %arg9: memref<2x!tpu.dma_semaphore, #tpu.memory_space<semaphore_mem>>) attributes {dimension_semantics = [#tpu.dimension_semantics<core_parallel>, #tpu.dimension_semantics<subcore_parallel>], iteration_bounds = array<i64: 2, 16>, scalar_prefetch = 0 : i64, scratch_operands = 5 : i64, tpu.core_type = #tpu.core_type<sc_vector_subcore>, window_params = [{transform_indices = #map}, {transform_indices = #map1}, {transform_indices = #map2}]} {
    %mul3A = arith.constant 2 : i32
    %mul3A_0 = arith.muli %arg1, %mul3A : i32
    %add3A = arith.addi %mul3A_0, %arg0 : i32
    "tpu.region"() ({
      %run_scoped3A = tpu.sem_alloc : memref<!tpu.dma_semaphore, #tpu.memory_space<semaphore_mem>>
      %dma_start3A_385 = arith.constant 0 : i32
      %dma_start3A_386 = arith.constant 0 : i32
      %dma_start3A_387 = tpu.memref_slice %arg2[%dma_start3A_385, %add3A, %dma_start3A_386] : memref<200x32x128xi32, #tpu.memory_space<hbm>> -> memref<200x1x128xi32, #tpu.memory_space<hbm>>
      %dma_start3A_388 = tpu.memref_squeeze %dma_start3A_387 : memref<200x1x128xi32, #tpu.memory_space<hbm>> -> memref<200x128xi32, #tpu.memory_space<hbm>>
      %dma_start3A_389 = arith.constant 0 : i32
      %dma_start3A_390 = arith.constant 0 : i32
      %dma_start3A_391 = tpu.memref_slice %arg2[%dma_start3A_389, %add3A, %dma_start3A_390] : memref<200x32x128xi32, #tpu.memory_space<hbm>> -> memref<200x1x128xi32, #tpu.memory_space<hbm>>
      %dma_start3A_392 = tpu.memref_squeeze %dma_start3A_391 : memref<200x1x128xi32, #tpu.memory_space<hbm>> -> memref<200x128xi32, #tpu.memory_space<hbm>>
      tpu.enqueue_dma source(%dma_start3A_392 : memref<200x128xi32, #tpu.memory_space<hbm>>) target(%arg5 : memref<200x128xi32, #tpu.memory_space<vmem>>) target_semaphore(%run_scoped3A : memref<!tpu.dma_semaphore, #tpu.memory_space<semaphore_mem>>)
      %dma_wait3A_393 = arith.constant 0 : i32
      %dma_wait3A_394 = arith.constant 0 : i32
      %dma_wait3A_395 = tpu.memref_slice %arg2[%dma_wait3A_393, %add3A, %dma_wait3A_394] : memref<200x32x128xi32, #tpu.memory_space<hbm>> -> memref<200x1x128xi32, #tpu.memory_space<hbm>>
      %dma_wait3A_396 = tpu.memref_squeeze %dma_wait3A_395 : memref<200x1x128xi32, #tpu.memory_space<hbm>> -> memref<200x128xi32, #tpu.memory_space<hbm>>
      %dma_wait3A_397 = arith.constant 0 : i32
      %dma_wait3A_398 = arith.constant 0 : i32
      %dma_wait3A_399 = tpu.memref_slice %arg2[%dma_wait3A_397, %add3A, %dma_wait3A_398] : memref<200x32x128xi32, #tpu.memory_space<hbm>> -> memref<200x1x128xi32, #tpu.memory_space<hbm>>
      %dma_wait3A_400 = tpu.memref_squeeze %dma_wait3A_399 : memref<200x1x128xi32, #tpu.memory_space<hbm>> -> memref<200x128xi32, #tpu.memory_space<hbm>>
      tpu.wait_dma2 semaphore(%run_scoped3A : memref<!tpu.dma_semaphore, #tpu.memory_space<semaphore_mem>>) src(%dma_wait3A_400 : memref<200x128xi32, #tpu.memory_space<hbm>>) dst(%arg5 : memref<200x128xi32, #tpu.memory_space<vmem>>)
      tpu.yield
    }) : () -> ()
    %iota3A = tpu.iota {dimensions = array<i32: 0>} : vector<16xi32>
    %add3A_1 = arith.constant 0 : i32
    %add3A_2 = vector.broadcast %add3A_1 : i32 to vector<16xi32>
    %add3A_3 = arith.addi %iota3A, %add3A_2 : vector<16xi32>
    %iota3A_4 = tpu.iota {dimensions = array<i32: 0>} : vector<16xi32>
    %add3A_5 = arith.constant 16 : i32
    %add3A_6 = vector.broadcast %add3A_5 : i32 to vector<16xi32>
    %add3A_7 = arith.addi %iota3A_4, %add3A_6 : vector<16xi32>
    %iota3A_8 = tpu.iota {dimensions = array<i32: 0>} : vector<16xi32>
    %add3A_9 = arith.constant 32 : i32
    %add3A_10 = vector.broadcast %add3A_9 : i32 to vector<16xi32>
    %add3A_11 = arith.addi %iota3A_8, %add3A_10 : vector<16xi32>
    %iota3A_12 = tpu.iota {dimensions = array<i32: 0>} : vector<16xi32>
    %add3A_13 = arith.constant 48 : i32
    %add3A_14 = vector.broadcast %add3A_13 : i32 to vector<16xi32>
    %add3A_15 = arith.addi %iota3A_12, %add3A_14 : vector<16xi32>
    %dma_start3A = arith.constant 0 : i32
    %dma_start3A_16 = arith.constant 0 : i32
    %dma_start3A_17 = arith.constant 0 : i32
    %dma_start3A_18 = arith.constant 0 : i32
    %dma_start3A_19 = arith.constant 0 : i32
    %dma_start3A_20 = tpu.memref_slice %arg6[%dma_start3A_16, %dma_start3A_18, %dma_start3A_19] : memref<2x128x64xf32, #tpu.memory_space<vmem>> -> memref<1x128x64xf32, #tpu.memory_space<vmem>>
    %dma_start3A_21 = tpu.memref_squeeze %dma_start3A_20 : memref<1x128x64xf32, #tpu.memory_space<vmem>> -> memref<128x64xf32, #tpu.memory_space<vmem>>
    %dma_start3A_22 = arith.constant 0 : i32
    %dma_start3A_23 = tpu.memref_slice %arg5[%dma_start3A, %dma_start3A_22] : memref<200x128xi32, #tpu.memory_space<vmem>> -> memref<1x128xi32, #tpu.memory_space<vmem>>
    %dma_start3A_24 = tpu.memref_squeeze %dma_start3A_23 : memref<1x128xi32, #tpu.memory_space<vmem>> -> memref<128xi32, #tpu.memory_space<vmem>>
    %dma_start3A_25 = arith.constant 0 : i32
    %dma_start3A_26 = arith.constant 0 : i32
    %dma_start3A_27 = tpu.memref_slice %arg3[%dma_start3A_25, %dma_start3A_26] : memref<1000000x64xf32, #tpu.memory_space<hbm>> -> memref<1000000x64xf32, #tpu.memory_space<hbm>>
    %dma_start3A_28 = tpu.memref_slice %arg8[%dma_start3A_17] : memref<2x!tpu.dma_semaphore, #tpu.memory_space<semaphore_mem>> -> memref<1x!tpu.dma_semaphore, #tpu.memory_space<semaphore_mem>>
    %dma_start3A_29 = tpu.memref_squeeze %dma_start3A_28 : memref<1x!tpu.dma_semaphore, #tpu.memory_space<semaphore_mem>> -> memref<!tpu.dma_semaphore, #tpu.memory_space<semaphore_mem>>
    tpu.enqueue_indirect_dma source(%dma_start3A_27 : memref<1000000x64xf32, #tpu.memory_space<hbm>>) target(%dma_start3A_21 : memref<128x64xf32, #tpu.memory_space<vmem>>) offsets(%dma_start3A_24 : memref<128xi32, #tpu.memory_space<vmem>>) semaphore(%dma_start3A_29 : memref<!tpu.dma_semaphore, #tpu.memory_space<semaphore_mem>>)
    %scan3A = arith.constant 0 : i32
    %scan3A_30 = arith.constant 100 : i32
    %scan3A_31 = arith.addi %scan3A, %scan3A_30 : i32
    %scan3A_32 = arith.constant 1 : i32
    scf.for %scan3A_385 = %scan3A to %scan3A_31 step %scan3A_32  : i32 {
      %mul3A_386 = arith.constant 2 : i32
      %mul3A_387 = arith.muli %scan3A_385, %mul3A_386 : i32
      %add3A_388 = arith.constant 0 : i32
      %add3A_389 = arith.addi %add3A_388, %mul3A_387 : i32
      %add3A_390 = arith.constant 0 : i32
      %add3A_391 = arith.addi %add3A_389, %add3A_390 : i32
      %add3A_392 = arith.constant 1 : i32
      %add3A_393 = arith.addi %add3A_391, %add3A_392 : i32
      %lt3A = arith.constant 200 : i32
      %lt3A_394 = arith.cmpi slt, %add3A_393, %lt3A : i32
      %convert_element_type3A = arith.extui %lt3A_394 : i1 to i32
      %cond3A = arith.constant 0 : i32
      %cond3A_395 = arith.cmpi ne, %convert_element_type3A, %cond3A : i32
      scf.if %cond3A_395 {
        %add3A_795 = arith.constant 1 : i32
        %add3A_796 = arith.addi %add3A_391, %add3A_795 : i32
        %dma_start3A_797 = arith.constant 1 : i32
        %dma_start3A_798 = arith.constant 1 : i32
        %dma_start3A_799 = arith.constant 0 : i32
        %dma_start3A_800 = arith.constant 0 : i32
        %dma_start3A_801 = tpu.memref_slice %arg6[%dma_start3A_797, %dma_start3A_799, %dma_start3A_800] : memref<2x128x64xf32, #tpu.memory_space<vmem>> -> memref<1x128x64xf32, #tpu.memory_space<vmem>>
        %dma_start3A_802 = tpu.memref_squeeze %dma_start3A_801 : memref<1x128x64xf32, #tpu.memory_space<vmem>> -> memref<128x64xf32, #tpu.memory_space<vmem>>
        %dma_start3A_803 = arith.constant 0 : i32
        %dma_start3A_804 = tpu.memref_slice %arg5[%add3A_796, %dma_start3A_803] : memref<200x128xi32, #tpu.memory_space<vmem>> -> memref<1x128xi32, #tpu.memory_space<vmem>>
        %dma_start3A_805 = tpu.memref_squeeze %dma_start3A_804 : memref<1x128xi32, #tpu.memory_space<vmem>> -> memref<128xi32, #tpu.memory_space<vmem>>
        %dma_start3A_806 = arith.constant 0 : i32
        %dma_start3A_807 = arith.constant 0 : i32
        %dma_start3A_808 = tpu.memref_slice %arg3[%dma_start3A_806, %dma_start3A_807] : memref<1000000x64xf32, #tpu.memory_space<hbm>> -> memref<1000000x64xf32, #tpu.memory_space<hbm>>
        %dma_start3A_809 = tpu.memref_slice %arg8[%dma_start3A_798] : memref<2x!tpu.dma_semaphore, #tpu.memory_space<semaphore_mem>> -> memref<1x!tpu.dma_semaphore, #tpu.memory_space<semaphore_mem>>
        %dma_start3A_810 = tpu.memref_squeeze %dma_start3A_809 : memref<1x!tpu.dma_semaphore, #tpu.memory_space<semaphore_mem>> -> memref<!tpu.dma_semaphore, #tpu.memory_space<semaphore_mem>>
        tpu.enqueue_indirect_dma source(%dma_start3A_808 : memref<1000000x64xf32, #tpu.memory_space<hbm>>) target(%dma_start3A_802 : memref<128x64xf32, #tpu.memory_space<vmem>>) offsets(%dma_start3A_805 : memref<128xi32, #tpu.memory_space<vmem>>) semaphore(%dma_start3A_810 : memref<!tpu.dma_semaphore, #tpu.memory_space<semaphore_mem>>)
      } else {
      }
      %dma_wait3A_396 = arith.constant 0 : i32
      %dma_wait3A_397 = arith.constant 0 : i32
      %dma_wait3A_398 = arith.constant 0 : i32
      %dma_wait3A_399 = arith.constant 0 : i32
      %dma_wait3A_400 = tpu.memref_slice %arg6[%dma_wait3A_396, %dma_wait3A_398, %dma_wait3A_399] : memref<2x128x64xf32, #tpu.memory_space<vmem>> -> memref<1x128x64xf32, #tpu.memory_space<vmem>>
      %dma_wait3A_401 = tpu.memref_squeeze %dma_wait3A_400 : memref<1x128x64xf32, #tpu.memory_space<vmem>> -> memref<128x64xf32, #tpu.memory_space<vmem>>
      %dma_wait3A_402 = arith.constant 0 : i32
      %dma_wait3A_403 = arith.constant 0 : i32
      %dma_wait3A_404 = tpu.memref_slice %arg3[%dma_wait3A_402, %dma_wait3A_403] : memref<1000000x64xf32, #tpu.memory_space<hbm>> -> memref<128x64xf32, #tpu.memory_space<hbm>>
      %dma_wait3A_405 = tpu.memref_slice %arg8[%dma_wait3A_397] : memref<2x!tpu.dma_semaphore, #tpu.memory_space<semaphore_mem>> -> memref<1x!tpu.dma_semaphore, #tpu.memory_space<semaphore_mem>>
      %dma_wait3A_406 = tpu.memref_squeeze %dma_wait3A_405 : memref<1x!tpu.dma_semaphore, #tpu.memory_space<semaphore_mem>> -> memref<!tpu.dma_semaphore, #tpu.memory_space<semaphore_mem>>
      %dma_wait3A_407 = arith.constant 0 : i32
      %dma_wait3A_408 = arith.constant 0 : i32
      %dma_wait3A_409 = tpu.memref_slice %arg6[%dma_wait3A_396, %dma_wait3A_407, %dma_wait3A_408] : memref<2x128x64xf32, #tpu.memory_space<vmem>> -> memref<1x128x64xf32, #tpu.memory_space<vmem>>
      %dma_wait3A_410 = tpu.memref_squeeze %dma_wait3A_409 : memref<1x128x64xf32, #tpu.memory_space<vmem>> -> memref<128x64xf32, #tpu.memory_space<vmem>>
      %dma_wait3A_411 = arith.constant 0 : i32
      %dma_wait3A_412 = arith.constant 0 : i32
      %dma_wait3A_413 = tpu.memref_slice %arg3[%dma_wait3A_411, %dma_wait3A_412] : memref<1000000x64xf32, #tpu.memory_space<hbm>> -> memref<128x64xf32, #tpu.memory_space<hbm>>
      tpu.wait_dma2 semaphore(%dma_wait3A_406 : memref<!tpu.dma_semaphore, #tpu.memory_space<semaphore_mem>>) src(%dma_wait3A_413 : memref<128x64xf32, #tpu.memory_space<hbm>>) dst(%dma_wait3A_410 : memref<128x64xf32, #tpu.memory_space<vmem>>)
      %ge3A = arith.constant 2 : i32
      %ge3A_414 = arith.cmpi sge, %add3A_391, %ge3A : i32
      %convert_element_type3A_415 = arith.extui %ge3A_414 : i1 to i32
      %cond3A_416 = arith.constant 0 : i32
      %cond3A_417 = arith.cmpi ne, %convert_element_type3A_415, %cond3A_416 : i32
      scf.if %cond3A_417 {
        %dma_wait3A_795 = arith.constant 0 : i32
        %dma_wait3A_796 = arith.constant 0 : i32
        %dma_wait3A_797 = arith.constant 0 : i32
        %dma_wait3A_798 = arith.constant 0 : i32
        %dma_wait3A_799 = arith.constant 0 : i32
        %dma_wait3A_800 = arith.constant 0 : i32
        %dma_wait3A_801 = tpu.memref_slice %arg7[%dma_wait3A_795, %dma_wait3A_799, %dma_wait3A_800] : memref<2x64x129xf32, #tpu.memory_space<vmem>> -> memref<1x8x128xf32, #tpu.memory_space<vmem>>
        %dma_wait3A_802 = tpu.memref_squeeze %dma_wait3A_801 : memref<1x8x128xf32, #tpu.memory_space<vmem>> -> memref<8x128xf32, #tpu.memory_space<vmem>>
        %dma_wait3A_803 = arith.constant 0 : i32
        %dma_wait3A_804 = arith.constant 0 : i32
        %dma_wait3A_805 = tpu.memref_slice %arg4[%dma_wait3A_796, %dma_wait3A_797, %add3A, %dma_wait3A_803, %dma_wait3A_804] : memref<200x8x32x8x128xf32, #tpu.memory_space<hbm>> -> memref<1x1x1x8x128xf32, #tpu.memory_space<hbm>>
        %dma_wait3A_806 = tpu.memref_squeeze %dma_wait3A_805 : memref<1x1x1x8x128xf32, #tpu.memory_space<hbm>> -> memref<8x128xf32, #tpu.memory_space<hbm>>
        %dma_wait3A_807 = tpu.memref_slice %arg9[%dma_wait3A_798] : memref<2x!tpu.dma_semaphore, #tpu.memory_space<semaphore_mem>> -> memref<1x!tpu.dma_semaphore, #tpu.memory_space<semaphore_mem>>
        %dma_wait3A_808 = tpu.memref_squeeze %dma_wait3A_807 : memref<1x!tpu.dma_semaphore, #tpu.memory_space<semaphore_mem>> -> memref<!tpu.dma_semaphore, #tpu.memory_space<semaphore_mem>>
        %dma_wait3A_809 = arith.constant 0 : i32
        %dma_wait3A_810 = arith.constant 0 : i32
        %dma_wait3A_811 = tpu.memref_slice %arg4[%dma_wait3A_796, %dma_wait3A_797, %add3A, %dma_wait3A_809, %dma_wait3A_810] : memref<200x8x32x8x128xf32, #tpu.memory_space<hbm>> -> memref<1x1x1x8x128xf32, #tpu.memory_space<hbm>>
        %dma_wait3A_812 = tpu.memref_squeeze %dma_wait3A_811 : memref<1x1x1x8x128xf32, #tpu.memory_space<hbm>> -> memref<8x128xf32, #tpu.memory_space<hbm>>
        %dma_wait3A_813 = arith.constant 0 : i32
        %dma_wait3A_814 = arith.constant 0 : i32
        %dma_wait3A_815 = tpu.memref_slice %arg7[%dma_wait3A_795, %dma_wait3A_813, %dma_wait3A_814] : memref<2x64x129xf32, #tpu.memory_space<vmem>> -> memref<1x8x128xf32, #tpu.memory_space<vmem>>
        %dma_wait3A_816 = tpu.memref_squeeze %dma_wait3A_815 : memref<1x8x128xf32, #tpu.memory_space<vmem>> -> memref<8x128xf32, #tpu.memory_space<vmem>>
        tpu.wait_dma2 semaphore(%dma_wait3A_808 : memref<!tpu.dma_semaphore, #tpu.memory_space<semaphore_mem>>) src(%dma_wait3A_816 : memref<8x128xf32, #tpu.memory_space<vmem>>) dst(%dma_wait3A_812 : memref<8x128xf32, #tpu.memory_space<hbm>>)
        %dma_wait3A_817 = arith.constant 0 : i32
        %dma_wait3A_818 = arith.constant 0 : i32
        %dma_wait3A_819 = arith.constant 1 : i32
        %dma_wait3A_820 = arith.constant 0 : i32
        %dma_wait3A_821 = arith.constant 8 : i32
        %dma_wait3A_822 = arith.constant 0 : i32
        %dma_wait3A_823 = tpu.memref_slice %arg7[%dma_wait3A_817, %dma_wait3A_821, %dma_wait3A_822] : memref<2x64x129xf32, #tpu.memory_space<vmem>> -> memref<1x8x128xf32, #tpu.memory_space<vmem>>
        %dma_wait3A_824 = tpu.memref_squeeze %dma_wait3A_823 : memref<1x8x128xf32, #tpu.memory_space<vmem>> -> memref<8x128xf32, #tpu.memory_space<vmem>>
        %dma_wait3A_825 = arith.constant 0 : i32
        %dma_wait3A_826 = arith.constant 0 : i32
        %dma_wait3A_827 = tpu.memref_slice %arg4[%dma_wait3A_818, %dma_wait3A_819, %add3A, %dma_wait3A_825, %dma_wait3A_826] : memref<200x8x32x8x128xf32, #tpu.memory_space<hbm>> -> memref<1x1x1x8x128xf32, #tpu.memory_space<hbm>>
        %dma_wait3A_828 = tpu.memref_squeeze %dma_wait3A_827 : memref<1x1x1x8x128xf32, #tpu.memory_space<hbm>> -> memref<8x128xf32, #tpu.memory_space<hbm>>
        %dma_wait3A_829 = tpu.memref_slice %arg9[%dma_wait3A_820] : memref<2x!tpu.dma_semaphore, #tpu.memory_space<semaphore_mem>> -> memref<1x!tpu.dma_semaphore, #tpu.memory_space<semaphore_mem>>
        %dma_wait3A_830 = tpu.memref_squeeze %dma_wait3A_829 : memref<1x!tpu.dma_semaphore, #tpu.memory_space<semaphore_mem>> -> memref<!tpu.dma_semaphore, #tpu.memory_space<semaphore_mem>>
        %dma_wait3A_831 = arith.constant 0 : i32
        %dma_wait3A_832 = arith.constant 0 : i32
        %dma_wait3A_833 = tpu.memref_slice %arg4[%dma_wait3A_818, %dma_wait3A_819, %add3A, %dma_wait3A_831, %dma_wait3A_832] : memref<200x8x32x8x128xf32, #tpu.memory_space<hbm>> -> memref<1x1x1x8x128xf32, #tpu.memory_space<hbm>>
        %dma_wait3A_834 = tpu.memref_squeeze %dma_wait3A_833 : memref<1x1x1x8x128xf32, #tpu.memory_space<hbm>> -> memref<8x128xf32, #tpu.memory_space<hbm>>
        %dma_wait3A_835 = arith.constant 8 : i32
        %dma_wait3A_836 = arith.constant 0 : i32
        %dma_wait3A_837 = tpu.memref_slice %arg7[%dma_wait3A_817, %dma_wait3A_835, %dma_wait3A_836] : memref<2x64x129xf32, #tpu.memory_space<vmem>> -> memref<1x8x128xf32, #tpu.memory_space<vmem>>
        %dma_wait3A_838 = tpu.memref_squeeze %dma_wait3A_837 : memref<1x8x128xf32, #tpu.memory_space<vmem>> -> memref<8x128xf32, #tpu.memory_space<vmem>>
        tpu.wait_dma2 semaphore(%dma_wait3A_830 : memref<!tpu.dma_semaphore, #tpu.memory_space<semaphore_mem>>) src(%dma_wait3A_838 : memref<8x128xf32, #tpu.memory_space<vmem>>) dst(%dma_wait3A_834 : memref<8x128xf32, #tpu.memory_space<hbm>>)
        %dma_wait3A_839 = arith.constant 0 : i32
        %dma_wait3A_840 = arith.constant 0 : i32
        %dma_wait3A_841 = arith.constant 2 : i32
        %dma_wait3A_842 = arith.constant 0 : i32
        %dma_wait3A_843 = arith.constant 16 : i32
        %dma_wait3A_844 = arith.constant 0 : i32
        %dma_wait3A_845 = tpu.memref_slice %arg7[%dma_wait3A_839, %dma_wait3A_843, %dma_wait3A_844] : memref<2x64x129xf32, #tpu.memory_space<vmem>> -> memref<1x8x128xf32, #tpu.memory_space<vmem>>
        %dma_wait3A_846 = tpu.memref_squeeze %dma_wait3A_845 : memref<1x8x128xf32, #tpu.memory_space<vmem>> -> memref<8x128xf32, #tpu.memory_space<vmem>>
        %dma_wait3A_847 = arith.constant 0 : i32
        %dma_wait3A_848 = arith.constant 0 : i32
        %dma_wait3A_849 = tpu.memref_slice %arg4[%dma_wait3A_840, %dma_wait3A_841, %add3A, %dma_wait3A_847, %dma_wait3A_848] : memref<200x8x32x8x128xf32, #tpu.memory_space<hbm>> -> memref<1x1x1x8x128xf32, #tpu.memory_space<hbm>>
        %dma_wait3A_850 = tpu.memref_squeeze %dma_wait3A_849 : memref<1x1x1x8x128xf32, #tpu.memory_space<hbm>> -> memref<8x128xf32, #tpu.memory_space<hbm>>
        %dma_wait3A_851 = tpu.memref_slice %arg9[%dma_wait3A_842] : memref<2x!tpu.dma_semaphore, #tpu.memory_space<semaphore_mem>> -> memref<1x!tpu.dma_semaphore, #tpu.memory_space<semaphore_mem>>
        %dma_wait3A_852 = tpu.memref_squeeze %dma_wait3A_851 : memref<1x!tpu.dma_semaphore, #tpu.memory_space<semaphore_mem>> -> memref<!tpu.dma_semaphore, #tpu.memory_space<semaphore_mem>>
        %dma_wait3A_853 = arith.constant 0 : i32
        %dma_wait3A_854 = arith.constant 0 : i32
        %dma_wait3A_855 = tpu.memref_slice %arg4[%dma_wait3A_840, %dma_wait3A_841, %add3A, %dma_wait3A_853, %dma_wait3A_854] : memref<200x8x32x8x128xf32, #tpu.memory_space<hbm>> -> memref<1x1x1x8x128xf32, #tpu.memory_space<hbm>>
        %dma_wait3A_856 = tpu.memref_squeeze %dma_wait3A_855 : memref<1x1x1x8x128xf32, #tpu.memory_space<hbm>> -> memref<8x128xf32, #tpu.memory_space<hbm>>
        %dma_wait3A_857 = arith.constant 16 : i32
        %dma_wait3A_858 = arith.constant 0 : i32
        %dma_wait3A_859 = tpu.memref_slice %arg7[%dma_wait3A_839, %dma_wait3A_857, %dma_wait3A_858] : memref<2x64x129xf32, #tpu.memory_space<vmem>> -> memref<1x8x128xf32, #tpu.memory_space<vmem>>
        %dma_wait3A_860 = tpu.memref_squeeze %dma_wait3A_859 : memref<1x8x128xf32, #tpu.memory_space<vmem>> -> memref<8x128xf32, #tpu.memory_space<vmem>>
        tpu.wait_dma2 semaphore(%dma_wait3A_852 : memref<!tpu.dma_semaphore, #tpu.memory_space<semaphore_mem>>) src(%dma_wait3A_860 : memref<8x128xf32, #tpu.memory_space<vmem>>) dst(%dma_wait3A_856 : memref<8x128xf32, #tpu.memory_space<hbm>>)
        %dma_wait3A_861 = arith.constant 0 : i32
        %dma_wait3A_862 = arith.constant 0 : i32
        %dma_wait3A_863 = arith.constant 3 : i32
        %dma_wait3A_864 = arith.constant 0 : i32
        %dma_wait3A_865 = arith.constant 24 : i32
        %dma_wait3A_866 = arith.constant 0 : i32
        %dma_wait3A_867 = tpu.memref_slice %arg7[%dma_wait3A_861, %dma_wait3A_865, %dma_wait3A_866] : memref<2x64x129xf32, #tpu.memory_space<vmem>> -> memref<1x8x128xf32, #tpu.memory_space<vmem>>
        %dma_wait3A_868 = tpu.memref_squeeze %dma_wait3A_867 : memref<1x8x128xf32, #tpu.memory_space<vmem>> -> memref<8x128xf32, #tpu.memory_space<vmem>>
        %dma_wait3A_869 = arith.constant 0 : i32
        %dma_wait3A_870 = arith.constant 0 : i32
        %dma_wait3A_871 = tpu.memref_slice %arg4[%dma_wait3A_862, %dma_wait3A_863, %add3A, %dma_wait3A_869, %dma_wait3A_870] : memref<200x8x32x8x128xf32, #tpu.memory_space<hbm>> -> memref<1x1x1x8x128xf32, #tpu.memory_space<hbm>>
        %dma_wait3A_872 = tpu.memref_squeeze %dma_wait3A_871 : memref<1x1x1x8x128xf32, #tpu.memory_space<hbm>> -> memref<8x128xf32, #tpu.memory_space<hbm>>
        %dma_wait3A_873 = tpu.memref_slice %arg9[%dma_wait3A_864] : memref<2x!tpu.dma_semaphore, #tpu.memory_space<semaphore_mem>> -> memref<1x!tpu.dma_semaphore, #tpu.memory_space<semaphore_mem>>
        %dma_wait3A_874 = tpu.memref_squeeze %dma_wait3A_873 : memref<1x!tpu.dma_semaphore, #tpu.memory_space<semaphore_mem>> -> memref<!tpu.dma_semaphore, #tpu.memory_space<semaphore_mem>>
        %dma_wait3A_875 = arith.constant 0 : i32
        %dma_wait3A_876 = arith.constant 0 : i32
        %dma_wait3A_877 = tpu.memref_slice %arg4[%dma_wait3A_862, %dma_wait3A_863, %add3A, %dma_wait3A_875, %dma_wait3A_876] : memref<200x8x32x8x128xf32, #tpu.memory_space<hbm>> -> memref<1x1x1x8x128xf32, #tpu.memory_space<hbm>>
        %dma_wait3A_878 = tpu.memref_squeeze %dma_wait3A_877 : memref<1x1x1x8x128xf32, #tpu.memory_space<hbm>> -> memref<8x128xf32, #tpu.memory_space<hbm>>
        %dma_wait3A_879 = arith.constant 24 : i32
        %dma_wait3A_880 = arith.constant 0 : i32
        %dma_wait3A_881 = tpu.memref_slice %arg7[%dma_wait3A_861, %dma_wait3A_879, %dma_wait3A_880] : memref<2x64x129xf32, #tpu.memory_space<vmem>> -> memref<1x8x128xf32, #tpu.memory_space<vmem>>
        %dma_wait3A_882 = tpu.memref_squeeze %dma_wait3A_881 : memref<1x8x128xf32, #tpu.memory_space<vmem>> -> memref<8x128xf32, #tpu.memory_space<vmem>>
        tpu.wait_dma2 semaphore(%dma_wait3A_874 : memref<!tpu.dma_semaphore, #tpu.memory_space<semaphore_mem>>) src(%dma_wait3A_882 : memref<8x128xf32, #tpu.memory_space<vmem>>) dst(%dma_wait3A_878 : memref<8x128xf32, #tpu.memory_space<hbm>>)
        %dma_wait3A_883 = arith.constant 0 : i32
        %dma_wait3A_884 = arith.constant 0 : i32
        %dma_wait3A_885 = arith.constant 4 : i32
        %dma_wait3A_886 = arith.constant 0 : i32
        %dma_wait3A_887 = arith.constant 32 : i32
        %dma_wait3A_888 = arith.constant 0 : i32
        %dma_wait3A_889 = tpu.memref_slice %arg7[%dma_wait3A_883, %dma_wait3A_887, %dma_wait3A_888] : memref<2x64x129xf32, #tpu.memory_space<vmem>> -> memref<1x8x128xf32, #tpu.memory_space<vmem>>
        %dma_wait3A_890 = tpu.memref_squeeze %dma_wait3A_889 : memref<1x8x128xf32, #tpu.memory_space<vmem>> -> memref<8x128xf32, #tpu.memory_space<vmem>>
        %dma_wait3A_891 = arith.constant 0 : i32
        %dma_wait3A_892 = arith.constant 0 : i32
        %dma_wait3A_893 = tpu.memref_slice %arg4[%dma_wait3A_884, %dma_wait3A_885, %add3A, %dma_wait3A_891, %dma_wait3A_892] : memref<200x8x32x8x128xf32, #tpu.memory_space<hbm>> -> memref<1x1x1x8x128xf32, #tpu.memory_space<hbm>>
        %dma_wait3A_894 = tpu.memref_squeeze %dma_wait3A_893 : memref<1x1x1x8x128xf32, #tpu.memory_space<hbm>> -> memref<8x128xf32, #tpu.memory_space<hbm>>
        %dma_wait3A_895 = tpu.memref_slice %arg9[%dma_wait3A_886] : memref<2x!tpu.dma_semaphore, #tpu.memory_space<semaphore_mem>> -> memref<1x!tpu.dma_semaphore, #tpu.memory_space<semaphore_mem>>
        %dma_wait3A_896 = tpu.memref_squeeze %dma_wait3A_895 : memref<1x!tpu.dma_semaphore, #tpu.memory_space<semaphore_mem>> -> memref<!tpu.dma_semaphore, #tpu.memory_space<semaphore_mem>>
        %dma_wait3A_897 = arith.constant 0 : i32
        %dma_wait3A_898 = arith.constant 0 : i32
        %dma_wait3A_899 = tpu.memref_slice %arg4[%dma_wait3A_884, %dma_wait3A_885, %add3A, %dma_wait3A_897, %dma_wait3A_898] : memref<200x8x32x8x128xf32, #tpu.memory_space<hbm>> -> memref<1x1x1x8x128xf32, #tpu.memory_space<hbm>>
        %dma_wait3A_900 = tpu.memref_squeeze %dma_wait3A_899 : memref<1x1x1x8x128xf32, #tpu.memory_space<hbm>> -> memref<8x128xf32, #tpu.memory_space<hbm>>
        %dma_wait3A_901 = arith.constant 32 : i32
        %dma_wait3A_902 = arith.constant 0 : i32
        %dma_wait3A_903 = tpu.memref_slice %arg7[%dma_wait3A_883, %dma_wait3A_901, %dma_wait3A_902] : memref<2x64x129xf32, #tpu.memory_space<vmem>> -> memref<1x8x128xf32, #tpu.memory_space<vmem>>
        %dma_wait3A_904 = tpu.memref_squeeze %dma_wait3A_903 : memref<1x8x128xf32, #tpu.memory_space<vmem>> -> memref<8x128xf32, #tpu.memory_space<vmem>>
        tpu.wait_dma2 semaphore(%dma_wait3A_896 : memref<!tpu.dma_semaphore, #tpu.memory_space<semaphore_mem>>) src(%dma_wait3A_904 : memref<8x128xf32, #tpu.memory_space<vmem>>) dst(%dma_wait3A_900 : memref<8x128xf32, #tpu.memory_space<hbm>>)
        %dma_wait3A_905 = arith.constant 0 : i32
        %dma_wait3A_906 = arith.constant 0 : i32
        %dma_wait3A_907 = arith.constant 5 : i32
        %dma_wait3A_908 = arith.constant 0 : i32
        %dma_wait3A_909 = arith.constant 40 : i32
        %dma_wait3A_910 = arith.constant 0 : i32
        %dma_wait3A_911 = tpu.memref_slice %arg7[%dma_wait3A_905, %dma_wait3A_909, %dma_wait3A_910] : memref<2x64x129xf32, #tpu.memory_space<vmem>> -> memref<1x8x128xf32, #tpu.memory_space<vmem>>
        %dma_wait3A_912 = tpu.memref_squeeze %dma_wait3A_911 : memref<1x8x128xf32, #tpu.memory_space<vmem>> -> memref<8x128xf32, #tpu.memory_space<vmem>>
        %dma_wait3A_913 = arith.constant 0 : i32
        %dma_wait3A_914 = arith.constant 0 : i32
        %dma_wait3A_915 = tpu.memref_slice %arg4[%dma_wait3A_906, %dma_wait3A_907, %add3A, %dma_wait3A_913, %dma_wait3A_914] : memref<200x8x32x8x128xf32, #tpu.memory_space<hbm>> -> memref<1x1x1x8x128xf32, #tpu.memory_space<hbm>>
        %dma_wait3A_916 = tpu.memref_squeeze %dma_wait3A_915 : memref<1x1x1x8x128xf32, #tpu.memory_space<hbm>> -> memref<8x128xf32, #tpu.memory_space<hbm>>
        %dma_wait3A_917 = tpu.memref_slice %arg9[%dma_wait3A_908] : memref<2x!tpu.dma_semaphore, #tpu.memory_space<semaphore_mem>> -> memref<1x!tpu.dma_semaphore, #tpu.memory_space<semaphore_mem>>
        %dma_wait3A_918 = tpu.memref_squeeze %dma_wait3A_917 : memref<1x!tpu.dma_semaphore, #tpu.memory_space<semaphore_mem>> -> memref<!tpu.dma_semaphore, #tpu.memory_space<semaphore_mem>>
        %dma_wait3A_919 = arith.constant 0 : i32
        %dma_wait3A_920 = arith.constant 0 : i32
        %dma_wait3A_921 = tpu.memref_slice %arg4[%dma_wait3A_906, %dma_wait3A_907, %add3A, %dma_wait3A_919, %dma_wait3A_920] : memref<200x8x32x8x128xf32, #tpu.memory_space<hbm>> -> memref<1x1x1x8x128xf32, #tpu.memory_space<hbm>>
        %dma_wait3A_922 = tpu.memref_squeeze %dma_wait3A_921 : memref<1x1x1x8x128xf32, #tpu.memory_space<hbm>> -> memref<8x128xf32, #tpu.memory_space<hbm>>
        %dma_wait3A_923 = arith.constant 40 : i32
        %dma_wait3A_924 = arith.constant 0 : i32
        %dma_wait3A_925 = tpu.memref_slice %arg7[%dma_wait3A_905, %dma_wait3A_923, %dma_wait3A_924] : memref<2x64x129xf32, #tpu.memory_space<vmem>> -> memref<1x8x128xf32, #tpu.memory_space<vmem>>
        %dma_wait3A_926 = tpu.memref_squeeze %dma_wait3A_925 : memref<1x8x128xf32, #tpu.memory_space<vmem>> -> memref<8x128xf32, #tpu.memory_space<vmem>>
        tpu.wait_dma2 semaphore(%dma_wait3A_918 : memref<!tpu.dma_semaphore, #tpu.memory_space<semaphore_mem>>) src(%dma_wait3A_926 : memref<8x128xf32, #tpu.memory_space<vmem>>) dst(%dma_wait3A_922 : memref<8x128xf32, #tpu.memory_space<hbm>>)
        %dma_wait3A_927 = arith.constant 0 : i32
        %dma_wait3A_928 = arith.constant 0 : i32
        %dma_wait3A_929 = arith.constant 6 : i32
        %dma_wait3A_930 = arith.constant 0 : i32
        %dma_wait3A_931 = arith.constant 48 : i32
        %dma_wait3A_932 = arith.constant 0 : i32
        %dma_wait3A_933 = tpu.memref_slice %arg7[%dma_wait3A_927, %dma_wait3A_931, %dma_wait3A_932] : memref<2x64x129xf32, #tpu.memory_space<vmem>> -> memref<1x8x128xf32, #tpu.memory_space<vmem>>
        %dma_wait3A_934 = tpu.memref_squeeze %dma_wait3A_933 : memref<1x8x128xf32, #tpu.memory_space<vmem>> -> memref<8x128xf32, #tpu.memory_space<vmem>>
        %dma_wait3A_935 = arith.constant 0 : i32
        %dma_wait3A_936 = arith.constant 0 : i32
        %dma_wait3A_937 = tpu.memref_slice %arg4[%dma_wait3A_928, %dma_wait3A_929, %add3A, %dma_wait3A_935, %dma_wait3A_936] : memref<200x8x32x8x128xf32, #tpu.memory_space<hbm>> -> memref<1x1x1x8x128xf32, #tpu.memory_space<hbm>>
        %dma_wait3A_938 = tpu.memref_squeeze %dma_wait3A_937 : memref<1x1x1x8x128xf32, #tpu.memory_space<hbm>> -> memref<8x128xf32, #tpu.memory_space<hbm>>
        %dma_wait3A_939 = tpu.memref_slice %arg9[%dma_wait3A_930] : memref<2x!tpu.dma_semaphore, #tpu.memory_space<semaphore_mem>> -> memref<1x!tpu.dma_semaphore, #tpu.memory_space<semaphore_mem>>
        %dma_wait3A_940 = tpu.memref_squeeze %dma_wait3A_939 : memref<1x!tpu.dma_semaphore, #tpu.memory_space<semaphore_mem>> -> memref<!tpu.dma_semaphore, #tpu.memory_space<semaphore_mem>>
        %dma_wait3A_941 = arith.constant 0 : i32
        %dma_wait3A_942 = arith.constant 0 : i32
        %dma_wait3A_943 = tpu.memref_slice %arg4[%dma_wait3A_928, %dma_wait3A_929, %add3A, %dma_wait3A_941, %dma_wait3A_942] : memref<200x8x32x8x128xf32, #tpu.memory_space<hbm>> -> memref<1x1x1x8x128xf32, #tpu.memory_space<hbm>>
        %dma_wait3A_944 = tpu.memref_squeeze %dma_wait3A_943 : memref<1x1x1x8x128xf32, #tpu.memory_space<hbm>> -> memref<8x128xf32, #tpu.memory_space<hbm>>
        %dma_wait3A_945 = arith.constant 48 : i32
        %dma_wait3A_946 = arith.constant 0 : i32
        %dma_wait3A_947 = tpu.memref_slice %arg7[%dma_wait3A_927, %dma_wait3A_945, %dma_wait3A_946] : memref<2x64x129xf32, #tpu.memory_space<vmem>> -> memref<1x8x128xf32, #tpu.memory_space<vmem>>
        %dma_wait3A_948 = tpu.memref_squeeze %dma_wait3A_947 : memref<1x8x128xf32, #tpu.memory_space<vmem>> -> memref<8x128xf32, #tpu.memory_space<vmem>>
        tpu.wait_dma2 semaphore(%dma_wait3A_940 : memref<!tpu.dma_semaphore, #tpu.memory_space<semaphore_mem>>) src(%dma_wait3A_948 : memref<8x128xf32, #tpu.memory_space<vmem>>) dst(%dma_wait3A_944 : memref<8x128xf32, #tpu.memory_space<hbm>>)
        %dma_wait3A_949 = arith.constant 0 : i32
        %dma_wait3A_950 = arith.constant 0 : i32
        %dma_wait3A_951 = arith.constant 7 : i32
        %dma_wait3A_952 = arith.constant 0 : i32
        %dma_wait3A_953 = arith.constant 56 : i32
        %dma_wait3A_954 = arith.constant 0 : i32
        %dma_wait3A_955 = tpu.memref_slice %arg7[%dma_wait3A_949, %dma_wait3A_953, %dma_wait3A_954] : memref<2x64x129xf32, #tpu.memory_space<vmem>> -> memref<1x8x128xf32, #tpu.memory_space<vmem>>
        %dma_wait3A_956 = tpu.memref_squeeze %dma_wait3A_955 : memref<1x8x128xf32, #tpu.memory_space<vmem>> -> memref<8x128xf32, #tpu.memory_space<vmem>>
        %dma_wait3A_957 = arith.constant 0 : i32
        %dma_wait3A_958 = arith.constant 0 : i32
        %dma_wait3A_959 = tpu.memref_slice %arg4[%dma_wait3A_950, %dma_wait3A_951, %add3A, %dma_wait3A_957, %dma_wait3A_958] : memref<200x8x32x8x128xf32, #tpu.memory_space<hbm>> -> memref<1x1x1x8x128xf32, #tpu.memory_space<hbm>>
        %dma_wait3A_960 = tpu.memref_squeeze %dma_wait3A_959 : memref<1x1x1x8x128xf32, #tpu.memory_space<hbm>> -> memref<8x128xf32, #tpu.memory_space<hbm>>
        %dma_wait3A_961 = tpu.memref_slice %arg9[%dma_wait3A_952] : memref<2x!tpu.dma_semaphore, #tpu.memory_space<semaphore_mem>> -> memref<1x!tpu.dma_semaphore, #tpu.memory_space<semaphore_mem>>
        %dma_wait3A_962 = tpu.memref_squeeze %dma_wait3A_961 : memref<1x!tpu.dma_semaphore, #tpu.memory_space<semaphore_mem>> -> memref<!tpu.dma_semaphore, #tpu.memory_space<semaphore_mem>>
        %dma_wait3A_963 = arith.constant 0 : i32
        %dma_wait3A_964 = arith.constant 0 : i32
        %dma_wait3A_965 = tpu.memref_slice %arg4[%dma_wait3A_950, %dma_wait3A_951, %add3A, %dma_wait3A_963, %dma_wait3A_964] : memref<200x8x32x8x128xf32, #tpu.memory_space<hbm>> -> memref<1x1x1x8x128xf32, #tpu.memory_space<hbm>>
        %dma_wait3A_966 = tpu.memref_squeeze %dma_wait3A_965 : memref<1x1x1x8x128xf32, #tpu.memory_space<hbm>> -> memref<8x128xf32, #tpu.memory_space<hbm>>
        %dma_wait3A_967 = arith.constant 56 : i32
        %dma_wait3A_968 = arith.constant 0 : i32
        %dma_wait3A_969 = tpu.memref_slice %arg7[%dma_wait3A_949, %dma_wait3A_967, %dma_wait3A_968] : memref<2x64x129xf32, #tpu.memory_space<vmem>> -> memref<1x8x128xf32, #tpu.memory_space<vmem>>
        %dma_wait3A_970 = tpu.memref_squeeze %dma_wait3A_969 : memref<1x8x128xf32, #tpu.memory_space<vmem>> -> memref<8x128xf32, #tpu.memory_space<vmem>>
        tpu.wait_dma2 semaphore(%dma_wait3A_962 : memref<!tpu.dma_semaphore, #tpu.memory_space<semaphore_mem>>) src(%dma_wait3A_970 : memref<8x128xf32, #tpu.memory_space<vmem>>) dst(%dma_wait3A_966 : memref<8x128xf32, #tpu.memory_space<hbm>>)
      } else {
      }
      %parallel_loop3A = arith.constant 0 : i32
      %parallel_loop3A_418 = arith.constant 128 : i32
      %parallel_loop3A_419 = arith.constant 1 : i32
      %parallel_loop3A_420 = arith.constant 0 : i32
      %parallel_loop3A_421 = arith.constant 0 : i32
      scf.for %parallel_loop3A_795 = %parallel_loop3A to %parallel_loop3A_418 step %parallel_loop3A_419  : i32 {
        %parallel_loop3A_796 = vector.broadcast %parallel_loop3A_795 : i32 to vector<16xi32>
        %parallel_loop3A_797 = arith.constant 0 : i32
        %parallel_loop3A_798 = arith.constant 0 : i32
        %parallel_loop3A_799 = tpu.memref_slice %arg6[%parallel_loop3A_420, %parallel_loop3A_797, %parallel_loop3A_798] : memref<2x128x64xf32, #tpu.memory_space<vmem>> -> memref<1x128x64xf32, #tpu.memory_space<vmem>>
        %parallel_loop3A_800 = tpu.memref_squeeze %parallel_loop3A_799 : memref<1x128x64xf32, #tpu.memory_space<vmem>> -> memref<128x64xf32, #tpu.memory_space<vmem>>
        %parallel_loop3A_801 = arith.index_cast %parallel_loop3A_795 : i32 to index
        %parallel_loop3A_802 = arith.constant 0 : index
        %parallel_loop3A_803 = tpu.vector_load %parallel_loop3A_800[%parallel_loop3A_801, %parallel_loop3A_802] {strides = array<i32>} : memref<128x64xf32, #tpu.memory_space<vmem>>, vector<16xf32>,
        %parallel_loop3A_804 = arith.constant 0 : i32
        %parallel_loop3A_805 = arith.constant 0 : i32
        %parallel_loop3A_806 = tpu.memref_slice %arg7[%parallel_loop3A_421, %parallel_loop3A_804, %parallel_loop3A_805] : memref<2x64x129xf32, #tpu.memory_space<vmem>> -> memref<1x64x129xf32, #tpu.memory_space<vmem>>
        %parallel_loop3A_807 = tpu.memref_squeeze %parallel_loop3A_806 : memref<1x64x129xf32, #tpu.memory_space<vmem>> -> memref<64x129xf32, #tpu.memory_space<vmem>>
        tpu.vector_store_idx %parallel_loop3A_807[%add3A_3, %parallel_loop3A_796], %parallel_loop3A_803 : memref<64x129xf32, #tpu.memory_space<vmem>>[vector<16xi32>, vector<16xi32>], vector<16xf32>,
        %parallel_loop3A_808 = arith.constant 0 : i32
        %parallel_loop3A_809 = arith.constant 0 : i32
        %parallel_loop3A_810 = tpu.memref_slice %arg6[%parallel_loop3A_420, %parallel_loop3A_808, %parallel_loop3A_809] : memref<2x128x64xf32, #tpu.memory_space<vmem>> -> memref<1x128x64xf32, #tpu.memory_space<vmem>>
        %parallel_loop3A_811 = tpu.memref_squeeze %parallel_loop3A_810 : memref<1x128x64xf32, #tpu.memory_space<vmem>> -> memref<128x64xf32, #tpu.memory_space<vmem>>
        %parallel_loop3A_812 = arith.index_cast %parallel_loop3A_795 : i32 to index
        %parallel_loop3A_813 = arith.constant 16 : index
        %parallel_loop3A_814 = tpu.vector_load %parallel_loop3A_811[%parallel_loop3A_812, %parallel_loop3A_813] {strides = array<i32>} : memref<128x64xf32, #tpu.memory_space<vmem>>, vector<16xf32>,
        %parallel_loop3A_815 = arith.constant 0 : i32
        %parallel_loop3A_816 = arith.constant 0 : i32
        %parallel_loop3A_817 = tpu.memref_slice %arg7[%parallel_loop3A_421, %parallel_loop3A_815, %parallel_loop3A_816] : memref<2x64x129xf32, #tpu.memory_space<vmem>> -> memref<1x64x129xf32, #tpu.memory_space<vmem>>
        %parallel_loop3A_818 = tpu.memref_squeeze %parallel_loop3A_817 : memref<1x64x129xf32, #tpu.memory_space<vmem>> -> memref<64x129xf32, #tpu.memory_space<vmem>>
        tpu.vector_store_idx %parallel_loop3A_818[%add3A_7, %parallel_loop3A_796], %parallel_loop3A_814 : memref<64x129xf32, #tpu.memory_space<vmem>>[vector<16xi32>, vector<16xi32>], vector<16xf32>,
        %parallel_loop3A_819 = arith.constant 0 : i32
        %parallel_loop3A_820 = arith.constant 0 : i32
        %parallel_loop3A_821 = tpu.memref_slice %arg6[%parallel_loop3A_420, %parallel_loop3A_819, %parallel_loop3A_820] : memref<2x128x64xf32, #tpu.memory_space<vmem>> -> memref<1x128x64xf32, #tpu.memory_space<vmem>>
        %parallel_loop3A_822 = tpu.memref_squeeze %parallel_loop3A_821 : memref<1x128x64xf32, #tpu.memory_space<vmem>> -> memref<128x64xf32, #tpu.memory_space<vmem>>
        %parallel_loop3A_823 = arith.index_cast %parallel_loop3A_795 : i32 to index
        %parallel_loop3A_824 = arith.constant 32 : index
        %parallel_loop3A_825 = tpu.vector_load %parallel_loop3A_822[%parallel_loop3A_823, %parallel_loop3A_824] {strides = array<i32>} : memref<128x64xf32, #tpu.memory_space<vmem>>, vector<16xf32>,
        %parallel_loop3A_826 = arith.constant 0 : i32
        %parallel_loop3A_827 = arith.constant 0 : i32
        %parallel_loop3A_828 = tpu.memref_slice %arg7[%parallel_loop3A_421, %parallel_loop3A_826, %parallel_loop3A_827] : memref<2x64x129xf32, #tpu.memory_space<vmem>> -> memref<1x64x129xf32, #tpu.memory_space<vmem>>
        %parallel_loop3A_829 = tpu.memref_squeeze %parallel_loop3A_828 : memref<1x64x129xf32, #tpu.memory_space<vmem>> -> memref<64x129xf32, #tpu.memory_space<vmem>>
        tpu.vector_store_idx %parallel_loop3A_829[%add3A_11, %parallel_loop3A_796], %parallel_loop3A_825 : memref<64x129xf32, #tpu.memory_space<vmem>>[vector<16xi32>, vector<16xi32>], vector<16xf32>,
        %parallel_loop3A_830 = arith.constant 0 : i32
        %parallel_loop3A_831 = arith.constant 0 : i32
        %parallel_loop3A_832 = tpu.memref_slice %arg6[%parallel_loop3A_420, %parallel_loop3A_830, %parallel_loop3A_831] : memref<2x128x64xf32, #tpu.memory_space<vmem>> -> memref<1x128x64xf32, #tpu.memory_space<vmem>>
        %parallel_loop3A_833 = tpu.memref_squeeze %parallel_loop3A_832 : memref<1x128x64xf32, #tpu.memory_space<vmem>> -> memref<128x64xf32, #tpu.memory_space<vmem>>
        %parallel_loop3A_834 = arith.index_cast %parallel_loop3A_795 : i32 to index
        %parallel_loop3A_835 = arith.constant 48 : index
        %parallel_loop3A_836 = tpu.vector_load %parallel_loop3A_833[%parallel_loop3A_834, %parallel_loop3A_835] {strides = array<i32>} : memref<128x64xf32, #tpu.memory_space<vmem>>, vector<16xf32>,
        %parallel_loop3A_837 = arith.constant 0 : i32
        %parallel_loop3A_838 = arith.constant 0 : i32
        %parallel_loop3A_839 = tpu.memref_slice %arg7[%parallel_loop3A_421, %parallel_loop3A_837, %parallel_loop3A_838] : memref<2x64x129xf32, #tpu.memory_space<vmem>> -> memref<1x64x129xf32, #tpu.memory_space<vmem>>
        %parallel_loop3A_840 = tpu.memref_squeeze %parallel_loop3A_839 : memref<1x64x129xf32, #tpu.memory_space<vmem>> -> memref<64x129xf32, #tpu.memory_space<vmem>>
        tpu.vector_store_idx %parallel_loop3A_840[%add3A_15, %parallel_loop3A_796], %parallel_loop3A_836 : memref<64x129xf32, #tpu.memory_space<vmem>>[vector<16xi32>, vector<16xi32>], vector<16xf32>,
      } {sc.loop_unroll_factor = 8 : i64, sc.parallel_access}
      %dma_start3A_422 = arith.constant 0 : i32
      %dma_start3A_423 = arith.constant 0 : i32
      %dma_start3A_424 = arith.constant 0 : i32
      %dma_start3A_425 = arith.constant 0 : i32
      %dma_start3A_426 = arith.constant 0 : i32
      %dma_start3A_427 = tpu.memref_slice %arg7[%dma_start3A_422, %dma_start3A_425, %dma_start3A_426] : memref<2x64x129xf32, #tpu.memory_space<vmem>> -> memref<1x8x128xf32, #tpu.memory_space<vmem>>
      %dma_start3A_428 = tpu.memref_squeeze %dma_start3A_427 : memref<1x8x128xf32, #tpu.memory_space<vmem>> -> memref<8x128xf32, #tpu.memory_space<vmem>>
      %dma_start3A_429 = arith.constant 0 : i32
      %dma_start3A_430 = arith.constant 0 : i32
      %dma_start3A_431 = tpu.memref_slice %arg4[%add3A_391, %dma_start3A_423, %add3A, %dma_start3A_429, %dma_start3A_430] : memref<200x8x32x8x128xf32, #tpu.memory_space<hbm>> -> memref<1x1x1x8x128xf32, #tpu.memory_space<hbm>>
      %dma_start3A_432 = tpu.memref_squeeze %dma_start3A_431 : memref<1x1x1x8x128xf32, #tpu.memory_space<hbm>> -> memref<8x128xf32, #tpu.memory_space<hbm>>
      %dma_start3A_433 = tpu.memref_slice %arg9[%dma_start3A_424] : memref<2x!tpu.dma_semaphore, #tpu.memory_space<semaphore_mem>> -> memref<1x!tpu.dma_semaphore, #tpu.memory_space<semaphore_mem>>
      %dma_start3A_434 = tpu.memref_squeeze %dma_start3A_433 : memref<1x!tpu.dma_semaphore, #tpu.memory_space<semaphore_mem>> -> memref<!tpu.dma_semaphore, #tpu.memory_space<semaphore_mem>>
      %dma_start3A_435 = arith.constant 0 : i32
      %dma_start3A_436 = arith.constant 0 : i32
      %dma_start3A_437 = tpu.memref_slice %arg4[%add3A_391, %dma_start3A_423, %add3A, %dma_start3A_435, %dma_start3A_436] : memref<200x8x32x8x128xf32, #tpu.memory_space<hbm>> -> memref<1x1x1x8x128xf32, #tpu.memory_space<hbm>>
      %dma_start3A_438 = tpu.memref_squeeze %dma_start3A_437 : memref<1x1x1x8x128xf32, #tpu.memory_space<hbm>> -> memref<8x128xf32, #tpu.memory_space<hbm>>
      %dma_start3A_439 = arith.constant 0 : i32
      %dma_start3A_440 = arith.constant 0 : i32
      %dma_start3A_441 = tpu.memref_slice %arg7[%dma_start3A_422, %dma_start3A_439, %dma_start3A_440] : memref<2x64x129xf32, #tpu.memory_space<vmem>> -> memref<1x8x128xf32, #tpu.memory_space<vmem>>
      %dma_start3A_442 = tpu.memref_squeeze %dma_start3A_441 : memref<1x8x128xf32, #tpu.memory_space<vmem>> -> memref<8x128xf32, #tpu.memory_space<vmem>>
      tpu.enqueue_dma source(%dma_start3A_442 : memref<8x128xf32, #tpu.memory_space<vmem>>) target(%dma_start3A_438 : memref<8x128xf32, #tpu.memory_space<hbm>>) target_semaphore(%dma_start3A_434 : memref<!tpu.dma_semaphore, #tpu.memory_space<semaphore_mem>>)
      %dma_start3A_443 = arith.constant 0 : i32
      %dma_start3A_444 = arith.constant 1 : i32
      %dma_start3A_445 = arith.constant 0 : i32
      %dma_start3A_446 = arith.constant 8 : i32
      %dma_start3A_447 = arith.constant 0 : i32
      %dma_start3A_448 = tpu.memref_slice %arg7[%dma_start3A_443, %dma_start3A_446, %dma_start3A_447] : memref<2x64x129xf32, #tpu.memory_space<vmem>> -> memref<1x8x128xf32, #tpu.memory_space<vmem>>
      %dma_start3A_449 = tpu.memref_squeeze %dma_start3A_448 : memref<1x8x128xf32, #tpu.memory_space<vmem>> -> memref<8x128xf32, #tpu.memory_space<vmem>>
      %dma_start3A_450 = arith.constant 0 : i32
      %dma_start3A_451 = arith.constant 0 : i32
      %dma_start3A_452 = tpu.memref_slice %arg4[%add3A_391, %dma_start3A_444, %add3A, %dma_start3A_450, %dma_start3A_451] : memref<200x8x32x8x128xf32, #tpu.memory_space<hbm>> -> memref<1x1x1x8x128xf32, #tpu.memory_space<hbm>>
      %dma_start3A_453 = tpu.memref_squeeze %dma_start3A_452 : memref<1x1x1x8x128xf32, #tpu.memory_space<hbm>> -> memref<8x128xf32, #tpu.memory_space<hbm>>
      %dma_start3A_454 = tpu.memref_slice %arg9[%dma_start3A_445] : memref<2x!tpu.dma_semaphore, #tpu.memory_space<semaphore_mem>> -> memref<1x!tpu.dma_semaphore, #tpu.memory_space<semaphore_mem>>
      %dma_start3A_455 = tpu.memref_squeeze %dma_start3A_454 : memref<1x!tpu.dma_semaphore, #tpu.memory_space<semaphore_mem>> -> memref<!tpu.dma_semaphore, #tpu.memory_space<semaphore_mem>>
      %dma_start3A_456 = arith.constant 0 : i32
      %dma_start3A_457 = arith.constant 0 : i32
      %dma_start3A_458 = tpu.memref_slice %arg4[%add3A_391, %dma_start3A_444, %add3A, %dma_start3A_456, %dma_start3A_457] : memref<200x8x32x8x128xf32, #tpu.memory_space<hbm>> -> memref<1x1x1x8x128xf32, #tpu.memory_space<hbm>>
      %dma_start3A_459 = tpu.memref_squeeze %dma_start3A_458 : memref<1x1x1x8x128xf32, #tpu.memory_space<hbm>> -> memref<8x128xf32, #tpu.memory_space<hbm>>
      %dma_start3A_460 = arith.constant 8 : i32
      %dma_start3A_461 = arith.constant 0 : i32
      %dma_start3A_462 = tpu.memref_slice %arg7[%dma_start3A_443, %dma_start3A_460, %dma_start3A_461] : memref<2x64x129xf32, #tpu.memory_space<vmem>> -> memref<1x8x128xf32, #tpu.memory_space<vmem>>
      %dma_start3A_463 = tpu.memref_squeeze %dma_start3A_462 : memref<1x8x128xf32, #tpu.memory_space<vmem>> -> memref<8x128xf32, #tpu.memory_space<vmem>>
      tpu.enqueue_dma source(%dma_start3A_463 : memref<8x128xf32, #tpu.memory_space<vmem>>) target(%dma_start3A_459 : memref<8x128xf32, #tpu.memory_space<hbm>>) target_semaphore(%dma_start3A_455 : memref<!tpu.dma_semaphore, #tpu.memory_space<semaphore_mem>>)
      %dma_start3A_464 = arith.constant 0 : i32
      %dma_start3A_465 = arith.constant 2 : i32
      %dma_start3A_466 = arith.constant 0 : i32
      %dma_start3A_467 = arith.constant 16 : i32
      %dma_start3A_468 = arith.constant 0 : i32
      %dma_start3A_469 = tpu.memref_slice %arg7[%dma_start3A_464, %dma_start3A_467, %dma_start3A_468] : memref<2x64x129xf32, #tpu.memory_space<vmem>> -> memref<1x8x128xf32, #tpu.memory_space<vmem>>
      %dma_start3A_470 = tpu.memref_squeeze %dma_start3A_469 : memref<1x8x128xf32, #tpu.memory_space<vmem>> -> memref<8x128xf32, #tpu.memory_space<vmem>>
      %dma_start3A_471 = arith.constant 0 : i32
      %dma_start3A_472 = arith.constant 0 : i32
      %dma_start3A_473 = tpu.memref_slice %arg4[%add3A_391, %dma_start3A_465, %add3A, %dma_start3A_471, %dma_start3A_472] : memref<200x8x32x8x128xf32, #tpu.memory_space<hbm>> -> memref<1x1x1x8x128xf32, #tpu.memory_space<hbm>>
      %dma_start3A_474 = tpu.memref_squeeze %dma_start3A_473 : memref<1x1x1x8x128xf32, #tpu.memory_space<hbm>> -> memref<8x128xf32, #tpu.memory_space<hbm>>
      %dma_start3A_475 = tpu.memref_slice %arg9[%dma_start3A_466] : memref<2x!tpu.dma_semaphore, #tpu.memory_space<semaphore_mem>> -> memref<1x!tpu.dma_semaphore, #tpu.memory_space<semaphore_mem>>
      %dma_start3A_476 = tpu.memref_squeeze %dma_start3A_475 : memref<1x!tpu.dma_semaphore, #tpu.memory_space<semaphore_mem>> -> memref<!tpu.dma_semaphore, #tpu.memory_space<semaphore_mem>>
      %dma_start3A_477 = arith.constant 0 : i32
      %dma_start3A_478 = arith.constant 0 : i32
      %dma_start3A_479 = tpu.memref_slice %arg4[%add3A_391, %dma_start3A_465, %add3A, %dma_start3A_477, %dma_start3A_478] : memref<200x8x32x8x128xf32, #tpu.memory_space<hbm>> -> memref<1x1x1x8x128xf32, #tpu.memory_space<hbm>>
      %dma_start3A_480 = tpu.memref_squeeze %dma_start3A_479 : memref<1x1x1x8x128xf32, #tpu.memory_space<hbm>> -> memref<8x128xf32, #tpu.memory_space<hbm>>
      %dma_start3A_481 = arith.constant 16 : i32
      %dma_start3A_482 = arith.constant 0 : i32
      %dma_start3A_483 = tpu.memref_slice %arg7[%dma_start3A_464, %dma_start3A_481, %dma_start3A_482] : memref<2x64x129xf32, #tpu.memory_space<vmem>> -> memref<1x8x128xf32, #tpu.memory_space<vmem>>
      %dma_start3A_484 = tpu.memref_squeeze %dma_start3A_483 : memref<1x8x128xf32, #tpu.memory_space<vmem>> -> memref<8x128xf32, #tpu.memory_space<vmem>>
      tpu.enqueue_dma source(%dma_start3A_484 : memref<8x128xf32, #tpu.memory_space<vmem>>) target(%dma_start3A_480 : memref<8x128xf32, #tpu.memory_space<hbm>>) target_semaphore(%dma_start3A_476 : memref<!tpu.dma_semaphore, #tpu.memory_space<semaphore_mem>>)
      %dma_start3A_485 = arith.constant 0 : i32
      %dma_start3A_486 = arith.constant 3 : i32
      %dma_start3A_487 = arith.constant 0 : i32
      %dma_start3A_488 = arith.constant 24 : i32
      %dma_start3A_489 = arith.constant 0 : i32
      %dma_start3A_490 = tpu.memref_slice %arg7[%dma_start3A_485, %dma_start3A_488, %dma_start3A_489] : memref<2x64x129xf32, #tpu.memory_space<vmem>> -> memref<1x8x128xf32, #tpu.memory_space<vmem>>
      %dma_start3A_491 = tpu.memref_squeeze %dma_start3A_490 : memref<1x8x128xf32, #tpu.memory_space<vmem>> -> memref<8x128xf32, #tpu.memory_space<vmem>>
      %dma_start3A_492 = arith.constant 0 : i32
      %dma_start3A_493 = arith.constant 0 : i32
      %dma_start3A_494 = tpu.memref_slice %arg4[%add3A_391, %dma_start3A_486, %add3A, %dma_start3A_492, %dma_start3A_493] : memref<200x8x32x8x128xf32, #tpu.memory_space<hbm>> -> memref<1x1x1x8x128xf32, #tpu.memory_space<hbm>>
      %dma_start3A_495 = tpu.memref_squeeze %dma_start3A_494 : memref<1x1x1x8x128xf32, #tpu.memory_space<hbm>> -> memref<8x128xf32, #tpu.memory_space<hbm>>
      %dma_start3A_496 = tpu.memref_slice %arg9[%dma_start3A_487] : memref<2x!tpu.dma_semaphore, #tpu.memory_space<semaphore_mem>> -> memref<1x!tpu.dma_semaphore, #tpu.memory_space<semaphore_mem>>
      %dma_start3A_497 = tpu.memref_squeeze %dma_start3A_496 : memref<1x!tpu.dma_semaphore, #tpu.memory_space<semaphore_mem>> -> memref<!tpu.dma_semaphore, #tpu.memory_space<semaphore_mem>>
      %dma_start3A_498 = arith.constant 0 : i32
      %dma_start3A_499 = arith.constant 0 : i32
      %dma_start3A_500 = tpu.memref_slice %arg4[%add3A_391, %dma_start3A_486, %add3A, %dma_start3A_498, %dma_start3A_499] : memref<200x8x32x8x128xf32, #tpu.memory_space<hbm>> -> memref<1x1x1x8x128xf32, #tpu.memory_space<hbm>>
      %dma_start3A_501 = tpu.memref_squeeze %dma_start3A_500 : memref<1x1x1x8x128xf32, #tpu.memory_space<hbm>> -> memref<8x128xf32, #tpu.memory_space<hbm>>
      %dma_start3A_502 = arith.constant 24 : i32
      %dma_start3A_503 = arith.constant 0 : i32
      %dma_start3A_504 = tpu.memref_slice %arg7[%dma_start3A_485, %dma_start3A_502, %dma_start3A_503] : memref<2x64x129xf32, #tpu.memory_space<vmem>> -> memref<1x8x128xf32, #tpu.memory_space<vmem>>
      %dma_start3A_505 = tpu.memref_squeeze %dma_start3A_504 : memref<1x8x128xf32, #tpu.memory_space<vmem>> -> memref<8x128xf32, #tpu.memory_space<vmem>>
      tpu.enqueue_dma source(%dma_start3A_505 : memref<8x128xf32, #tpu.memory_space<vmem>>) target(%dma_start3A_501 : memref<8x128xf32, #tpu.memory_space<hbm>>) target_semaphore(%dma_start3A_497 : memref<!tpu.dma_semaphore, #tpu.memory_space<semaphore_mem>>)
      %dma_start3A_506 = arith.constant 0 : i32
      %dma_start3A_507 = arith.constant 4 : i32
      %dma_start3A_508 = arith.constant 0 : i32
      %dma_start3A_509 = arith.constant 32 : i32
      %dma_start3A_510 = arith.constant 0 : i32
      %dma_start3A_511 = tpu.memref_slice %arg7[%dma_start3A_506, %dma_start3A_509, %dma_start3A_510] : memref<2x64x129xf32, #tpu.memory_space<vmem>> -> memref<1x8x128xf32, #tpu.memory_space<vmem>>
      %dma_start3A_512 = tpu.memref_squeeze %dma_start3A_511 : memref<1x8x128xf32, #tpu.memory_space<vmem>> -> memref<8x128xf32, #tpu.memory_space<vmem>>
      %dma_start3A_513 = arith.constant 0 : i32
      %dma_start3A_514 = arith.constant 0 : i32
      %dma_start3A_515 = tpu.memref_slice %arg4[%add3A_391, %dma_start3A_507, %add3A, %dma_start3A_513, %dma_start3A_514] : memref<200x8x32x8x128xf32, #tpu.memory_space<hbm>> -> memref<1x1x1x8x128xf32, #tpu.memory_space<hbm>>
      %dma_start3A_516 = tpu.memref_squeeze %dma_start3A_515 : memref<1x1x1x8x128xf32, #tpu.memory_space<hbm>> -> memref<8x128xf32, #tpu.memory_space<hbm>>
      %dma_start3A_517 = tpu.memref_slice %arg9[%dma_start3A_508] : memref<2x!tpu.dma_semaphore, #tpu.memory_space<semaphore_mem>> -> memref<1x!tpu.dma_semaphore, #tpu.memory_space<semaphore_mem>>
      %dma_start3A_518 = tpu.memref_squeeze %dma_start3A_517 : memref<1x!tpu.dma_semaphore, #tpu.memory_space<semaphore_mem>> -> memref<!tpu.dma_semaphore, #tpu.memory_space<semaphore_mem>>
      %dma_start3A_519 = arith.constant 0 : i32
      %dma_start3A_520 = arith.constant 0 : i32
      %dma_start3A_521 = tpu.memref_slice %arg4[%add3A_391, %dma_start3A_507, %add3A, %dma_start3A_519, %dma_start3A_520] : memref<200x8x32x8x128xf32, #tpu.memory_space<hbm>> -> memref<1x1x1x8x128xf32, #tpu.memory_space<hbm>>
      %dma_start3A_522 = tpu.memref_squeeze %dma_start3A_521 : memref<1x1x1x8x128xf32, #tpu.memory_space<hbm>> -> memref<8x128xf32, #tpu.memory_space<hbm>>
      %dma_start3A_523 = arith.constant 32 : i32
      %dma_start3A_524 = arith.constant 0 : i32
      %dma_start3A_525 = tpu.memref_slice %arg7[%dma_start3A_506, %dma_start3A_523, %dma_start3A_524] : memref<2x64x129xf32, #tpu.memory_space<vmem>> -> memref<1x8x128xf32, #tpu.memory_space<vmem>>
      %dma_start3A_526 = tpu.memref_squeeze %dma_start3A_525 : memref<1x8x128xf32, #tpu.memory_space<vmem>> -> memref<8x128xf32, #tpu.memory_space<vmem>>
      tpu.enqueue_dma source(%dma_start3A_526 : memref<8x128xf32, #tpu.memory_space<vmem>>) target(%dma_start3A_522 : memref<8x128xf32, #tpu.memory_space<hbm>>) target_semaphore(%dma_start3A_518 : memref<!tpu.dma_semaphore, #tpu.memory_space<semaphore_mem>>)
      %dma_start3A_527 = arith.constant 0 : i32
      %dma_start3A_528 = arith.constant 5 : i32
      %dma_start3A_529 = arith.constant 0 : i32
      %dma_start3A_530 = arith.constant 40 : i32
      %dma_start3A_531 = arith.constant 0 : i32
      %dma_start3A_532 = tpu.memref_slice %arg7[%dma_start3A_527, %dma_start3A_530, %dma_start3A_531] : memref<2x64x129xf32, #tpu.memory_space<vmem>> -> memref<1x8x128xf32, #tpu.memory_space<vmem>>
      %dma_start3A_533 = tpu.memref_squeeze %dma_start3A_532 : memref<1x8x128xf32, #tpu.memory_space<vmem>> -> memref<8x128xf32, #tpu.memory_space<vmem>>
      %dma_start3A_534 = arith.constant 0 : i32
      %dma_start3A_535 = arith.constant 0 : i32
      %dma_start3A_536 = tpu.memref_slice %arg4[%add3A_391, %dma_start3A_528, %add3A, %dma_start3A_534, %dma_start3A_535] : memref<200x8x32x8x128xf32, #tpu.memory_space<hbm>> -> memref<1x1x1x8x128xf32, #tpu.memory_space<hbm>>
      %dma_start3A_537 = tpu.memref_squeeze %dma_start3A_536 : memref<1x1x1x8x128xf32, #tpu.memory_space<hbm>> -> memref<8x128xf32, #tpu.memory_space<hbm>>
      %dma_start3A_538 = tpu.memref_slice %arg9[%dma_start3A_529] : memref<2x!tpu.dma_semaphore, #tpu.memory_space<semaphore_mem>> -> memref<1x!tpu.dma_semaphore, #tpu.memory_space<semaphore_mem>>
      %dma_start3A_539 = tpu.memref_squeeze %dma_start3A_538 : memref<1x!tpu.dma_semaphore, #tpu.memory_space<semaphore_mem>> -> memref<!tpu.dma_semaphore, #tpu.memory_space<semaphore_mem>>
      %dma_start3A_540 = arith.constant 0 : i32
      %dma_start3A_541 = arith.constant 0 : i32
      %dma_start3A_542 = tpu.memref_slice %arg4[%add3A_391, %dma_start3A_528, %add3A, %dma_start3A_540, %dma_start3A_541] : memref<200x8x32x8x128xf32, #tpu.memory_space<hbm>> -> memref<1x1x1x8x128xf32, #tpu.memory_space<hbm>>
      %dma_start3A_543 = tpu.memref_squeeze %dma_start3A_542 : memref<1x1x1x8x128xf32, #tpu.memory_space<hbm>> -> memref<8x128xf32, #tpu.memory_space<hbm>>
      %dma_start3A_544 = arith.constant 40 : i32
      %dma_start3A_545 = arith.constant 0 : i32
      %dma_start3A_546 = tpu.memref_slice %arg7[%dma_start3A_527, %dma_start3A_544, %dma_start3A_545] : memref<2x64x129xf32, #tpu.memory_space<vmem>> -> memref<1x8x128xf32, #tpu.memory_space<vmem>>
      %dma_start3A_547 = tpu.memref_squeeze %dma_start3A_546 : memref<1x8x128xf32, #tpu.memory_space<vmem>> -> memref<8x128xf32, #tpu.memory_space<vmem>>
      tpu.enqueue_dma source(%dma_start3A_547 : memref<8x128xf32, #tpu.memory_space<vmem>>) target(%dma_start3A_543 : memref<8x128xf32, #tpu.memory_space<hbm>>) target_semaphore(%dma_start3A_539 : memref<!tpu.dma_semaphore, #tpu.memory_space<semaphore_mem>>)
      %dma_start3A_548 = arith.constant 0 : i32
      %dma_start3A_549 = arith.constant 6 : i32
      %dma_start3A_550 = arith.constant 0 : i32
      %dma_start3A_551 = arith.constant 48 : i32
      %dma_start3A_552 = arith.constant 0 : i32
      %dma_start3A_553 = tpu.memref_slice %arg7[%dma_start3A_548, %dma_start3A_551, %dma_start3A_552] : memref<2x64x129xf32, #tpu.memory_space<vmem>> -> memref<1x8x128xf32, #tpu.memory_space<vmem>>
      %dma_start3A_554 = tpu.memref_squeeze %dma_start3A_553 : memref<1x8x128xf32, #tpu.memory_space<vmem>> -> memref<8x128xf32, #tpu.memory_space<vmem>>
      %dma_start3A_555 = arith.constant 0 : i32
      %dma_start3A_556 = arith.constant 0 : i32
      %dma_start3A_557 = tpu.memref_slice %arg4[%add3A_391, %dma_start3A_549, %add3A, %dma_start3A_555, %dma_start3A_556] : memref<200x8x32x8x128xf32, #tpu.memory_space<hbm>> -> memref<1x1x1x8x128xf32, #tpu.memory_space<hbm>>
      %dma_start3A_558 = tpu.memref_squeeze %dma_start3A_557 : memref<1x1x1x8x128xf32, #tpu.memory_space<hbm>> -> memref<8x128xf32, #tpu.memory_space<hbm>>
      %dma_start3A_559 = tpu.memref_slice %arg9[%dma_start3A_550] : memref<2x!tpu.dma_semaphore, #tpu.memory_space<semaphore_mem>> -> memref<1x!tpu.dma_semaphore, #tpu.memory_space<semaphore_mem>>
      %dma_start3A_560 = tpu.memref_squeeze %dma_start3A_559 : memref<1x!tpu.dma_semaphore, #tpu.memory_space<semaphore_mem>> -> memref<!tpu.dma_semaphore, #tpu.memory_space<semaphore_mem>>
      %dma_start3A_561 = arith.constant 0 : i32
      %dma_start3A_562 = arith.constant 0 : i32
      %dma_start3A_563 = tpu.memref_slice %arg4[%add3A_391, %dma_start3A_549, %add3A, %dma_start3A_561, %dma_start3A_562] : memref<200x8x32x8x128xf32, #tpu.memory_space<hbm>> -> memref<1x1x1x8x128xf32, #tpu.memory_space<hbm>>
      %dma_start3A_564 = tpu.memref_squeeze %dma_start3A_563 : memref<1x1x1x8x128xf32, #tpu.memory_space<hbm>> -> memref<8x128xf32, #tpu.memory_space<hbm>>
      %dma_start3A_565 = arith.constant 48 : i32
      %dma_start3A_566 = arith.constant 0 : i32
      %dma_start3A_567 = tpu.memref_slice %arg7[%dma_start3A_548, %dma_start3A_565, %dma_start3A_566] : memref<2x64x129xf32, #tpu.memory_space<vmem>> -> memref<1x8x128xf32, #tpu.memory_space<vmem>>
      %dma_start3A_568 = tpu.memref_squeeze %dma_start3A_567 : memref<1x8x128xf32, #tpu.memory_space<vmem>> -> memref<8x128xf32, #tpu.memory_space<vmem>>
      tpu.enqueue_dma source(%dma_start3A_568 : memref<8x128xf32, #tpu.memory_space<vmem>>) target(%dma_start3A_564 : memref<8x128xf32, #tpu.memory_space<hbm>>) target_semaphore(%dma_start3A_560 : memref<!tpu.dma_semaphore, #tpu.memory_space<semaphore_mem>>)
      %dma_start3A_569 = arith.constant 0 : i32
      %dma_start3A_570 = arith.constant 7 : i32
      %dma_start3A_571 = arith.constant 0 : i32
      %dma_start3A_572 = arith.constant 56 : i32
      %dma_start3A_573 = arith.constant 0 : i32
      %dma_start3A_574 = tpu.memref_slice %arg7[%dma_start3A_569, %dma_start3A_572, %dma_start3A_573] : memref<2x64x129xf32, #tpu.memory_space<vmem>> -> memref<1x8x128xf32, #tpu.memory_space<vmem>>
      %dma_start3A_575 = tpu.memref_squeeze %dma_start3A_574 : memref<1x8x128xf32, #tpu.memory_space<vmem>> -> memref<8x128xf32, #tpu.memory_space<vmem>>
      %dma_start3A_576 = arith.constant 0 : i32
      %dma_start3A_577 = arith.constant 0 : i32
      %dma_start3A_578 = tpu.memref_slice %arg4[%add3A_391, %dma_start3A_570, %add3A, %dma_start3A_576, %dma_start3A_577] : memref<200x8x32x8x128xf32, #tpu.memory_space<hbm>> -> memref<1x1x1x8x128xf32, #tpu.memory_space<hbm>>
      %dma_start3A_579 = tpu.memref_squeeze %dma_start3A_578 : memref<1x1x1x8x128xf32, #tpu.memory_space<hbm>> -> memref<8x128xf32, #tpu.memory_space<hbm>>
      %dma_start3A_580 = tpu.memref_slice %arg9[%dma_start3A_571] : memref<2x!tpu.dma_semaphore, #tpu.memory_space<semaphore_mem>> -> memref<1x!tpu.dma_semaphore, #tpu.memory_space<semaphore_mem>>
      %dma_start3A_581 = tpu.memref_squeeze %dma_start3A_580 : memref<1x!tpu.dma_semaphore, #tpu.memory_space<semaphore_mem>> -> memref<!tpu.dma_semaphore, #tpu.memory_space<semaphore_mem>>
      %dma_start3A_582 = arith.constant 0 : i32
      %dma_start3A_583 = arith.constant 0 : i32
      %dma_start3A_584 = tpu.memref_slice %arg4[%add3A_391, %dma_start3A_570, %add3A, %dma_start3A_582, %dma_start3A_583] : memref<200x8x32x8x128xf32, #tpu.memory_space<hbm>> -> memref<1x1x1x8x128xf32, #tpu.memory_space<hbm>>
      %dma_start3A_585 = tpu.memref_squeeze %dma_start3A_584 : memref<1x1x1x8x128xf32, #tpu.memory_space<hbm>> -> memref<8x128xf32, #tpu.memory_space<hbm>>
      %dma_start3A_586 = arith.constant 56 : i32
      %dma_start3A_587 = arith.constant 0 : i32
      %dma_start3A_588 = tpu.memref_slice %arg7[%dma_start3A_569, %dma_start3A_586, %dma_start3A_587] : memref<2x64x129xf32, #tpu.memory_space<vmem>> -> memref<1x8x128xf32, #tpu.memory_space<vmem>>
      %dma_start3A_589 = tpu.memref_squeeze %dma_start3A_588 : memref<1x8x128xf32, #tpu.memory_space<vmem>> -> memref<8x128xf32, #tpu.memory_space<vmem>>
      tpu.enqueue_dma source(%dma_start3A_589 : memref<8x128xf32, #tpu.memory_space<vmem>>) target(%dma_start3A_585 : memref<8x128xf32, #tpu.memory_space<hbm>>) target_semaphore(%dma_start3A_581 : memref<!tpu.dma_semaphore, #tpu.memory_space<semaphore_mem>>)
      %add3A_590 = arith.constant 1 : i32
      %add3A_591 = arith.addi %add3A_389, %add3A_590 : i32
      %add3A_592 = arith.constant 1 : i32
      %add3A_593 = arith.addi %add3A_591, %add3A_592 : i32
      %lt3A_594 = arith.constant 200 : i32
      %lt3A_595 = arith.cmpi slt, %add3A_593, %lt3A_594 : i32
      %convert_element_type3A_596 = arith.extui %lt3A_595 : i1 to i32
      %cond3A_597 = arith.constant 0 : i32
      %cond3A_598 = arith.cmpi ne, %convert_element_type3A_596, %cond3A_597 : i32
      scf.if %cond3A_598 {
        %add3A_795 = arith.constant 1 : i32
        %add3A_796 = arith.addi %add3A_591, %add3A_795 : i32
        %dma_start3A_797 = arith.constant 0 : i32
        %dma_start3A_798 = arith.constant 0 : i32
        %dma_start3A_799 = arith.constant 0 : i32
        %dma_start3A_800 = arith.constant 0 : i32
        %dma_start3A_801 = tpu.memref_slice %arg6[%dma_start3A_797, %dma_start3A_799, %dma_start3A_800] : memref<2x128x64xf32, #tpu.memory_space<vmem>> -> memref<1x128x64xf32, #tpu.memory_space<vmem>>
        %dma_start3A_802 = tpu.memref_squeeze %dma_start3A_801 : memref<1x128x64xf32, #tpu.memory_space<vmem>> -> memref<128x64xf32, #tpu.memory_space<vmem>>
        %dma_start3A_803 = arith.constant 0 : i32
        %dma_start3A_804 = tpu.memref_slice %arg5[%add3A_796, %dma_start3A_803] : memref<200x128xi32, #tpu.memory_space<vmem>> -> memref<1x128xi32, #tpu.memory_space<vmem>>
        %dma_start3A_805 = tpu.memref_squeeze %dma_start3A_804 : memref<1x128xi32, #tpu.memory_space<vmem>> -> memref<128xi32, #tpu.memory_space<vmem>>
        %dma_start3A_806 = arith.constant 0 : i32
        %dma_start3A_807 = arith.constant 0 : i32
        %dma_start3A_808 = tpu.memref_slice %arg3[%dma_start3A_806, %dma_start3A_807] : memref<1000000x64xf32, #tpu.memory_space<hbm>> -> memref<1000000x64xf32, #tpu.memory_space<hbm>>
        %dma_start3A_809 = tpu.memref_slice %arg8[%dma_start3A_798] : memref<2x!tpu.dma_semaphore, #tpu.memory_space<semaphore_mem>> -> memref<1x!tpu.dma_semaphore, #tpu.memory_space<semaphore_mem>>
        %dma_start3A_810 = tpu.memref_squeeze %dma_start3A_809 : memref<1x!tpu.dma_semaphore, #tpu.memory_space<semaphore_mem>> -> memref<!tpu.dma_semaphore, #tpu.memory_space<semaphore_mem>>
        tpu.enqueue_indirect_dma source(%dma_start3A_808 : memref<1000000x64xf32, #tpu.memory_space<hbm>>) target(%dma_start3A_802 : memref<128x64xf32, #tpu.memory_space<vmem>>) offsets(%dma_start3A_805 : memref<128xi32, #tpu.memory_space<vmem>>) semaphore(%dma_start3A_810 : memref<!tpu.dma_semaphore, #tpu.memory_space<semaphore_mem>>)
      } else {
      }
      %dma_wait3A_599 = arith.constant 1 : i32
      %dma_wait3A_600 = arith.constant 1 : i32
      %dma_wait3A_601 = arith.constant 0 : i32
      %dma_wait3A_602 = arith.constant 0 : i32
      %dma_wait3A_603 = tpu.memref_slice %arg6[%dma_wait3A_599, %dma_wait3A_601, %dma_wait3A_602] : memref<2x128x64xf32, #tpu.memory_space<vmem>> -> memref<1x128x64xf32, #tpu.memory_space<vmem>>
      %dma_wait3A_604 = tpu.memref_squeeze %dma_wait3A_603 : memref<1x128x64xf32, #tpu.memory_space<vmem>> -> memref<128x64xf32, #tpu.memory_space<vmem>>
      %dma_wait3A_605 = arith.constant 0 : i32
      %dma_wait3A_606 = arith.constant 0 : i32
      %dma_wait3A_607 = tpu.memref_slice %arg3[%dma_wait3A_605, %dma_wait3A_606] : memref<1000000x64xf32, #tpu.memory_space<hbm>> -> memref<128x64xf32, #tpu.memory_space<hbm>>
      %dma_wait3A_608 = tpu.memref_slice %arg8[%dma_wait3A_600] : memref<2x!tpu.dma_semaphore, #tpu.memory_space<semaphore_mem>> -> memref<1x!tpu.dma_semaphore, #tpu.memory_space<semaphore_mem>>
      %dma_wait3A_609 = tpu.memref_squeeze %dma_wait3A_608 : memref<1x!tpu.dma_semaphore, #tpu.memory_space<semaphore_mem>> -> memref<!tpu.dma_semaphore, #tpu.memory_space<semaphore_mem>>
      %dma_wait3A_610 = arith.constant 0 : i32
      %dma_wait3A_611 = arith.constant 0 : i32
      %dma_wait3A_612 = tpu.memref_slice %arg6[%dma_wait3A_599, %dma_wait3A_610, %dma_wait3A_611] : memref<2x128x64xf32, #tpu.memory_space<vmem>> -> memref<1x128x64xf32, #tpu.memory_space<vmem>>
      %dma_wait3A_613 = tpu.memref_squeeze %dma_wait3A_612 : memref<1x128x64xf32, #tpu.memory_space<vmem>> -> memref<128x64xf32, #tpu.memory_space<vmem>>
      %dma_wait3A_614 = arith.constant 0 : i32
      %dma_wait3A_615 = arith.constant 0 : i32
      %dma_wait3A_616 = tpu.memref_slice %arg3[%dma_wait3A_614, %dma_wait3A_615] : memref<1000000x64xf32, #tpu.memory_space<hbm>> -> memref<128x64xf32, #tpu.memory_space<hbm>>
      tpu.wait_dma2 semaphore(%dma_wait3A_609 : memref<!tpu.dma_semaphore, #tpu.memory_space<semaphore_mem>>) src(%dma_wait3A_616 : memref<128x64xf32, #tpu.memory_space<hbm>>) dst(%dma_wait3A_613 : memref<128x64xf32, #tpu.memory_space<vmem>>)
      %ge3A_617 = arith.constant 2 : i32
      %ge3A_618 = arith.cmpi sge, %add3A_591, %ge3A_617 : i32
      %convert_element_type3A_619 = arith.extui %ge3A_618 : i1 to i32
      %cond3A_620 = arith.constant 0 : i32
      %cond3A_621 = arith.cmpi ne, %convert_element_type3A_619, %cond3A_620 : i32
      scf.if %cond3A_621 {
        %dma_wait3A_795 = arith.constant 1 : i32
        %dma_wait3A_796 = arith.constant 0 : i32
        %dma_wait3A_797 = arith.constant 0 : i32
        %dma_wait3A_798 = arith.constant 1 : i32
        %dma_wait3A_799 = arith.constant 0 : i32
        %dma_wait3A_800 = arith.constant 0 : i32
        %dma_wait3A_801 = tpu.memref_slice %arg7[%dma_wait3A_795, %dma_wait3A_799, %dma_wait3A_800] : memref<2x64x129xf32, #tpu.memory_space<vmem>> -> memref<1x8x128xf32, #tpu.memory_space<vmem>>
        %dma_wait3A_802 = tpu.memref_squeeze %dma_wait3A_801 : memref<1x8x128xf32, #tpu.memory_space<vmem>> -> memref<8x128xf32, #tpu.memory_space<vmem>>
        %dma_wait3A_803 = arith.constant 0 : i32
        %dma_wait3A_804 = arith.constant 0 : i32
        %dma_wait3A_805 = tpu.memref_slice %arg4[%dma_wait3A_796, %dma_wait3A_797, %add3A, %dma_wait3A_803, %dma_wait3A_804] : memref<200x8x32x8x128xf32, #tpu.memory_space<hbm>> -> memref<1x1x1x8x128xf32, #tpu.memory_space<hbm>>
        %dma_wait3A_806 = tpu.memref_squeeze %dma_wait3A_805 : memref<1x1x1x8x128xf32, #tpu.memory_space<hbm>> -> memref<8x128xf32, #tpu.memory_space<hbm>>
        %dma_wait3A_807 = tpu.memref_slice %arg9[%dma_wait3A_798] : memref<2x!tpu.dma_semaphore, #tpu.memory_space<semaphore_mem>> -> memref<1x!tpu.dma_semaphore, #tpu.memory_space<semaphore_mem>>
        %dma_wait3A_808 = tpu.memref_squeeze %dma_wait3A_807 : memref<1x!tpu.dma_semaphore, #tpu.memory_space<semaphore_mem>> -> memref<!tpu.dma_semaphore, #tpu.memory_space<semaphore_mem>>
        %dma_wait3A_809 = arith.constant 0 : i32
        %dma_wait3A_810 = arith.constant 0 : i32
        %dma_wait3A_811 = tpu.memref_slice %arg4[%dma_wait3A_796, %dma_wait3A_797, %add3A, %dma_wait3A_809, %dma_wait3A_810] : memref<200x8x32x8x128xf32, #tpu.memory_space<hbm>> -> memref<1x1x1x8x128xf32, #tpu.memory_space<hbm>>
        %dma_wait3A_812 = tpu.memref_squeeze %dma_wait3A_811 : memref<1x1x1x8x128xf32, #tpu.memory_space<hbm>> -> memref<8x128xf32, #tpu.memory_space<hbm>>
        %dma_wait3A_813 = arith.constant 0 : i32
        %dma_wait3A_814 = arith.constant 0 : i32
        %dma_wait3A_815 = tpu.memref_slice %arg7[%dma_wait3A_795, %dma_wait3A_813, %dma_wait3A_814] : memref<2x64x129xf32, #tpu.memory_space<vmem>> -> memref<1x8x128xf32, #tpu.memory_space<vmem>>
        %dma_wait3A_816 = tpu.memref_squeeze %dma_wait3A_815 : memref<1x8x128xf32, #tpu.memory_space<vmem>> -> memref<8x128xf32, #tpu.memory_space<vmem>>
        tpu.wait_dma2 semaphore(%dma_wait3A_808 : memref<!tpu.dma_semaphore, #tpu.memory_space<semaphore_mem>>) src(%dma_wait3A_816 : memref<8x128xf32, #tpu.memory_space<vmem>>) dst(%dma_wait3A_812 : memref<8x128xf32, #tpu.memory_space<hbm>>)
        %dma_wait3A_817 = arith.constant 1 : i32
        %dma_wait3A_818 = arith.constant 0 : i32
        %dma_wait3A_819 = arith.constant 1 : i32
        %dma_wait3A_820 = arith.constant 1 : i32
        %dma_wait3A_821 = arith.constant 8 : i32
        %dma_wait3A_822 = arith.constant 0 : i32
        %dma_wait3A_823 = tpu.memref_slice %arg7[%dma_wait3A_817, %dma_wait3A_821, %dma_wait3A_822] : memref<2x64x129xf32, #tpu.memory_space<vmem>> -> memref<1x8x128xf32, #tpu.memory_space<vmem>>
        %dma_wait3A_824 = tpu.memref_squeeze %dma_wait3A_823 : memref<1x8x128xf32, #tpu.memory_space<vmem>> -> memref<8x128xf32, #tpu.memory_space<vmem>>
        %dma_wait3A_825 = arith.constant 0 : i32
        %dma_wait3A_826 = arith.constant 0 : i32
        %dma_wait3A_827 = tpu.memref_slice %arg4[%dma_wait3A_818, %dma_wait3A_819, %add3A, %dma_wait3A_825, %dma_wait3A_826] : memref<200x8x32x8x128xf32, #tpu.memory_space<hbm>> -> memref<1x1x1x8x128xf32, #tpu.memory_space<hbm>>
        %dma_wait3A_828 = tpu.memref_squeeze %dma_wait3A_827 : memref<1x1x1x8x128xf32, #tpu.memory_space<hbm>> -> memref<8x128xf32, #tpu.memory_space<hbm>>
        %dma_wait3A_829 = tpu.memref_slice %arg9[%dma_wait3A_820] : memref<2x!tpu.dma_semaphore, #tpu.memory_space<semaphore_mem>> -> memref<1x!tpu.dma_semaphore, #tpu.memory_space<semaphore_mem>>
        %dma_wait3A_830 = tpu.memref_squeeze %dma_wait3A_829 : memref<1x!tpu.dma_semaphore, #tpu.memory_space<semaphore_mem>> -> memref<!tpu.dma_semaphore, #tpu.memory_space<semaphore_mem>>
        %dma_wait3A_831 = arith.constant 0 : i32
        %dma_wait3A_832 = arith.constant 0 : i32
        %dma_wait3A_833 = tpu.memref_slice %arg4[%dma_wait3A_818, %dma_wait3A_819, %add3A, %dma_wait3A_831, %dma_wait3A_832] : memref<200x8x32x8x128xf32, #tpu.memory_space<hbm>> -> memref<1x1x1x8x128xf32, #tpu.memory_space<hbm>>
        %dma_wait3A_834 = tpu.memref_squeeze %dma_wait3A_833 : memref<1x1x1x8x128xf32, #tpu.memory_space<hbm>> -> memref<8x128xf32, #tpu.memory_space<hbm>>
        %dma_wait3A_835 = arith.constant 8 : i32
        %dma_wait3A_836 = arith.constant 0 : i32
        %dma_wait3A_837 = tpu.memref_slice %arg7[%dma_wait3A_817, %dma_wait3A_835, %dma_wait3A_836] : memref<2x64x129xf32, #tpu.memory_space<vmem>> -> memref<1x8x128xf32, #tpu.memory_space<vmem>>
        %dma_wait3A_838 = tpu.memref_squeeze %dma_wait3A_837 : memref<1x8x128xf32, #tpu.memory_space<vmem>> -> memref<8x128xf32, #tpu.memory_space<vmem>>
        tpu.wait_dma2 semaphore(%dma_wait3A_830 : memref<!tpu.dma_semaphore, #tpu.memory_space<semaphore_mem>>) src(%dma_wait3A_838 : memref<8x128xf32, #tpu.memory_space<vmem>>) dst(%dma_wait3A_834 : memref<8x128xf32, #tpu.memory_space<hbm>>)
        %dma_wait3A_839 = arith.constant 1 : i32
        %dma_wait3A_840 = arith.constant 0 : i32
        %dma_wait3A_841 = arith.constant 2 : i32
        %dma_wait3A_842 = arith.constant 1 : i32
        %dma_wait3A_843 = arith.constant 16 : i32
        %dma_wait3A_844 = arith.constant 0 : i32
        %dma_wait3A_845 = tpu.memref_slice %arg7[%dma_wait3A_839, %dma_wait3A_843, %dma_wait3A_844] : memref<2x64x129xf32, #tpu.memory_space<vmem>> -> memref<1x8x128xf32, #tpu.memory_space<vmem>>
        %dma_wait3A_846 = tpu.memref_squeeze %dma_wait3A_845 : memref<1x8x128xf32, #tpu.memory_space<vmem>> -> memref<8x128xf32, #tpu.memory_space<vmem>>
        %dma_wait3A_847 = arith.constant 0 : i32
        %dma_wait3A_848 = arith.constant 0 : i32
        %dma_wait3A_849 = tpu.memref_slice %arg4[%dma_wait3A_840, %dma_wait3A_841, %add3A, %dma_wait3A_847, %dma_wait3A_848] : memref<200x8x32x8x128xf32, #tpu.memory_space<hbm>> -> memref<1x1x1x8x128xf32, #tpu.memory_space<hbm>>
        %dma_wait3A_850 = tpu.memref_squeeze %dma_wait3A_849 : memref<1x1x1x8x128xf32, #tpu.memory_space<hbm>> -> memref<8x128xf32, #tpu.memory_space<hbm>>
        %dma_wait3A_851 = tpu.memref_slice %arg9[%dma_wait3A_842] : memref<2x!tpu.dma_semaphore, #tpu.memory_space<semaphore_mem>> -> memref<1x!tpu.dma_semaphore, #tpu.memory_space<semaphore_mem>>
        %dma_wait3A_852 = tpu.memref_squeeze %dma_wait3A_851 : memref<1x!tpu.dma_semaphore, #tpu.memory_space<semaphore_mem>> -> memref<!tpu.dma_semaphore, #tpu.memory_space<semaphore_mem>>
        %dma_wait3A_853 = arith.constant 0 : i32
        %dma_wait3A_854 = arith.constant 0 : i32
        %dma_wait3A_855 = tpu.memref_slice %arg4[%dma_wait3A_840, %dma_wait3A_841, %add3A, %dma_wait3A_853, %dma_wait3A_854] : memref<200x8x32x8x128xf32, #tpu.memory_space<hbm>> -> memref<1x1x1x8x128xf32, #tpu.memory_space<hbm>>
        %dma_wait3A_856 = tpu.memref_squeeze %dma_wait3A_855 : memref<1x1x1x8x128xf32, #tpu.memory_space<hbm>> -> memref<8x128xf32, #tpu.memory_space<hbm>>
        %dma_wait3A_857 = arith.constant 16 : i32
        %dma_wait3A_858 = arith.constant 0 : i32
        %dma_wait3A_859 = tpu.memref_slice %arg7[%dma_wait3A_839, %dma_wait3A_857, %dma_wait3A_858] : memref<2x64x129xf32, #tpu.memory_space<vmem>> -> memref<1x8x128xf32, #tpu.memory_space<vmem>>
        %dma_wait3A_860 = tpu.memref_squeeze %dma_wait3A_859 : memref<1x8x128xf32, #tpu.memory_space<vmem>> -> memref<8x128xf32, #tpu.memory_space<vmem>>
        tpu.wait_dma2 semaphore(%dma_wait3A_852 : memref<!tpu.dma_semaphore, #tpu.memory_space<semaphore_mem>>) src(%dma_wait3A_860 : memref<8x128xf32, #tpu.memory_space<vmem>>) dst(%dma_wait3A_856 : memref<8x128xf32, #tpu.memory_space<hbm>>)
        %dma_wait3A_861 = arith.constant 1 : i32
        %dma_wait3A_862 = arith.constant 0 : i32
        %dma_wait3A_863 = arith.constant 3 : i32
        %dma_wait3A_864 = arith.constant 1 : i32
        %dma_wait3A_865 = arith.constant 24 : i32
        %dma_wait3A_866 = arith.constant 0 : i32
        %dma_wait3A_867 = tpu.memref_slice %arg7[%dma_wait3A_861, %dma_wait3A_865, %dma_wait3A_866] : memref<2x64x129xf32, #tpu.memory_space<vmem>> -> memref<1x8x128xf32, #tpu.memory_space<vmem>>
        %dma_wait3A_868 = tpu.memref_squeeze %dma_wait3A_867 : memref<1x8x128xf32, #tpu.memory_space<vmem>> -> memref<8x128xf32, #tpu.memory_space<vmem>>
        %dma_wait3A_869 = arith.constant 0 : i32
        %dma_wait3A_870 = arith.constant 0 : i32
        %dma_wait3A_871 = tpu.memref_slice %arg4[%dma_wait3A_862, %dma_wait3A_863, %add3A, %dma_wait3A_869, %dma_wait3A_870] : memref<200x8x32x8x128xf32, #tpu.memory_space<hbm>> -> memref<1x1x1x8x128xf32, #tpu.memory_space<hbm>>
        %dma_wait3A_872 = tpu.memref_squeeze %dma_wait3A_871 : memref<1x1x1x8x128xf32, #tpu.memory_space<hbm>> -> memref<8x128xf32, #tpu.memory_space<hbm>>
        %dma_wait3A_873 = tpu.memref_slice %arg9[%dma_wait3A_864] : memref<2x!tpu.dma_semaphore, #tpu.memory_space<semaphore_mem>> -> memref<1x!tpu.dma_semaphore, #tpu.memory_space<semaphore_mem>>
        %dma_wait3A_874 = tpu.memref_squeeze %dma_wait3A_873 : memref<1x!tpu.dma_semaphore, #tpu.memory_space<semaphore_mem>> -> memref<!tpu.dma_semaphore, #tpu.memory_space<semaphore_mem>>
        %dma_wait3A_875 = arith.constant 0 : i32
        %dma_wait3A_876 = arith.constant 0 : i32
        %dma_wait3A_877 = tpu.memref_slice %arg4[%dma_wait3A_862, %dma_wait3A_863, %add3A, %dma_wait3A_875, %dma_wait3A_876] : memref<200x8x32x8x128xf32, #tpu.memory_space<hbm>> -> memref<1x1x1x8x128xf32, #tpu.memory_space<hbm>>
        %dma_wait3A_878 = tpu.memref_squeeze %dma_wait3A_877 : memref<1x1x1x8x128xf32, #tpu.memory_space<hbm>> -> memref<8x128xf32, #tpu.memory_space<hbm>>
        %dma_wait3A_879 = arith.constant 24 : i32
        %dma_wait3A_880 = arith.constant 0 : i32
        %dma_wait3A_881 = tpu.memref_slice %arg7[%dma_wait3A_861, %dma_wait3A_879, %dma_wait3A_880] : memref<2x64x129xf32, #tpu.memory_space<vmem>> -> memref<1x8x128xf32, #tpu.memory_space<vmem>>
        %dma_wait3A_882 = tpu.memref_squeeze %dma_wait3A_881 : memref<1x8x128xf32, #tpu.memory_space<vmem>> -> memref<8x128xf32, #tpu.memory_space<vmem>>
        tpu.wait_dma2 semaphore(%dma_wait3A_874 : memref<!tpu.dma_semaphore, #tpu.memory_space<semaphore_mem>>) src(%dma_wait3A_882 : memref<8x128xf32, #tpu.memory_space<vmem>>) dst(%dma_wait3A_878 : memref<8x128xf32, #tpu.memory_space<hbm>>)
        %dma_wait3A_883 = arith.constant 1 : i32
        %dma_wait3A_884 = arith.constant 0 : i32
        %dma_wait3A_885 = arith.constant 4 : i32
        %dma_wait3A_886 = arith.constant 1 : i32
        %dma_wait3A_887 = arith.constant 32 : i32
        %dma_wait3A_888 = arith.constant 0 : i32
        %dma_wait3A_889 = tpu.memref_slice %arg7[%dma_wait3A_883, %dma_wait3A_887, %dma_wait3A_888] : memref<2x64x129xf32, #tpu.memory_space<vmem>> -> memref<1x8x128xf32, #tpu.memory_space<vmem>>
        %dma_wait3A_890 = tpu.memref_squeeze %dma_wait3A_889 : memref<1x8x128xf32, #tpu.memory_space<vmem>> -> memref<8x128xf32, #tpu.memory_space<vmem>>
        %dma_wait3A_891 = arith.constant 0 : i32
        %dma_wait3A_892 = arith.constant 0 : i32
        %dma_wait3A_893 = tpu.memref_slice %arg4[%dma_wait3A_884, %dma_wait3A_885, %add3A, %dma_wait3A_891, %dma_wait3A_892] : memref<200x8x32x8x128xf32, #tpu.memory_space<hbm>> -> memref<1x1x1x8x128xf32, #tpu.memory_space<hbm>>
        %dma_wait3A_894 = tpu.memref_squeeze %dma_wait3A_893 : memref<1x1x1x8x128xf32, #tpu.memory_space<hbm>> -> memref<8x128xf32, #tpu.memory_space<hbm>>
        %dma_wait3A_895 = tpu.memref_slice %arg9[%dma_wait3A_886] : memref<2x!tpu.dma_semaphore, #tpu.memory_space<semaphore_mem>> -> memref<1x!tpu.dma_semaphore, #tpu.memory_space<semaphore_mem>>
        %dma_wait3A_896 = tpu.memref_squeeze %dma_wait3A_895 : memref<1x!tpu.dma_semaphore, #tpu.memory_space<semaphore_mem>> -> memref<!tpu.dma_semaphore, #tpu.memory_space<semaphore_mem>>
        %dma_wait3A_897 = arith.constant 0 : i32
        %dma_wait3A_898 = arith.constant 0 : i32
        %dma_wait3A_899 = tpu.memref_slice %arg4[%dma_wait3A_884, %dma_wait3A_885, %add3A, %dma_wait3A_897, %dma_wait3A_898] : memref<200x8x32x8x128xf32, #tpu.memory_space<hbm>> -> memref<1x1x1x8x128xf32, #tpu.memory_space<hbm>>
        %dma_wait3A_900 = tpu.memref_squeeze %dma_wait3A_899 : memref<1x1x1x8x128xf32, #tpu.memory_space<hbm>> -> memref<8x128xf32, #tpu.memory_space<hbm>>
        %dma_wait3A_901 = arith.constant 32 : i32
        %dma_wait3A_902 = arith.constant 0 : i32
        %dma_wait3A_903 = tpu.memref_slice %arg7[%dma_wait3A_883, %dma_wait3A_901, %dma_wait3A_902] : memref<2x64x129xf32, #tpu.memory_space<vmem>> -> memref<1x8x128xf32, #tpu.memory_space<vmem>>
        %dma_wait3A_904 = tpu.memref_squeeze %dma_wait3A_903 : memref<1x8x128xf32, #tpu.memory_space<vmem>> -> memref<8x128xf32, #tpu.memory_space<vmem>>
        tpu.wait_dma2 semaphore(%dma_wait3A_896 : memref<!tpu.dma_semaphore, #tpu.memory_space<semaphore_mem>>) src(%dma_wait3A_904 : memref<8x128xf32, #tpu.memory_space<vmem>>) dst(%dma_wait3A_900 : memref<8x128xf32, #tpu.memory_space<hbm>>)
        %dma_wait3A_905 = arith.constant 1 : i32
        %dma_wait3A_906 = arith.constant 0 : i32
        %dma_wait3A_907 = arith.constant 5 : i32
        %dma_wait3A_908 = arith.constant 1 : i32
        %dma_wait3A_909 = arith.constant 40 : i32
        %dma_wait3A_910 = arith.constant 0 : i32
        %dma_wait3A_911 = tpu.memref_slice %arg7[%dma_wait3A_905, %dma_wait3A_909, %dma_wait3A_910] : memref<2x64x129xf32, #tpu.memory_space<vmem>> -> memref<1x8x128xf32, #tpu.memory_space<vmem>>
        %dma_wait3A_912 = tpu.memref_squeeze %dma_wait3A_911 : memref<1x8x128xf32, #tpu.memory_space<vmem>> -> memref<8x128xf32, #tpu.memory_space<vmem>>
        %dma_wait3A_913 = arith.constant 0 : i32
        %dma_wait3A_914 = arith.constant 0 : i32
        %dma_wait3A_915 = tpu.memref_slice %arg4[%dma_wait3A_906, %dma_wait3A_907, %add3A, %dma_wait3A_913, %dma_wait3A_914] : memref<200x8x32x8x128xf32, #tpu.memory_space<hbm>> -> memref<1x1x1x8x128xf32, #tpu.memory_space<hbm>>
        %dma_wait3A_916 = tpu.memref_squeeze %dma_wait3A_915 : memref<1x1x1x8x128xf32, #tpu.memory_space<hbm>> -> memref<8x128xf32, #tpu.memory_space<hbm>>
        %dma_wait3A_917 = tpu.memref_slice %arg9[%dma_wait3A_908] : memref<2x!tpu.dma_semaphore, #tpu.memory_space<semaphore_mem>> -> memref<1x!tpu.dma_semaphore, #tpu.memory_space<semaphore_mem>>
        %dma_wait3A_918 = tpu.memref_squeeze %dma_wait3A_917 : memref<1x!tpu.dma_semaphore, #tpu.memory_space<semaphore_mem>> -> memref<!tpu.dma_semaphore, #tpu.memory_space<semaphore_mem>>
        %dma_wait3A_919 = arith.constant 0 : i32
        %dma_wait3A_920 = arith.constant 0 : i32
        %dma_wait3A_921 = tpu.memref_slice %arg4[%dma_wait3A_906, %dma_wait3A_907, %add3A, %dma_wait3A_919, %dma_wait3A_920] : memref<200x8x32x8x128xf32, #tpu.memory_space<hbm>> -> memref<1x1x1x8x128xf32, #tpu.memory_space<hbm>>
        %dma_wait3A_922 = tpu.memref_squeeze %dma_wait3A_921 : memref<1x1x1x8x128xf32, #tpu.memory_space<hbm>> -> memref<8x128xf32, #tpu.memory_space<hbm>>
        %dma_wait3A_923 = arith.constant 40 : i32
        %dma_wait3A_924 = arith.constant 0 : i32
        %dma_wait3A_925 = tpu.memref_slice %arg7[%dma_wait3A_905, %dma_wait3A_923, %dma_wait3A_924] : memref<2x64x129xf32, #tpu.memory_space<vmem>> -> memref<1x8x128xf32, #tpu.memory_space<vmem>>
        %dma_wait3A_926 = tpu.memref_squeeze %dma_wait3A_925 : memref<1x8x128xf32, #tpu.memory_space<vmem>> -> memref<8x128xf32, #tpu.memory_space<vmem>>
        tpu.wait_dma2 semaphore(%dma_wait3A_918 : memref<!tpu.dma_semaphore, #tpu.memory_space<semaphore_mem>>) src(%dma_wait3A_926 : memref<8x128xf32, #tpu.memory_space<vmem>>) dst(%dma_wait3A_922 : memref<8x128xf32, #tpu.memory_space<hbm>>)
        %dma_wait3A_927 = arith.constant 1 : i32
        %dma_wait3A_928 = arith.constant 0 : i32
        %dma_wait3A_929 = arith.constant 6 : i32
        %dma_wait3A_930 = arith.constant 1 : i32
        %dma_wait3A_931 = arith.constant 48 : i32
        %dma_wait3A_932 = arith.constant 0 : i32
        %dma_wait3A_933 = tpu.memref_slice %arg7[%dma_wait3A_927, %dma_wait3A_931, %dma_wait3A_932] : memref<2x64x129xf32, #tpu.memory_space<vmem>> -> memref<1x8x128xf32, #tpu.memory_space<vmem>>
        %dma_wait3A_934 = tpu.memref_squeeze %dma_wait3A_933 : memref<1x8x128xf32, #tpu.memory_space<vmem>> -> memref<8x128xf32, #tpu.memory_space<vmem>>
        %dma_wait3A_935 = arith.constant 0 : i32
        %dma_wait3A_936 = arith.constant 0 : i32
        %dma_wait3A_937 = tpu.memref_slice %arg4[%dma_wait3A_928, %dma_wait3A_929, %add3A, %dma_wait3A_935, %dma_wait3A_936] : memref<200x8x32x8x128xf32, #tpu.memory_space<hbm>> -> memref<1x1x1x8x128xf32, #tpu.memory_space<hbm>>
        %dma_wait3A_938 = tpu.memref_squeeze %dma_wait3A_937 : memref<1x1x1x8x128xf32, #tpu.memory_space<hbm>> -> memref<8x128xf32, #tpu.memory_space<hbm>>
        %dma_wait3A_939 = tpu.memref_slice %arg9[%dma_wait3A_930] : memref<2x!tpu.dma_semaphore, #tpu.memory_space<semaphore_mem>> -> memref<1x!tpu.dma_semaphore, #tpu.memory_space<semaphore_mem>>
        %dma_wait3A_940 = tpu.memref_squeeze %dma_wait3A_939 : memref<1x!tpu.dma_semaphore, #tpu.memory_space<semaphore_mem>> -> memref<!tpu.dma_semaphore, #tpu.memory_space<semaphore_mem>>
        %dma_wait3A_941 = arith.constant 0 : i32
        %dma_wait3A_942 = arith.constant 0 : i32
        %dma_wait3A_943 = tpu.memref_slice %arg4[%dma_wait3A_928, %dma_wait3A_929, %add3A, %dma_wait3A_941, %dma_wait3A_942] : memref<200x8x32x8x128xf32, #tpu.memory_space<hbm>> -> memref<1x1x1x8x128xf32, #tpu.memory_space<hbm>>
        %dma_wait3A_944 = tpu.memref_squeeze %dma_wait3A_943 : memref<1x1x1x8x128xf32, #tpu.memory_space<hbm>> -> memref<8x128xf32, #tpu.memory_space<hbm>>
        %dma_wait3A_945 = arith.constant 48 : i32
        %dma_wait3A_946 = arith.constant 0 : i32
        %dma_wait3A_947 = tpu.memref_slice %arg7[%dma_wait3A_927, %dma_wait3A_945, %dma_wait3A_946] : memref<2x64x129xf32, #tpu.memory_space<vmem>> -> memref<1x8x128xf32, #tpu.memory_space<vmem>>
        %dma_wait3A_948 = tpu.memref_squeeze %dma_wait3A_947 : memref<1x8x128xf32, #tpu.memory_space<vmem>> -> memref<8x128xf32, #tpu.memory_space<vmem>>
        tpu.wait_dma2 semaphore(%dma_wait3A_940 : memref<!tpu.dma_semaphore, #tpu.memory_space<semaphore_mem>>) src(%dma_wait3A_948 : memref<8x128xf32, #tpu.memory_space<vmem>>) dst(%dma_wait3A_944 : memref<8x128xf32, #tpu.memory_space<hbm>>)
        %dma_wait3A_949 = arith.constant 1 : i32
        %dma_wait3A_950 = arith.constant 0 : i32
        %dma_wait3A_951 = arith.constant 7 : i32
        %dma_wait3A_952 = arith.constant 1 : i32
        %dma_wait3A_953 = arith.constant 56 : i32
        %dma_wait3A_954 = arith.constant 0 : i32
        %dma_wait3A_955 = tpu.memref_slice %arg7[%dma_wait3A_949, %dma_wait3A_953, %dma_wait3A_954] : memref<2x64x129xf32, #tpu.memory_space<vmem>> -> memref<1x8x128xf32, #tpu.memory_space<vmem>>
        %dma_wait3A_956 = tpu.memref_squeeze %dma_wait3A_955 : memref<1x8x128xf32, #tpu.memory_space<vmem>> -> memref<8x128xf32, #tpu.memory_space<vmem>>
        %dma_wait3A_957 = arith.constant 0 : i32
        %dma_wait3A_958 = arith.constant 0 : i32
        %dma_wait3A_959 = tpu.memref_slice %arg4[%dma_wait3A_950, %dma_wait3A_951, %add3A, %dma_wait3A_957, %dma_wait3A_958] : memref<200x8x32x8x128xf32, #tpu.memory_space<hbm>> -> memref<1x1x1x8x128xf32, #tpu.memory_space<hbm>>
        %dma_wait3A_960 = tpu.memref_squeeze %dma_wait3A_959 : memref<1x1x1x8x128xf32, #tpu.memory_space<hbm>> -> memref<8x128xf32, #tpu.memory_space<hbm>>
        %dma_wait3A_961 = tpu.memref_slice %arg9[%dma_wait3A_952] : memref<2x!tpu.dma_semaphore, #tpu.memory_space<semaphore_mem>> -> memref<1x!tpu.dma_semaphore, #tpu.memory_space<semaphore_mem>>
        %dma_wait3A_962 = tpu.memref_squeeze %dma_wait3A_961 : memref<1x!tpu.dma_semaphore, #tpu.memory_space<semaphore_mem>> -> memref<!tpu.dma_semaphore, #tpu.memory_space<semaphore_mem>>
        %dma_wait3A_963 = arith.constant 0 : i32
        %dma_wait3A_964 = arith.constant 0 : i32
        %dma_wait3A_965 = tpu.memref_slice %arg4[%dma_wait3A_950, %dma_wait3A_951, %add3A, %dma_wait3A_963, %dma_wait3A_964] : memref<200x8x32x8x128xf32, #tpu.memory_space<hbm>> -> memref<1x1x1x8x128xf32, #tpu.memory_space<hbm>>
        %dma_wait3A_966 = tpu.memref_squeeze %dma_wait3A_965 : memref<1x1x1x8x128xf32, #tpu.memory_space<hbm>> -> memref<8x128xf32, #tpu.memory_space<hbm>>
        %dma_wait3A_967 = arith.constant 56 : i32
        %dma_wait3A_968 = arith.constant 0 : i32
        %dma_wait3A_969 = tpu.memref_slice %arg7[%dma_wait3A_949, %dma_wait3A_967, %dma_wait3A_968] : memref<2x64x129xf32, #tpu.memory_space<vmem>> -> memref<1x8x128xf32, #tpu.memory_space<vmem>>
        %dma_wait3A_970 = tpu.memref_squeeze %dma_wait3A_969 : memref<1x8x128xf32, #tpu.memory_space<vmem>> -> memref<8x128xf32, #tpu.memory_space<vmem>>
        tpu.wait_dma2 semaphore(%dma_wait3A_962 : memref<!tpu.dma_semaphore, #tpu.memory_space<semaphore_mem>>) src(%dma_wait3A_970 : memref<8x128xf32, #tpu.memory_space<vmem>>) dst(%dma_wait3A_966 : memref<8x128xf32, #tpu.memory_space<hbm>>)
      } else {
      }
      %parallel_loop3A_622 = arith.constant 0 : i32
      %parallel_loop3A_623 = arith.constant 128 : i32
      %parallel_loop3A_624 = arith.constant 1 : i32
      %parallel_loop3A_625 = arith.constant 1 : i32
      %parallel_loop3A_626 = arith.constant 1 : i32
      scf.for %parallel_loop3A_795 = %parallel_loop3A_622 to %parallel_loop3A_623 step %parallel_loop3A_624  : i32 {
        %parallel_loop3A_796 = vector.broadcast %parallel_loop3A_795 : i32 to vector<16xi32>
        %parallel_loop3A_797 = arith.constant 0 : i32
        %parallel_loop3A_798 = arith.constant 0 : i32
        %parallel_loop3A_799 = tpu.memref_slice %arg6[%parallel_loop3A_625, %parallel_loop3A_797, %parallel_loop3A_798] : memref<2x128x64xf32, #tpu.memory_space<vmem>> -> memref<1x128x64xf32, #tpu.memory_space<vmem>>
        %parallel_loop3A_800 = tpu.memref_squeeze %parallel_loop3A_799 : memref<1x128x64xf32, #tpu.memory_space<vmem>> -> memref<128x64xf32, #tpu.memory_space<vmem>>
        %parallel_loop3A_801 = arith.index_cast %parallel_loop3A_795 : i32 to index
        %parallel_loop3A_802 = arith.constant 0 : index
        %parallel_loop3A_803 = tpu.vector_load %parallel_loop3A_800[%parallel_loop3A_801, %parallel_loop3A_802] {strides = array<i32>} : memref<128x64xf32, #tpu.memory_space<vmem>>, vector<16xf32>,
        %parallel_loop3A_804 = arith.constant 0 : i32
        %parallel_loop3A_805 = arith.constant 0 : i32
        %parallel_loop3A_806 = tpu.memref_slice %arg7[%parallel_loop3A_626, %parallel_loop3A_804, %parallel_loop3A_805] : memref<2x64x129xf32, #tpu.memory_space<vmem>> -> memref<1x64x129xf32, #tpu.memory_space<vmem>>
        %parallel_loop3A_807 = tpu.memref_squeeze %parallel_loop3A_806 : memref<1x64x129xf32, #tpu.memory_space<vmem>> -> memref<64x129xf32, #tpu.memory_space<vmem>>
        tpu.vector_store_idx %parallel_loop3A_807[%add3A_3, %parallel_loop3A_796], %parallel_loop3A_803 : memref<64x129xf32, #tpu.memory_space<vmem>>[vector<16xi32>, vector<16xi32>], vector<16xf32>,
        %parallel_loop3A_808 = arith.constant 0 : i32
        %parallel_loop3A_809 = arith.constant 0 : i32
        %parallel_loop3A_810 = tpu.memref_slice %arg6[%parallel_loop3A_625, %parallel_loop3A_808, %parallel_loop3A_809] : memref<2x128x64xf32, #tpu.memory_space<vmem>> -> memref<1x128x64xf32, #tpu.memory_space<vmem>>
        %parallel_loop3A_811 = tpu.memref_squeeze %parallel_loop3A_810 : memref<1x128x64xf32, #tpu.memory_space<vmem>> -> memref<128x64xf32, #tpu.memory_space<vmem>>
        %parallel_loop3A_812 = arith.index_cast %parallel_loop3A_795 : i32 to index
        %parallel_loop3A_813 = arith.constant 16 : index
        %parallel_loop3A_814 = tpu.vector_load %parallel_loop3A_811[%parallel_loop3A_812, %parallel_loop3A_813] {strides = array<i32>} : memref<128x64xf32, #tpu.memory_space<vmem>>, vector<16xf32>,
        %parallel_loop3A_815 = arith.constant 0 : i32
        %parallel_loop3A_816 = arith.constant 0 : i32
        %parallel_loop3A_817 = tpu.memref_slice %arg7[%parallel_loop3A_626, %parallel_loop3A_815, %parallel_loop3A_816] : memref<2x64x129xf32, #tpu.memory_space<vmem>> -> memref<1x64x129xf32, #tpu.memory_space<vmem>>
        %parallel_loop3A_818 = tpu.memref_squeeze %parallel_loop3A_817 : memref<1x64x129xf32, #tpu.memory_space<vmem>> -> memref<64x129xf32, #tpu.memory_space<vmem>>
        tpu.vector_store_idx %parallel_loop3A_818[%add3A_7, %parallel_loop3A_796], %parallel_loop3A_814 : memref<64x129xf32, #tpu.memory_space<vmem>>[vector<16xi32>, vector<16xi32>], vector<16xf32>,
        %parallel_loop3A_819 = arith.constant 0 : i32
        %parallel_loop3A_820 = arith.constant 0 : i32
        %parallel_loop3A_821 = tpu.memref_slice %arg6[%parallel_loop3A_625, %parallel_loop3A_819, %parallel_loop3A_820] : memref<2x128x64xf32, #tpu.memory_space<vmem>> -> memref<1x128x64xf32, #tpu.memory_space<vmem>>
        %parallel_loop3A_822 = tpu.memref_squeeze %parallel_loop3A_821 : memref<1x128x64xf32, #tpu.memory_space<vmem>> -> memref<128x64xf32, #tpu.memory_space<vmem>>
        %parallel_loop3A_823 = arith.index_cast %parallel_loop3A_795 : i32 to index
        %parallel_loop3A_824 = arith.constant 32 : index
        %parallel_loop3A_825 = tpu.vector_load %parallel_loop3A_822[%parallel_loop3A_823, %parallel_loop3A_824] {strides = array<i32>} : memref<128x64xf32, #tpu.memory_space<vmem>>, vector<16xf32>,
        %parallel_loop3A_826 = arith.constant 0 : i32
        %parallel_loop3A_827 = arith.constant 0 : i32
        %parallel_loop3A_828 = tpu.memref_slice %arg7[%parallel_loop3A_626, %parallel_loop3A_826, %parallel_loop3A_827] : memref<2x64x129xf32, #tpu.memory_space<vmem>> -> memref<1x64x129xf32, #tpu.memory_space<vmem>>
        %parallel_loop3A_829 = tpu.memref_squeeze %parallel_loop3A_828 : memref<1x64x129xf32, #tpu.memory_space<vmem>> -> memref<64x129xf32, #tpu.memory_space<vmem>>
        tpu.vector_store_idx %parallel_loop3A_829[%add3A_11, %parallel_loop3A_796], %parallel_loop3A_825 : memref<64x129xf32, #tpu.memory_space<vmem>>[vector<16xi32>, vector<16xi32>], vector<16xf32>,
        %parallel_loop3A_830 = arith.constant 0 : i32
        %parallel_loop3A_831 = arith.constant 0 : i32
        %parallel_loop3A_832 = tpu.memref_slice %arg6[%parallel_loop3A_625, %parallel_loop3A_830, %parallel_loop3A_831] : memref<2x128x64xf32, #tpu.memory_space<vmem>> -> memref<1x128x64xf32, #tpu.memory_space<vmem>>
        %parallel_loop3A_833 = tpu.memref_squeeze %parallel_loop3A_832 : memref<1x128x64xf32, #tpu.memory_space<vmem>> -> memref<128x64xf32, #tpu.memory_space<vmem>>
        %parallel_loop3A_834 = arith.index_cast %parallel_loop3A_795 : i32 to index
        %parallel_loop3A_835 = arith.constant 48 : index
        %parallel_loop3A_836 = tpu.vector_load %parallel_loop3A_833[%parallel_loop3A_834, %parallel_loop3A_835] {strides = array<i32>} : memref<128x64xf32, #tpu.memory_space<vmem>>, vector<16xf32>,
        %parallel_loop3A_837 = arith.constant 0 : i32
        %parallel_loop3A_838 = arith.constant 0 : i32
        %parallel_loop3A_839 = tpu.memref_slice %arg7[%parallel_loop3A_626, %parallel_loop3A_837, %parallel_loop3A_838] : memref<2x64x129xf32, #tpu.memory_space<vmem>> -> memref<1x64x129xf32, #tpu.memory_space<vmem>>
        %parallel_loop3A_840 = tpu.memref_squeeze %parallel_loop3A_839 : memref<1x64x129xf32, #tpu.memory_space<vmem>> -> memref<64x129xf32, #tpu.memory_space<vmem>>
        tpu.vector_store_idx %parallel_loop3A_840[%add3A_15, %parallel_loop3A_796], %parallel_loop3A_836 : memref<64x129xf32, #tpu.memory_space<vmem>>[vector<16xi32>, vector<16xi32>], vector<16xf32>,
      } {sc.loop_unroll_factor = 8 : i64, sc.parallel_access}
      %dma_start3A_627 = arith.constant 1 : i32
      %dma_start3A_628 = arith.constant 0 : i32
      %dma_start3A_629 = arith.constant 1 : i32
      %dma_start3A_630 = arith.constant 0 : i32
      %dma_start3A_631 = arith.constant 0 : i32
      %dma_start3A_632 = tpu.memref_slice %arg7[%dma_start3A_627, %dma_start3A_630, %dma_start3A_631] : memref<2x64x129xf32, #tpu.memory_space<vmem>> -> memref<1x8x128xf32, #tpu.memory_space<vmem>>
      %dma_start3A_633 = tpu.memref_squeeze %dma_start3A_632 : memref<1x8x128xf32, #tpu.memory_space<vmem>> -> memref<8x128xf32, #tpu.memory_space<vmem>>
      %dma_start3A_634 = arith.constant 0 : i32
      %dma_start3A_635 = arith.constant 0 : i32
      %dma_start3A_636 = tpu.memref_slice %arg4[%add3A_591, %dma_start3A_628, %add3A, %dma_start3A_634, %dma_start3A_635] : memref<200x8x32x8x128xf32, #tpu.memory_space<hbm>> -> memref<1x1x1x8x128xf32, #tpu.memory_space<hbm>>
      %dma_start3A_637 = tpu.memref_squeeze %dma_start3A_636 : memref<1x1x1x8x128xf32, #tpu.memory_space<hbm>> -> memref<8x128xf32, #tpu.memory_space<hbm>>
      %dma_start3A_638 = tpu.memref_slice %arg9[%dma_start3A_629] : memref<2x!tpu.dma_semaphore, #tpu.memory_space<semaphore_mem>> -> memref<1x!tpu.dma_semaphore, #tpu.memory_space<semaphore_mem>>
      %dma_start3A_639 = tpu.memref_squeeze %dma_start3A_638 : memref<1x!tpu.dma_semaphore, #tpu.memory_space<semaphore_mem>> -> memref<!tpu.dma_semaphore, #tpu.memory_space<semaphore_mem>>
      %dma_start3A_640 = arith.constant 0 : i32
      %dma_start3A_641 = arith.constant 0 : i32
      %dma_start3A_642 = tpu.memref_slice %arg4[%add3A_591, %dma_start3A_628, %add3A, %dma_start3A_640, %dma_start3A_641] : memref<200x8x32x8x128xf32, #tpu.memory_space<hbm>> -> memref<1x1x1x8x128xf32, #tpu.memory_space<hbm>>
      %dma_start3A_643 = tpu.memref_squeeze %dma_start3A_642 : memref<1x1x1x8x128xf32, #tpu.memory_space<hbm>> -> memref<8x128xf32, #tpu.memory_space<hbm>>
      %dma_start3A_644 = arith.constant 0 : i32
      %dma_start3A_645 = arith.constant 0 : i32
      %dma_start3A_646 = tpu.memref_slice %arg7[%dma_start3A_627, %dma_start3A_644, %dma_start3A_645] : memref<2x64x129xf32, #tpu.memory_space<vmem>> -> memref<1x8x128xf32, #tpu.memory_space<vmem>>
      %dma_start3A_647 = tpu.memref_squeeze %dma_start3A_646 : memref<1x8x128xf32, #tpu.memory_space<vmem>> -> memref<8x128xf32, #tpu.memory_space<vmem>>
      tpu.enqueue_dma source(%dma_start3A_647 : memref<8x128xf32, #tpu.memory_space<vmem>>) target(%dma_start3A_643 : memref<8x128xf32, #tpu.memory_space<hbm>>) target_semaphore(%dma_start3A_639 : memref<!tpu.dma_semaphore, #tpu.memory_space<semaphore_mem>>)
      %dma_start3A_648 = arith.constant 1 : i32
      %dma_start3A_649 = arith.constant 1 : i32
      %dma_start3A_650 = arith.constant 1 : i32
      %dma_start3A_651 = arith.constant 8 : i32
      %dma_start3A_652 = arith.constant 0 : i32
      %dma_start3A_653 = tpu.memref_slice %arg7[%dma_start3A_648, %dma_start3A_651, %dma_start3A_652] : memref<2x64x129xf32, #tpu.memory_space<vmem>> -> memref<1x8x128xf32, #tpu.memory_space<vmem>>
      %dma_start3A_654 = tpu.memref_squeeze %dma_start3A_653 : memref<1x8x128xf32, #tpu.memory_space<vmem>> -> memref<8x128xf32, #tpu.memory_space<vmem>>
      %dma_start3A_655 = arith.constant 0 : i32
      %dma_start3A_656 = arith.constant 0 : i32
      %dma_start3A_657 = tpu.memref_slice %arg4[%add3A_591, %dma_start3A_649, %add3A, %dma_start3A_655, %dma_start3A_656] : memref<200x8x32x8x128xf32, #tpu.memory_space<hbm>> -> memref<1x1x1x8x128xf32, #tpu.memory_space<hbm>>
      %dma_start3A_658 = tpu.memref_squeeze %dma_start3A_657 : memref<1x1x1x8x128xf32, #tpu.memory_space<hbm>> -> memref<8x128xf32, #tpu.memory_space<hbm>>
      %dma_start3A_659 = tpu.memref_slice %arg9[%dma_start3A_650] : memref<2x!tpu.dma_semaphore, #tpu.memory_space<semaphore_mem>> -> memref<1x!tpu.dma_semaphore, #tpu.memory_space<semaphore_mem>>
      %dma_start3A_660 = tpu.memref_squeeze %dma_start3A_659 : memref<1x!tpu.dma_semaphore, #tpu.memory_space<semaphore_mem>> -> memref<!tpu.dma_semaphore, #tpu.memory_space<semaphore_mem>>
      %dma_start3A_661 = arith.constant 0 : i32
      %dma_start3A_662 = arith.constant 0 : i32
      %dma_start3A_663 = tpu.memref_slice %arg4[%add3A_591, %dma_start3A_649, %add3A, %dma_start3A_661, %dma_start3A_662] : memref<200x8x32x8x128xf32, #tpu.memory_space<hbm>> -> memref<1x1x1x8x128xf32, #tpu.memory_space<hbm>>
      %dma_start3A_664 = tpu.memref_squeeze %dma_start3A_663 : memref<1x1x1x8x128xf32, #tpu.memory_space<hbm>> -> memref<8x128xf32, #tpu.memory_space<hbm>>
      %dma_start3A_665 = arith.constant 8 : i32
      %dma_start3A_666 = arith.constant 0 : i32
      %dma_start3A_667 = tpu.memref_slice %arg7[%dma_start3A_648, %dma_start3A_665, %dma_start3A_666] : memref<2x64x129xf32, #tpu.memory_space<vmem>> -> memref<1x8x128xf32, #tpu.memory_space<vmem>>
      %dma_start3A_668 = tpu.memref_squeeze %dma_start3A_667 : memref<1x8x128xf32, #tpu.memory_space<vmem>> -> memref<8x128xf32, #tpu.memory_space<vmem>>
      tpu.enqueue_dma source(%dma_start3A_668 : memref<8x128xf32, #tpu.memory_space<vmem>>) target(%dma_start3A_664 : memref<8x128xf32, #tpu.memory_space<hbm>>) target_semaphore(%dma_start3A_660 : memref<!tpu.dma_semaphore, #tpu.memory_space<semaphore_mem>>)
      %dma_start3A_669 = arith.constant 1 : i32
      %dma_start3A_670 = arith.constant 2 : i32
      %dma_start3A_671 = arith.constant 1 : i32
      %dma_start3A_672 = arith.constant 16 : i32
      %dma_start3A_673 = arith.constant 0 : i32
      %dma_start3A_674 = tpu.memref_slice %arg7[%dma_start3A_669, %dma_start3A_672, %dma_start3A_673] : memref<2x64x129xf32, #tpu.memory_space<vmem>> -> memref<1x8x128xf32, #tpu.memory_space<vmem>>
      %dma_start3A_675 = tpu.memref_squeeze %dma_start3A_674 : memref<1x8x128xf32, #tpu.memory_space<vmem>> -> memref<8x128xf32, #tpu.memory_space<vmem>>
      %dma_start3A_676 = arith.constant 0 : i32
      %dma_start3A_677 = arith.constant 0 : i32
      %dma_start3A_678 = tpu.memref_slice %arg4[%add3A_591, %dma_start3A_670, %add3A, %dma_start3A_676, %dma_start3A_677] : memref<200x8x32x8x128xf32, #tpu.memory_space<hbm>> -> memref<1x1x1x8x128xf32, #tpu.memory_space<hbm>>
      %dma_start3A_679 = tpu.memref_squeeze %dma_start3A_678 : memref<1x1x1x8x128xf32, #tpu.memory_space<hbm>> -> memref<8x128xf32, #tpu.memory_space<hbm>>
      %dma_start3A_680 = tpu.memref_slice %arg9[%dma_start3A_671] : memref<2x!tpu.dma_semaphore, #tpu.memory_space<semaphore_mem>> -> memref<1x!tpu.dma_semaphore, #tpu.memory_space<semaphore_mem>>
      %dma_start3A_681 = tpu.memref_squeeze %dma_start3A_680 : memref<1x!tpu.dma_semaphore, #tpu.memory_space<semaphore_mem>> -> memref<!tpu.dma_semaphore, #tpu.memory_space<semaphore_mem>>
      %dma_start3A_682 = arith.constant 0 : i32
      %dma_start3A_683 = arith.constant 0 : i32
      %dma_start3A_684 = tpu.memref_slice %arg4[%add3A_591, %dma_start3A_670, %add3A, %dma_start3A_682, %dma_start3A_683] : memref<200x8x32x8x128xf32, #tpu.memory_space<hbm>> -> memref<1x1x1x8x128xf32, #tpu.memory_space<hbm>>
      %dma_start3A_685 = tpu.memref_squeeze %dma_start3A_684 : memref<1x1x1x8x128xf32, #tpu.memory_space<hbm>> -> memref<8x128xf32, #tpu.memory_space<hbm>>
      %dma_start3A_686 = arith.constant 16 : i32
      %dma_start3A_687 = arith.constant 0 : i32
      %dma_start3A_688 = tpu.memref_slice %arg7[%dma_start3A_669, %dma_start3A_686, %dma_start3A_687] : memref<2x64x129xf32, #tpu.memory_space<vmem>> -> memref<1x8x128xf32, #tpu.memory_space<vmem>>
      %dma_start3A_689 = tpu.memref_squeeze %dma_start3A_688 : memref<1x8x128xf32, #tpu.memory_space<vmem>> -> memref<8x128xf32, #tpu.memory_space<vmem>>
      tpu.enqueue_dma source(%dma_start3A_689 : memref<8x128xf32, #tpu.memory_space<vmem>>) target(%dma_start3A_685 : memref<8x128xf32, #tpu.memory_space<hbm>>) target_semaphore(%dma_start3A_681 : memref<!tpu.dma_semaphore, #tpu.memory_space<semaphore_mem>>)
      %dma_start3A_690 = arith.constant 1 : i32
      %dma_start3A_691 = arith.constant 3 : i32
      %dma_start3A_692 = arith.constant 1 : i32
      %dma_start3A_693 = arith.constant 24 : i32
      %dma_start3A_694 = arith.constant 0 : i32
      %dma_start3A_695 = tpu.memref_slice %arg7[%dma_start3A_690, %dma_start3A_693, %dma_start3A_694] : memref<2x64x129xf32, #tpu.memory_space<vmem>> -> memref<1x8x128xf32, #tpu.memory_space<vmem>>
      %dma_start3A_696 = tpu.memref_squeeze %dma_start3A_695 : memref<1x8x128xf32, #tpu.memory_space<vmem>> -> memref<8x128xf32, #tpu.memory_space<vmem>>
      %dma_start3A_697 = arith.constant 0 : i32
      %dma_start3A_698 = arith.constant 0 : i32
      %dma_start3A_699 = tpu.memref_slice %arg4[%add3A_591, %dma_start3A_691, %add3A, %dma_start3A_697, %dma_start3A_698] : memref<200x8x32x8x128xf32, #tpu.memory_space<hbm>> -> memref<1x1x1x8x128xf32, #tpu.memory_space<hbm>>
      %dma_start3A_700 = tpu.memref_squeeze %dma_start3A_699 : memref<1x1x1x8x128xf32, #tpu.memory_space<hbm>> -> memref<8x128xf32, #tpu.memory_space<hbm>>
      %dma_start3A_701 = tpu.memref_slice %arg9[%dma_start3A_692] : memref<2x!tpu.dma_semaphore, #tpu.memory_space<semaphore_mem>> -> memref<1x!tpu.dma_semaphore, #tpu.memory_space<semaphore_mem>>
      %dma_start3A_702 = tpu.memref_squeeze %dma_start3A_701 : memref<1x!tpu.dma_semaphore, #tpu.memory_space<semaphore_mem>> -> memref<!tpu.dma_semaphore, #tpu.memory_space<semaphore_mem>>
      %dma_start3A_703 = arith.constant 0 : i32
      %dma_start3A_704 = arith.constant 0 : i32
      %dma_start3A_705 = tpu.memref_slice %arg4[%add3A_591, %dma_start3A_691, %add3A, %dma_start3A_703, %dma_start3A_704] : memref<200x8x32x8x128xf32, #tpu.memory_space<hbm>> -> memref<1x1x1x8x128xf32, #tpu.memory_space<hbm>>
      %dma_start3A_706 = tpu.memref_squeeze %dma_start3A_705 : memref<1x1x1x8x128xf32, #tpu.memory_space<hbm>> -> memref<8x128xf32, #tpu.memory_space<hbm>>
      %dma_start3A_707 = arith.constant 24 : i32
      %dma_start3A_708 = arith.constant 0 : i32
      %dma_start3A_709 = tpu.memref_slice %arg7[%dma_start3A_690, %dma_start3A_707, %dma_start3A_708] : memref<2x64x129xf32, #tpu.memory_space<vmem>> -> memref<1x8x128xf32, #tpu.memory_space<vmem>>
      %dma_start3A_710 = tpu.memref_squeeze %dma_start3A_709 : memref<1x8x128xf32, #tpu.memory_space<vmem>> -> memref<8x128xf32, #tpu.memory_space<vmem>>
      tpu.enqueue_dma source(%dma_start3A_710 : memref<8x128xf32, #tpu.memory_space<vmem>>) target(%dma_start3A_706 : memref<8x128xf32, #tpu.memory_space<hbm>>) target_semaphore(%dma_start3A_702 : memref<!tpu.dma_semaphore, #tpu.memory_space<semaphore_mem>>)
      %dma_start3A_711 = arith.constant 1 : i32
      %dma_start3A_712 = arith.constant 4 : i32
      %dma_start3A_713 = arith.constant 1 : i32
      %dma_start3A_714 = arith.constant 32 : i32
      %dma_start3A_715 = arith.constant 0 : i32
      %dma_start3A_716 = tpu.memref_slice %arg7[%dma_start3A_711, %dma_start3A_714, %dma_start3A_715] : memref<2x64x129xf32, #tpu.memory_space<vmem>> -> memref<1x8x128xf32, #tpu.memory_space<vmem>>
      %dma_start3A_717 = tpu.memref_squeeze %dma_start3A_716 : memref<1x8x128xf32, #tpu.memory_space<vmem>> -> memref<8x128xf32, #tpu.memory_space<vmem>>
      %dma_start3A_718 = arith.constant 0 : i32
      %dma_start3A_719 = arith.constant 0 : i32
      %dma_start3A_720 = tpu.memref_slice %arg4[%add3A_591, %dma_start3A_712, %add3A, %dma_start3A_718, %dma_start3A_719] : memref<200x8x32x8x128xf32, #tpu.memory_space<hbm>> -> memref<1x1x1x8x128xf32, #tpu.memory_space<hbm>>
      %dma_start3A_721 = tpu.memref_squeeze %dma_start3A_720 : memref<1x1x1x8x128xf32, #tpu.memory_space<hbm>> -> memref<8x128xf32, #tpu.memory_space<hbm>>
      %dma_start3A_722 = tpu.memref_slice %arg9[%dma_start3A_713] : memref<2x!tpu.dma_semaphore, #tpu.memory_space<semaphore_mem>> -> memref<1x!tpu.dma_semaphore, #tpu.memory_space<semaphore_mem>>
      %dma_start3A_723 = tpu.memref_squeeze %dma_start3A_722 : memref<1x!tpu.dma_semaphore, #tpu.memory_space<semaphore_mem>> -> memref<!tpu.dma_semaphore, #tpu.memory_space<semaphore_mem>>
      %dma_start3A_724 = arith.constant 0 : i32
      %dma_start3A_725 = arith.constant 0 : i32
      %dma_start3A_726 = tpu.memref_slice %arg4[%add3A_591, %dma_start3A_712, %add3A, %dma_start3A_724, %dma_start3A_725] : memref<200x8x32x8x128xf32, #tpu.memory_space<hbm>> -> memref<1x1x1x8x128xf32, #tpu.memory_space<hbm>>
      %dma_start3A_727 = tpu.memref_squeeze %dma_start3A_726 : memref<1x1x1x8x128xf32, #tpu.memory_space<hbm>> -> memref<8x128xf32, #tpu.memory_space<hbm>>
      %dma_start3A_728 = arith.constant 32 : i32
      %dma_start3A_729 = arith.constant 0 : i32
      %dma_start3A_730 = tpu.memref_slice %arg7[%dma_start3A_711, %dma_start3A_728, %dma_start3A_729] : memref<2x64x129xf32, #tpu.memory_space<vmem>> -> memref<1x8x128xf32, #tpu.memory_space<vmem>>
      %dma_start3A_731 = tpu.memref_squeeze %dma_start3A_730 : memref<1x8x128xf32, #tpu.memory_space<vmem>> -> memref<8x128xf32, #tpu.memory_space<vmem>>
      tpu.enqueue_dma source(%dma_start3A_731 : memref<8x128xf32, #tpu.memory_space<vmem>>) target(%dma_start3A_727 : memref<8x128xf32, #tpu.memory_space<hbm>>) target_semaphore(%dma_start3A_723 : memref<!tpu.dma_semaphore, #tpu.memory_space<semaphore_mem>>)
      %dma_start3A_732 = arith.constant 1 : i32
      %dma_start3A_733 = arith.constant 5 : i32
      %dma_start3A_734 = arith.constant 1 : i32
      %dma_start3A_735 = arith.constant 40 : i32
      %dma_start3A_736 = arith.constant 0 : i32
      %dma_start3A_737 = tpu.memref_slice %arg7[%dma_start3A_732, %dma_start3A_735, %dma_start3A_736] : memref<2x64x129xf32, #tpu.memory_space<vmem>> -> memref<1x8x128xf32, #tpu.memory_space<vmem>>
      %dma_start3A_738 = tpu.memref_squeeze %dma_start3A_737 : memref<1x8x128xf32, #tpu.memory_space<vmem>> -> memref<8x128xf32, #tpu.memory_space<vmem>>
      %dma_start3A_739 = arith.constant 0 : i32
      %dma_start3A_740 = arith.constant 0 : i32
      %dma_start3A_741 = tpu.memref_slice %arg4[%add3A_591, %dma_start3A_733, %add3A, %dma_start3A_739, %dma_start3A_740] : memref<200x8x32x8x128xf32, #tpu.memory_space<hbm>> -> memref<1x1x1x8x128xf32, #tpu.memory_space<hbm>>
      %dma_start3A_742 = tpu.memref_squeeze %dma_start3A_741 : memref<1x1x1x8x128xf32, #tpu.memory_space<hbm>> -> memref<8x128xf32, #tpu.memory_space<hbm>>
      %dma_start3A_743 = tpu.memref_slice %arg9[%dma_start3A_734] : memref<2x!tpu.dma_semaphore, #tpu.memory_space<semaphore_mem>> -> memref<1x!tpu.dma_semaphore, #tpu.memory_space<semaphore_mem>>
      %dma_start3A_744 = tpu.memref_squeeze %dma_start3A_743 : memref<1x!tpu.dma_semaphore, #tpu.memory_space<semaphore_mem>> -> memref<!tpu.dma_semaphore, #tpu.memory_space<semaphore_mem>>
      %dma_start3A_745 = arith.constant 0 : i32
      %dma_start3A_746 = arith.constant 0 : i32
      %dma_start3A_747 = tpu.memref_slice %arg4[%add3A_591, %dma_start3A_733, %add3A, %dma_start3A_745, %dma_start3A_746] : memref<200x8x32x8x128xf32, #tpu.memory_space<hbm>> -> memref<1x1x1x8x128xf32, #tpu.memory_space<hbm>>
      %dma_start3A_748 = tpu.memref_squeeze %dma_start3A_747 : memref<1x1x1x8x128xf32, #tpu.memory_space<hbm>> -> memref<8x128xf32, #tpu.memory_space<hbm>>
      %dma_start3A_749 = arith.constant 40 : i32
      %dma_start3A_750 = arith.constant 0 : i32
      %dma_start3A_751 = tpu.memref_slice %arg7[%dma_start3A_732, %dma_start3A_749, %dma_start3A_750] : memref<2x64x129xf32, #tpu.memory_space<vmem>> -> memref<1x8x128xf32, #tpu.memory_space<vmem>>
      %dma_start3A_752 = tpu.memref_squeeze %dma_start3A_751 : memref<1x8x128xf32, #tpu.memory_space<vmem>> -> memref<8x128xf32, #tpu.memory_space<vmem>>
      tpu.enqueue_dma source(%dma_start3A_752 : memref<8x128xf32, #tpu.memory_space<vmem>>) target(%dma_start3A_748 : memref<8x128xf32, #tpu.memory_space<hbm>>) target_semaphore(%dma_start3A_744 : memref<!tpu.dma_semaphore, #tpu.memory_space<semaphore_mem>>)
      %dma_start3A_753 = arith.constant 1 : i32
      %dma_start3A_754 = arith.constant 6 : i32
      %dma_start3A_755 = arith.constant 1 : i32
      %dma_start3A_756 = arith.constant 48 : i32
      %dma_start3A_757 = arith.constant 0 : i32
      %dma_start3A_758 = tpu.memref_slice %arg7[%dma_start3A_753, %dma_start3A_756, %dma_start3A_757] : memref<2x64x129xf32, #tpu.memory_space<vmem>> -> memref<1x8x128xf32, #tpu.memory_space<vmem>>
      %dma_start3A_759 = tpu.memref_squeeze %dma_start3A_758 : memref<1x8x128xf32, #tpu.memory_space<vmem>> -> memref<8x128xf32, #tpu.memory_space<vmem>>
      %dma_start3A_760 = arith.constant 0 : i32
      %dma_start3A_761 = arith.constant 0 : i32
      %dma_start3A_762 = tpu.memref_slice %arg4[%add3A_591, %dma_start3A_754, %add3A, %dma_start3A_760, %dma_start3A_761] : memref<200x8x32x8x128xf32, #tpu.memory_space<hbm>> -> memref<1x1x1x8x128xf32, #tpu.memory_space<hbm>>
      %dma_start3A_763 = tpu.memref_squeeze %dma_start3A_762 : memref<1x1x1x8x128xf32, #tpu.memory_space<hbm>> -> memref<8x128xf32, #tpu.memory_space<hbm>>
      %dma_start3A_764 = tpu.memref_slice %arg9[%dma_start3A_755] : memref<2x!tpu.dma_semaphore, #tpu.memory_space<semaphore_mem>> -> memref<1x!tpu.dma_semaphore, #tpu.memory_space<semaphore_mem>>
      %dma_start3A_765 = tpu.memref_squeeze %dma_start3A_764 : memref<1x!tpu.dma_semaphore, #tpu.memory_space<semaphore_mem>> -> memref<!tpu.dma_semaphore, #tpu.memory_space<semaphore_mem>>
      %dma_start3A_766 = arith.constant 0 : i32
      %dma_start3A_767 = arith.constant 0 : i32
      %dma_start3A_768 = tpu.memref_slice %arg4[%add3A_591, %dma_start3A_754, %add3A, %dma_start3A_766, %dma_start3A_767] : memref<200x8x32x8x128xf32, #tpu.memory_space<hbm>> -> memref<1x1x1x8x128xf32, #tpu.memory_space<hbm>>
      %dma_start3A_769 = tpu.memref_squeeze %dma_start3A_768 : memref<1x1x1x8x128xf32, #tpu.memory_space<hbm>> -> memref<8x128xf32, #tpu.memory_space<hbm>>
      %dma_start3A_770 = arith.constant 48 : i32
      %dma_start3A_771 = arith.constant 0 : i32
      %dma_start3A_772 = tpu.memref_slice %arg7[%dma_start3A_753, %dma_start3A_770, %dma_start3A_771] : memref<2x64x129xf32, #tpu.memory_space<vmem>> -> memref<1x8x128xf32, #tpu.memory_space<vmem>>
      %dma_start3A_773 = tpu.memref_squeeze %dma_start3A_772 : memref<1x8x128xf32, #tpu.memory_space<vmem>> -> memref<8x128xf32, #tpu.memory_space<vmem>>
      tpu.enqueue_dma source(%dma_start3A_773 : memref<8x128xf32, #tpu.memory_space<vmem>>) target(%dma_start3A_769 : memref<8x128xf32, #tpu.memory_space<hbm>>) target_semaphore(%dma_start3A_765 : memref<!tpu.dma_semaphore, #tpu.memory_space<semaphore_mem>>)
      %dma_start3A_774 = arith.constant 1 : i32
      %dma_start3A_775 = arith.constant 7 : i32
      %dma_start3A_776 = arith.constant 1 : i32
      %dma_start3A_777 = arith.constant 56 : i32
      %dma_start3A_778 = arith.constant 0 : i32
      %dma_start3A_779 = tpu.memref_slice %arg7[%dma_start3A_774, %dma_start3A_777, %dma_start3A_778] : memref<2x64x129xf32, #tpu.memory_space<vmem>> -> memref<1x8x128xf32, #tpu.memory_space<vmem>>
      %dma_start3A_780 = tpu.memref_squeeze %dma_start3A_779 : memref<1x8x128xf32, #tpu.memory_space<vmem>> -> memref<8x128xf32, #tpu.memory_space<vmem>>
      %dma_start3A_781 = arith.constant 0 : i32
      %dma_start3A_782 = arith.constant 0 : i32
      %dma_start3A_783 = tpu.memref_slice %arg4[%add3A_591, %dma_start3A_775, %add3A, %dma_start3A_781, %dma_start3A_782] : memref<200x8x32x8x128xf32, #tpu.memory_space<hbm>> -> memref<1x1x1x8x128xf32, #tpu.memory_space<hbm>>
      %dma_start3A_784 = tpu.memref_squeeze %dma_start3A_783 : memref<1x1x1x8x128xf32, #tpu.memory_space<hbm>> -> memref<8x128xf32, #tpu.memory_space<hbm>>
      %dma_start3A_785 = tpu.memref_slice %arg9[%dma_start3A_776] : memref<2x!tpu.dma_semaphore, #tpu.memory_space<semaphore_mem>> -> memref<1x!tpu.dma_semaphore, #tpu.memory_space<semaphore_mem>>
      %dma_start3A_786 = tpu.memref_squeeze %dma_start3A_785 : memref<1x!tpu.dma_semaphore, #tpu.memory_space<semaphore_mem>> -> memref<!tpu.dma_semaphore, #tpu.memory_space<semaphore_mem>>
      %dma_start3A_787 = arith.constant 0 : i32
      %dma_start3A_788 = arith.constant 0 : i32
      %dma_start3A_789 = tpu.memref_slice %arg4[%add3A_591, %dma_start3A_775, %add3A, %dma_start3A_787, %dma_start3A_788] : memref<200x8x32x8x128xf32, #tpu.memory_space<hbm>> -> memref<1x1x1x8x128xf32, #tpu.memory_space<hbm>>
      %dma_start3A_790 = tpu.memref_squeeze %dma_start3A_789 : memref<1x1x1x8x128xf32, #tpu.memory_space<hbm>> -> memref<8x128xf32, #tpu.memory_space<hbm>>
      %dma_start3A_791 = arith.constant 56 : i32
      %dma_start3A_792 = arith.constant 0 : i32
      %dma_start3A_793 = tpu.memref_slice %arg7[%dma_start3A_774, %dma_start3A_791, %dma_start3A_792] : memref<2x64x129xf32, #tpu.memory_space<vmem>> -> memref<1x8x128xf32, #tpu.memory_space<vmem>>
      %dma_start3A_794 = tpu.memref_squeeze %dma_start3A_793 : memref<1x8x128xf32, #tpu.memory_space<vmem>> -> memref<8x128xf32, #tpu.memory_space<vmem>>
      tpu.enqueue_dma source(%dma_start3A_794 : memref<8x128xf32, #tpu.memory_space<vmem>>) target(%dma_start3A_790 : memref<8x128xf32, #tpu.memory_space<hbm>>) target_semaphore(%dma_start3A_786 : memref<!tpu.dma_semaphore, #tpu.memory_space<semaphore_mem>>)
    }
    %scan3A_33 = arith.constant 100 : i32
    %dma_wait3A = arith.constant 0 : i32
    %dma_wait3A_34 = arith.constant 0 : i32
    %dma_wait3A_35 = arith.constant 0 : i32
    %dma_wait3A_36 = arith.constant 0 : i32
    %dma_wait3A_37 = arith.constant 0 : i32
    %dma_wait3A_38 = arith.constant 0 : i32
    %dma_wait3A_39 = tpu.memref_slice %arg7[%dma_wait3A, %dma_wait3A_37, %dma_wait3A_38] : memref<2x64x129xf32, #tpu.memory_space<vmem>> -> memref<1x8x128xf32, #tpu.memory_space<vmem>>
    %dma_wait3A_40 = tpu.memref_squeeze %dma_wait3A_39 : memref<1x8x128xf32, #tpu.memory_space<vmem>> -> memref<8x128xf32, #tpu.memory_space<vmem>>
    %dma_wait3A_41 = arith.constant 0 : i32
    %dma_wait3A_42 = arith.constant 0 : i32
    %dma_wait3A_43 = tpu.memref_slice %arg4[%dma_wait3A_34, %dma_wait3A_35, %add3A, %dma_wait3A_41, %dma_wait3A_42] : memref<200x8x32x8x128xf32, #tpu.memory_space<hbm>> -> memref<1x1x1x8x128xf32, #tpu.memory_space<hbm>>
    %dma_wait3A_44 = tpu.memref_squeeze %dma_wait3A_43 : memref<1x1x1x8x128xf32, #tpu.memory_space<hbm>> -> memref<8x128xf32, #tpu.memory_space<hbm>>
    %dma_wait3A_45 = tpu.memref_slice %arg9[%dma_wait3A_36] : memref<2x!tpu.dma_semaphore, #tpu.memory_space<semaphore_mem>> -> memref<1x!tpu.dma_semaphore, #tpu.memory_space<semaphore_mem>>
    %dma_wait3A_46 = tpu.memref_squeeze %dma_wait3A_45 : memref<1x!tpu.dma_semaphore, #tpu.memory_space<semaphore_mem>> -> memref<!tpu.dma_semaphore, #tpu.memory_space<semaphore_mem>>
    %dma_wait3A_47 = arith.constant 0 : i32
    %dma_wait3A_48 = arith.constant 0 : i32
    %dma_wait3A_49 = tpu.memref_slice %arg4[%dma_wait3A_34, %dma_wait3A_35, %add3A, %dma_wait3A_47, %dma_wait3A_48] : memref<200x8x32x8x128xf32, #tpu.memory_space<hbm>> -> memref<1x1x1x8x128xf32, #tpu.memory_space<hbm>>
    %dma_wait3A_50 = tpu.memref_squeeze %dma_wait3A_49 : memref<1x1x1x8x128xf32, #tpu.memory_space<hbm>> -> memref<8x128xf32, #tpu.memory_space<hbm>>
    %dma_wait3A_51 = arith.constant 0 : i32
    %dma_wait3A_52 = arith.constant 0 : i32
    %dma_wait3A_53 = tpu.memref_slice %arg7[%dma_wait3A, %dma_wait3A_51, %dma_wait3A_52] : memref<2x64x129xf32, #tpu.memory_space<vmem>> -> memref<1x8x128xf32, #tpu.memory_space<vmem>>
    %dma_wait3A_54 = tpu.memref_squeeze %dma_wait3A_53 : memref<1x8x128xf32, #tpu.memory_space<vmem>> -> memref<8x128xf32, #tpu.memory_space<vmem>>
    tpu.wait_dma2 semaphore(%dma_wait3A_46 : memref<!tpu.dma_semaphore, #tpu.memory_space<semaphore_mem>>) src(%dma_wait3A_54 : memref<8x128xf32, #tpu.memory_space<vmem>>) dst(%dma_wait3A_50 : memref<8x128xf32, #tpu.memory_space<hbm>>)
    %dma_wait3A_55 = arith.constant 0 : i32
    %dma_wait3A_56 = arith.constant 0 : i32
    %dma_wait3A_57 = arith.constant 1 : i32
    %dma_wait3A_58 = arith.constant 0 : i32
    %dma_wait3A_59 = arith.constant 8 : i32
    %dma_wait3A_60 = arith.constant 0 : i32
    %dma_wait3A_61 = tpu.memref_slice %arg7[%dma_wait3A_55, %dma_wait3A_59, %dma_wait3A_60] : memref<2x64x129xf32, #tpu.memory_space<vmem>> -> memref<1x8x128xf32, #tpu.memory_space<vmem>>
    %dma_wait3A_62 = tpu.memref_squeeze %dma_wait3A_61 : memref<1x8x128xf32, #tpu.memory_space<vmem>> -> memref<8x128xf32, #tpu.memory_space<vmem>>
    %dma_wait3A_63 = arith.constant 0 : i32
    %dma_wait3A_64 = arith.constant 0 : i32
    %dma_wait3A_65 = tpu.memref_slice %arg4[%dma_wait3A_56, %dma_wait3A_57, %add3A, %dma_wait3A_63, %dma_wait3A_64] : memref<200x8x32x8x128xf32, #tpu.memory_space<hbm>> -> memref<1x1x1x8x128xf32, #tpu.memory_space<hbm>>
    %dma_wait3A_66 = tpu.memref_squeeze %dma_wait3A_65 : memref<1x1x1x8x128xf32, #tpu.memory_space<hbm>> -> memref<8x128xf32, #tpu.memory_space<hbm>>
    %dma_wait3A_67 = tpu.memref_slice %arg9[%dma_wait3A_58] : memref<2x!tpu.dma_semaphore, #tpu.memory_space<semaphore_mem>> -> memref<1x!tpu.dma_semaphore, #tpu.memory_space<semaphore_mem>>
    %dma_wait3A_68 = tpu.memref_squeeze %dma_wait3A_67 : memref<1x!tpu.dma_semaphore, #tpu.memory_space<semaphore_mem>> -> memref<!tpu.dma_semaphore, #tpu.memory_space<semaphore_mem>>
    %dma_wait3A_69 = arith.constant 0 : i32
    %dma_wait3A_70 = arith.constant 0 : i32
    %dma_wait3A_71 = tpu.memref_slice %arg4[%dma_wait3A_56, %dma_wait3A_57, %add3A, %dma_wait3A_69, %dma_wait3A_70] : memref<200x8x32x8x128xf32, #tpu.memory_space<hbm>> -> memref<1x1x1x8x128xf32, #tpu.memory_space<hbm>>
    %dma_wait3A_72 = tpu.memref_squeeze %dma_wait3A_71 : memref<1x1x1x8x128xf32, #tpu.memory_space<hbm>> -> memref<8x128xf32, #tpu.memory_space<hbm>>
    %dma_wait3A_73 = arith.constant 8 : i32
    %dma_wait3A_74 = arith.constant 0 : i32
    %dma_wait3A_75 = tpu.memref_slice %arg7[%dma_wait3A_55, %dma_wait3A_73, %dma_wait3A_74] : memref<2x64x129xf32, #tpu.memory_space<vmem>> -> memref<1x8x128xf32, #tpu.memory_space<vmem>>
    %dma_wait3A_76 = tpu.memref_squeeze %dma_wait3A_75 : memref<1x8x128xf32, #tpu.memory_space<vmem>> -> memref<8x128xf32, #tpu.memory_space<vmem>>
    tpu.wait_dma2 semaphore(%dma_wait3A_68 : memref<!tpu.dma_semaphore, #tpu.memory_space<semaphore_mem>>) src(%dma_wait3A_76 : memref<8x128xf32, #tpu.memory_space<vmem>>) dst(%dma_wait3A_72 : memref<8x128xf32, #tpu.memory_space<hbm>>)
    %dma_wait3A_77 = arith.constant 0 : i32
    %dma_wait3A_78 = arith.constant 0 : i32
    %dma_wait3A_79 = arith.constant 2 : i32
    %dma_wait3A_80 = arith.constant 0 : i32
    %dma_wait3A_81 = arith.constant 16 : i32
    %dma_wait3A_82 = arith.constant 0 : i32
    %dma_wait3A_83 = tpu.memref_slice %arg7[%dma_wait3A_77, %dma_wait3A_81, %dma_wait3A_82] : memref<2x64x129xf32, #tpu.memory_space<vmem>> -> memref<1x8x128xf32, #tpu.memory_space<vmem>>
    %dma_wait3A_84 = tpu.memref_squeeze %dma_wait3A_83 : memref<1x8x128xf32, #tpu.memory_space<vmem>> -> memref<8x128xf32, #tpu.memory_space<vmem>>
    %dma_wait3A_85 = arith.constant 0 : i32
    %dma_wait3A_86 = arith.constant 0 : i32
    %dma_wait3A_87 = tpu.memref_slice %arg4[%dma_wait3A_78, %dma_wait3A_79, %add3A, %dma_wait3A_85, %dma_wait3A_86] : memref<200x8x32x8x128xf32, #tpu.memory_space<hbm>> -> memref<1x1x1x8x128xf32, #tpu.memory_space<hbm>>
    %dma_wait3A_88 = tpu.memref_squeeze %dma_wait3A_87 : memref<1x1x1x8x128xf32, #tpu.memory_space<hbm>> -> memref<8x128xf32, #tpu.memory_space<hbm>>
    %dma_wait3A_89 = tpu.memref_slice %arg9[%dma_wait3A_80] : memref<2x!tpu.dma_semaphore, #tpu.memory_space<semaphore_mem>> -> memref<1x!tpu.dma_semaphore, #tpu.memory_space<semaphore_mem>>
    %dma_wait3A_90 = tpu.memref_squeeze %dma_wait3A_89 : memref<1x!tpu.dma_semaphore, #tpu.memory_space<semaphore_mem>> -> memref<!tpu.dma_semaphore, #tpu.memory_space<semaphore_mem>>
    %dma_wait3A_91 = arith.constant 0 : i32
    %dma_wait3A_92 = arith.constant 0 : i32
    %dma_wait3A_93 = tpu.memref_slice %arg4[%dma_wait3A_78, %dma_wait3A_79, %add3A, %dma_wait3A_91, %dma_wait3A_92] : memref<200x8x32x8x128xf32, #tpu.memory_space<hbm>> -> memref<1x1x1x8x128xf32, #tpu.memory_space<hbm>>
    %dma_wait3A_94 = tpu.memref_squeeze %dma_wait3A_93 : memref<1x1x1x8x128xf32, #tpu.memory_space<hbm>> -> memref<8x128xf32, #tpu.memory_space<hbm>>
    %dma_wait3A_95 = arith.constant 16 : i32
    %dma_wait3A_96 = arith.constant 0 : i32
    %dma_wait3A_97 = tpu.memref_slice %arg7[%dma_wait3A_77, %dma_wait3A_95, %dma_wait3A_96] : memref<2x64x129xf32, #tpu.memory_space<vmem>> -> memref<1x8x128xf32, #tpu.memory_space<vmem>>
    %dma_wait3A_98 = tpu.memref_squeeze %dma_wait3A_97 : memref<1x8x128xf32, #tpu.memory_space<vmem>> -> memref<8x128xf32, #tpu.memory_space<vmem>>
    tpu.wait_dma2 semaphore(%dma_wait3A_90 : memref<!tpu.dma_semaphore, #tpu.memory_space<semaphore_mem>>) src(%dma_wait3A_98 : memref<8x128xf32, #tpu.memory_space<vmem>>) dst(%dma_wait3A_94 : memref<8x128xf32, #tpu.memory_space<hbm>>)
    %dma_wait3A_99 = arith.constant 0 : i32
    %dma_wait3A_100 = arith.constant 0 : i32
    %dma_wait3A_101 = arith.constant 3 : i32
    %dma_wait3A_102 = arith.constant 0 : i32
    %dma_wait3A_103 = arith.constant 24 : i32
    %dma_wait3A_104 = arith.constant 0 : i32
    %dma_wait3A_105 = tpu.memref_slice %arg7[%dma_wait3A_99, %dma_wait3A_103, %dma_wait3A_104] : memref<2x64x129xf32, #tpu.memory_space<vmem>> -> memref<1x8x128xf32, #tpu.memory_space<vmem>>
    %dma_wait3A_106 = tpu.memref_squeeze %dma_wait3A_105 : memref<1x8x128xf32, #tpu.memory_space<vmem>> -> memref<8x128xf32, #tpu.memory_space<vmem>>
    %dma_wait3A_107 = arith.constant 0 : i32
    %dma_wait3A_108 = arith.constant 0 : i32
    %dma_wait3A_109 = tpu.memref_slice %arg4[%dma_wait3A_100, %dma_wait3A_101, %add3A, %dma_wait3A_107, %dma_wait3A_108] : memref<200x8x32x8x128xf32, #tpu.memory_space<hbm>> -> memref<1x1x1x8x128xf32, #tpu.memory_space<hbm>>
    %dma_wait3A_110 = tpu.memref_squeeze %dma_wait3A_109 : memref<1x1x1x8x128xf32, #tpu.memory_space<hbm>> -> memref<8x128xf32, #tpu.memory_space<hbm>>
    %dma_wait3A_111 = tpu.memref_slice %arg9[%dma_wait3A_102] : memref<2x!tpu.dma_semaphore, #tpu.memory_space<semaphore_mem>> -> memref<1x!tpu.dma_semaphore, #tpu.memory_space<semaphore_mem>>
    %dma_wait3A_112 = tpu.memref_squeeze %dma_wait3A_111 : memref<1x!tpu.dma_semaphore, #tpu.memory_space<semaphore_mem>> -> memref<!tpu.dma_semaphore, #tpu.memory_space<semaphore_mem>>
    %dma_wait3A_113 = arith.constant 0 : i32
    %dma_wait3A_114 = arith.constant 0 : i32
    %dma_wait3A_115 = tpu.memref_slice %arg4[%dma_wait3A_100, %dma_wait3A_101, %add3A, %dma_wait3A_113, %dma_wait3A_114] : memref<200x8x32x8x128xf32, #tpu.memory_space<hbm>> -> memref<1x1x1x8x128xf32, #tpu.memory_space<hbm>>
    %dma_wait3A_116 = tpu.memref_squeeze %dma_wait3A_115 : memref<1x1x1x8x128xf32, #tpu.memory_space<hbm>> -> memref<8x128xf32, #tpu.memory_space<hbm>>
    %dma_wait3A_117 = arith.constant 24 : i32
    %dma_wait3A_118 = arith.constant 0 : i32
    %dma_wait3A_119 = tpu.memref_slice %arg7[%dma_wait3A_99, %dma_wait3A_117, %dma_wait3A_118] : memref<2x64x129xf32, #tpu.memory_space<vmem>> -> memref<1x8x128xf32, #tpu.memory_space<vmem>>
    %dma_wait3A_120 = tpu.memref_squeeze %dma_wait3A_119 : memref<1x8x128xf32, #tpu.memory_space<vmem>> -> memref<8x128xf32, #tpu.memory_space<vmem>>
    tpu.wait_dma2 semaphore(%dma_wait3A_112 : memref<!tpu.dma_semaphore, #tpu.memory_space<semaphore_mem>>) src(%dma_wait3A_120 : memref<8x128xf32, #tpu.memory_space<vmem>>) dst(%dma_wait3A_116 : memref<8x128xf32, #tpu.memory_space<hbm>>)
    %dma_wait3A_121 = arith.constant 0 : i32
    %dma_wait3A_122 = arith.constant 0 : i32
    %dma_wait3A_123 = arith.constant 4 : i32
    %dma_wait3A_124 = arith.constant 0 : i32
    %dma_wait3A_125 = arith.constant 32 : i32
    %dma_wait3A_126 = arith.constant 0 : i32
    %dma_wait3A_127 = tpu.memref_slice %arg7[%dma_wait3A_121, %dma_wait3A_125, %dma_wait3A_126] : memref<2x64x129xf32, #tpu.memory_space<vmem>> -> memref<1x8x128xf32, #tpu.memory_space<vmem>>
    %dma_wait3A_128 = tpu.memref_squeeze %dma_wait3A_127 : memref<1x8x128xf32, #tpu.memory_space<vmem>> -> memref<8x128xf32, #tpu.memory_space<vmem>>
    %dma_wait3A_129 = arith.constant 0 : i32
    %dma_wait3A_130 = arith.constant 0 : i32
    %dma_wait3A_131 = tpu.memref_slice %arg4[%dma_wait3A_122, %dma_wait3A_123, %add3A, %dma_wait3A_129, %dma_wait3A_130] : memref<200x8x32x8x128xf32, #tpu.memory_space<hbm>> -> memref<1x1x1x8x128xf32, #tpu.memory_space<hbm>>
    %dma_wait3A_132 = tpu.memref_squeeze %dma_wait3A_131 : memref<1x1x1x8x128xf32, #tpu.memory_space<hbm>> -> memref<8x128xf32, #tpu.memory_space<hbm>>
    %dma_wait3A_133 = tpu.memref_slice %arg9[%dma_wait3A_124] : memref<2x!tpu.dma_semaphore, #tpu.memory_space<semaphore_mem>> -> memref<1x!tpu.dma_semaphore, #tpu.memory_space<semaphore_mem>>
    %dma_wait3A_134 = tpu.memref_squeeze %dma_wait3A_133 : memref<1x!tpu.dma_semaphore, #tpu.memory_space<semaphore_mem>> -> memref<!tpu.dma_semaphore, #tpu.memory_space<semaphore_mem>>
    %dma_wait3A_135 = arith.constant 0 : i32
    %dma_wait3A_136 = arith.constant 0 : i32
    %dma_wait3A_137 = tpu.memref_slice %arg4[%dma_wait3A_122, %dma_wait3A_123, %add3A, %dma_wait3A_135, %dma_wait3A_136] : memref<200x8x32x8x128xf32, #tpu.memory_space<hbm>> -> memref<1x1x1x8x128xf32, #tpu.memory_space<hbm>>
    %dma_wait3A_138 = tpu.memref_squeeze %dma_wait3A_137 : memref<1x1x1x8x128xf32, #tpu.memory_space<hbm>> -> memref<8x128xf32, #tpu.memory_space<hbm>>
    %dma_wait3A_139 = arith.constant 32 : i32
    %dma_wait3A_140 = arith.constant 0 : i32
    %dma_wait3A_141 = tpu.memref_slice %arg7[%dma_wait3A_121, %dma_wait3A_139, %dma_wait3A_140] : memref<2x64x129xf32, #tpu.memory_space<vmem>> -> memref<1x8x128xf32, #tpu.memory_space<vmem>>
    %dma_wait3A_142 = tpu.memref_squeeze %dma_wait3A_141 : memref<1x8x128xf32, #tpu.memory_space<vmem>> -> memref<8x128xf32, #tpu.memory_space<vmem>>
    tpu.wait_dma2 semaphore(%dma_wait3A_134 : memref<!tpu.dma_semaphore, #tpu.memory_space<semaphore_mem>>) src(%dma_wait3A_142 : memref<8x128xf32, #tpu.memory_space<vmem>>) dst(%dma_wait3A_138 : memref<8x128xf32, #tpu.memory_space<hbm>>)
    %dma_wait3A_143 = arith.constant 0 : i32
    %dma_wait3A_144 = arith.constant 0 : i32
    %dma_wait3A_145 = arith.constant 5 : i32
    %dma_wait3A_146 = arith.constant 0 : i32
    %dma_wait3A_147 = arith.constant 40 : i32
    %dma_wait3A_148 = arith.constant 0 : i32
    %dma_wait3A_149 = tpu.memref_slice %arg7[%dma_wait3A_143, %dma_wait3A_147, %dma_wait3A_148] : memref<2x64x129xf32, #tpu.memory_space<vmem>> -> memref<1x8x128xf32, #tpu.memory_space<vmem>>
    %dma_wait3A_150 = tpu.memref_squeeze %dma_wait3A_149 : memref<1x8x128xf32, #tpu.memory_space<vmem>> -> memref<8x128xf32, #tpu.memory_space<vmem>>
    %dma_wait3A_151 = arith.constant 0 : i32
    %dma_wait3A_152 = arith.constant 0 : i32
    %dma_wait3A_153 = tpu.memref_slice %arg4[%dma_wait3A_144, %dma_wait3A_145, %add3A, %dma_wait3A_151, %dma_wait3A_152] : memref<200x8x32x8x128xf32, #tpu.memory_space<hbm>> -> memref<1x1x1x8x128xf32, #tpu.memory_space<hbm>>
    %dma_wait3A_154 = tpu.memref_squeeze %dma_wait3A_153 : memref<1x1x1x8x128xf32, #tpu.memory_space<hbm>> -> memref<8x128xf32, #tpu.memory_space<hbm>>
    %dma_wait3A_155 = tpu.memref_slice %arg9[%dma_wait3A_146] : memref<2x!tpu.dma_semaphore, #tpu.memory_space<semaphore_mem>> -> memref<1x!tpu.dma_semaphore, #tpu.memory_space<semaphore_mem>>
    %dma_wait3A_156 = tpu.memref_squeeze %dma_wait3A_155 : memref<1x!tpu.dma_semaphore, #tpu.memory_space<semaphore_mem>> -> memref<!tpu.dma_semaphore, #tpu.memory_space<semaphore_mem>>
    %dma_wait3A_157 = arith.constant 0 : i32
    %dma_wait3A_158 = arith.constant 0 : i32
    %dma_wait3A_159 = tpu.memref_slice %arg4[%dma_wait3A_144, %dma_wait3A_145, %add3A, %dma_wait3A_157, %dma_wait3A_158] : memref<200x8x32x8x128xf32, #tpu.memory_space<hbm>> -> memref<1x1x1x8x128xf32, #tpu.memory_space<hbm>>
    %dma_wait3A_160 = tpu.memref_squeeze %dma_wait3A_159 : memref<1x1x1x8x128xf32, #tpu.memory_space<hbm>> -> memref<8x128xf32, #tpu.memory_space<hbm>>
    %dma_wait3A_161 = arith.constant 40 : i32
    %dma_wait3A_162 = arith.constant 0 : i32
    %dma_wait3A_163 = tpu.memref_slice %arg7[%dma_wait3A_143, %dma_wait3A_161, %dma_wait3A_162] : memref<2x64x129xf32, #tpu.memory_space<vmem>> -> memref<1x8x128xf32, #tpu.memory_space<vmem>>
    %dma_wait3A_164 = tpu.memref_squeeze %dma_wait3A_163 : memref<1x8x128xf32, #tpu.memory_space<vmem>> -> memref<8x128xf32, #tpu.memory_space<vmem>>
    tpu.wait_dma2 semaphore(%dma_wait3A_156 : memref<!tpu.dma_semaphore, #tpu.memory_space<semaphore_mem>>) src(%dma_wait3A_164 : memref<8x128xf32, #tpu.memory_space<vmem>>) dst(%dma_wait3A_160 : memref<8x128xf32, #tpu.memory_space<hbm>>)
    %dma_wait3A_165 = arith.constant 0 : i32
    %dma_wait3A_166 = arith.constant 0 : i32
    %dma_wait3A_167 = arith.constant 6 : i32
    %dma_wait3A_168 = arith.constant 0 : i32
    %dma_wait3A_169 = arith.constant 48 : i32
    %dma_wait3A_170 = arith.constant 0 : i32
    %dma_wait3A_171 = tpu.memref_slice %arg7[%dma_wait3A_165, %dma_wait3A_169, %dma_wait3A_170] : memref<2x64x129xf32, #tpu.memory_space<vmem>> -> memref<1x8x128xf32, #tpu.memory_space<vmem>>
    %dma_wait3A_172 = tpu.memref_squeeze %dma_wait3A_171 : memref<1x8x128xf32, #tpu.memory_space<vmem>> -> memref<8x128xf32, #tpu.memory_space<vmem>>
    %dma_wait3A_173 = arith.constant 0 : i32
    %dma_wait3A_174 = arith.constant 0 : i32
    %dma_wait3A_175 = tpu.memref_slice %arg4[%dma_wait3A_166, %dma_wait3A_167, %add3A, %dma_wait3A_173, %dma_wait3A_174] : memref<200x8x32x8x128xf32, #tpu.memory_space<hbm>> -> memref<1x1x1x8x128xf32, #tpu.memory_space<hbm>>
    %dma_wait3A_176 = tpu.memref_squeeze %dma_wait3A_175 : memref<1x1x1x8x128xf32, #tpu.memory_space<hbm>> -> memref<8x128xf32, #tpu.memory_space<hbm>>
    %dma_wait3A_177 = tpu.memref_slice %arg9[%dma_wait3A_168] : memref<2x!tpu.dma_semaphore, #tpu.memory_space<semaphore_mem>> -> memref<1x!tpu.dma_semaphore, #tpu.memory_space<semaphore_mem>>
    %dma_wait3A_178 = tpu.memref_squeeze %dma_wait3A_177 : memref<1x!tpu.dma_semaphore, #tpu.memory_space<semaphore_mem>> -> memref<!tpu.dma_semaphore, #tpu.memory_space<semaphore_mem>>
    %dma_wait3A_179 = arith.constant 0 : i32
    %dma_wait3A_180 = arith.constant 0 : i32
    %dma_wait3A_181 = tpu.memref_slice %arg4[%dma_wait3A_166, %dma_wait3A_167, %add3A, %dma_wait3A_179, %dma_wait3A_180] : memref<200x8x32x8x128xf32, #tpu.memory_space<hbm>> -> memref<1x1x1x8x128xf32, #tpu.memory_space<hbm>>
    %dma_wait3A_182 = tpu.memref_squeeze %dma_wait3A_181 : memref<1x1x1x8x128xf32, #tpu.memory_space<hbm>> -> memref<8x128xf32, #tpu.memory_space<hbm>>
    %dma_wait3A_183 = arith.constant 48 : i32
    %dma_wait3A_184 = arith.constant 0 : i32
    %dma_wait3A_185 = tpu.memref_slice %arg7[%dma_wait3A_165, %dma_wait3A_183, %dma_wait3A_184] : memref<2x64x129xf32, #tpu.memory_space<vmem>> -> memref<1x8x128xf32, #tpu.memory_space<vmem>>
    %dma_wait3A_186 = tpu.memref_squeeze %dma_wait3A_185 : memref<1x8x128xf32, #tpu.memory_space<vmem>> -> memref<8x128xf32, #tpu.memory_space<vmem>>
    tpu.wait_dma2 semaphore(%dma_wait3A_178 : memref<!tpu.dma_semaphore, #tpu.memory_space<semaphore_mem>>) src(%dma_wait3A_186 : memref<8x128xf32, #tpu.memory_space<vmem>>) dst(%dma_wait3A_182 : memref<8x128xf32, #tpu.memory_space<hbm>>)
    %dma_wait3A_187 = arith.constant 0 : i32
    %dma_wait3A_188 = arith.constant 0 : i32
    %dma_wait3A_189 = arith.constant 7 : i32
    %dma_wait3A_190 = arith.constant 0 : i32
    %dma_wait3A_191 = arith.constant 56 : i32
    %dma_wait3A_192 = arith.constant 0 : i32
    %dma_wait3A_193 = tpu.memref_slice %arg7[%dma_wait3A_187, %dma_wait3A_191, %dma_wait3A_192] : memref<2x64x129xf32, #tpu.memory_space<vmem>> -> memref<1x8x128xf32, #tpu.memory_space<vmem>>
    %dma_wait3A_194 = tpu.memref_squeeze %dma_wait3A_193 : memref<1x8x128xf32, #tpu.memory_space<vmem>> -> memref<8x128xf32, #tpu.memory_space<vmem>>
    %dma_wait3A_195 = arith.constant 0 : i32
    %dma_wait3A_196 = arith.constant 0 : i32
    %dma_wait3A_197 = tpu.memref_slice %arg4[%dma_wait3A_188, %dma_wait3A_189, %add3A, %dma_wait3A_195, %dma_wait3A_196] : memref<200x8x32x8x128xf32, #tpu.memory_space<hbm>> -> memref<1x1x1x8x128xf32, #tpu.memory_space<hbm>>
    %dma_wait3A_198 = tpu.memref_squeeze %dma_wait3A_197 : memref<1x1x1x8x128xf32, #tpu.memory_space<hbm>> -> memref<8x128xf32, #tpu.memory_space<hbm>>
    %dma_wait3A_199 = tpu.memref_slice %arg9[%dma_wait3A_190] : memref<2x!tpu.dma_semaphore, #tpu.memory_space<semaphore_mem>> -> memref<1x!tpu.dma_semaphore, #tpu.memory_space<semaphore_mem>>
    %dma_wait3A_200 = tpu.memref_squeeze %dma_wait3A_199 : memref<1x!tpu.dma_semaphore, #tpu.memory_space<semaphore_mem>> -> memref<!tpu.dma_semaphore, #tpu.memory_space<semaphore_mem>>
    %dma_wait3A_201 = arith.constant 0 : i32
    %dma_wait3A_202 = arith.constant 0 : i32
    %dma_wait3A_203 = tpu.memref_slice %arg4[%dma_wait3A_188, %dma_wait3A_189, %add3A, %dma_wait3A_201, %dma_wait3A_202] : memref<200x8x32x8x128xf32, #tpu.memory_space<hbm>> -> memref<1x1x1x8x128xf32, #tpu.memory_space<hbm>>
    %dma_wait3A_204 = tpu.memref_squeeze %dma_wait3A_203 : memref<1x1x1x8x128xf32, #tpu.memory_space<hbm>> -> memref<8x128xf32, #tpu.memory_space<hbm>>
    %dma_wait3A_205 = arith.constant 56 : i32
    %dma_wait3A_206 = arith.constant 0 : i32
    %dma_wait3A_207 = tpu.memref_slice %arg7[%dma_wait3A_187, %dma_wait3A_205, %dma_wait3A_206] : memref<2x64x129xf32, #tpu.memory_space<vmem>> -> memref<1x8x128xf32, #tpu.memory_space<vmem>>
    %dma_wait3A_208 = tpu.memref_squeeze %dma_wait3A_207 : memref<1x8x128xf32, #tpu.memory_space<vmem>> -> memref<8x128xf32, #tpu.memory_space<vmem>>
    tpu.wait_dma2 semaphore(%dma_wait3A_200 : memref<!tpu.dma_semaphore, #tpu.memory_space<semaphore_mem>>) src(%dma_wait3A_208 : memref<8x128xf32, #tpu.memory_space<vmem>>) dst(%dma_wait3A_204 : memref<8x128xf32, #tpu.memory_space<hbm>>)
    %dma_wait3A_209 = arith.constant 1 : i32
    %dma_wait3A_210 = arith.constant 0 : i32
    %dma_wait3A_211 = arith.constant 0 : i32
    %dma_wait3A_212 = arith.constant 1 : i32
    %dma_wait3A_213 = arith.constant 0 : i32
    %dma_wait3A_214 = arith.constant 0 : i32
    %dma_wait3A_215 = tpu.memref_slice %arg7[%dma_wait3A_209, %dma_wait3A_213, %dma_wait3A_214] : memref<2x64x129xf32, #tpu.memory_space<vmem>> -> memref<1x8x128xf32, #tpu.memory_space<vmem>>
    %dma_wait3A_216 = tpu.memref_squeeze %dma_wait3A_215 : memref<1x8x128xf32, #tpu.memory_space<vmem>> -> memref<8x128xf32, #tpu.memory_space<vmem>>
    %dma_wait3A_217 = arith.constant 0 : i32
    %dma_wait3A_218 = arith.constant 0 : i32
    %dma_wait3A_219 = tpu.memref_slice %arg4[%dma_wait3A_210, %dma_wait3A_211, %add3A, %dma_wait3A_217, %dma_wait3A_218] : memref<200x8x32x8x128xf32, #tpu.memory_space<hbm>> -> memref<1x1x1x8x128xf32, #tpu.memory_space<hbm>>
    %dma_wait3A_220 = tpu.memref_squeeze %dma_wait3A_219 : memref<1x1x1x8x128xf32, #tpu.memory_space<hbm>> -> memref<8x128xf32, #tpu.memory_space<hbm>>
    %dma_wait3A_221 = tpu.memref_slice %arg9[%dma_wait3A_212] : memref<2x!tpu.dma_semaphore, #tpu.memory_space<semaphore_mem>> -> memref<1x!tpu.dma_semaphore, #tpu.memory_space<semaphore_mem>>
    %dma_wait3A_222 = tpu.memref_squeeze %dma_wait3A_221 : memref<1x!tpu.dma_semaphore, #tpu.memory_space<semaphore_mem>> -> memref<!tpu.dma_semaphore, #tpu.memory_space<semaphore_mem>>
    %dma_wait3A_223 = arith.constant 0 : i32
    %dma_wait3A_224 = arith.constant 0 : i32
    %dma_wait3A_225 = tpu.memref_slice %arg4[%dma_wait3A_210, %dma_wait3A_211, %add3A, %dma_wait3A_223, %dma_wait3A_224] : memref<200x8x32x8x128xf32, #tpu.memory_space<hbm>> -> memref<1x1x1x8x128xf32, #tpu.memory_space<hbm>>
    %dma_wait3A_226 = tpu.memref_squeeze %dma_wait3A_225 : memref<1x1x1x8x128xf32, #tpu.memory_space<hbm>> -> memref<8x128xf32, #tpu.memory_space<hbm>>
    %dma_wait3A_227 = arith.constant 0 : i32
    %dma_wait3A_228 = arith.constant 0 : i32
    %dma_wait3A_229 = tpu.memref_slice %arg7[%dma_wait3A_209, %dma_wait3A_227, %dma_wait3A_228] : memref<2x64x129xf32, #tpu.memory_space<vmem>> -> memref<1x8x128xf32, #tpu.memory_space<vmem>>
    %dma_wait3A_230 = tpu.memref_squeeze %dma_wait3A_229 : memref<1x8x128xf32, #tpu.memory_space<vmem>> -> memref<8x128xf32, #tpu.memory_space<vmem>>
    tpu.wait_dma2 semaphore(%dma_wait3A_222 : memref<!tpu.dma_semaphore, #tpu.memory_space<semaphore_mem>>) src(%dma_wait3A_230 : memref<8x128xf32, #tpu.memory_space<vmem>>) dst(%dma_wait3A_226 : memref<8x128xf32, #tpu.memory_space<hbm>>)
    %dma_wait3A_231 = arith.constant 1 : i32
    %dma_wait3A_232 = arith.constant 0 : i32
    %dma_wait3A_233 = arith.constant 1 : i32
    %dma_wait3A_234 = arith.constant 1 : i32
    %dma_wait3A_235 = arith.constant 8 : i32
    %dma_wait3A_236 = arith.constant 0 : i32
    %dma_wait3A_237 = tpu.memref_slice %arg7[%dma_wait3A_231, %dma_wait3A_235, %dma_wait3A_236] : memref<2x64x129xf32, #tpu.memory_space<vmem>> -> memref<1x8x128xf32, #tpu.memory_space<vmem>>
    %dma_wait3A_238 = tpu.memref_squeeze %dma_wait3A_237 : memref<1x8x128xf32, #tpu.memory_space<vmem>> -> memref<8x128xf32, #tpu.memory_space<vmem>>
    %dma_wait3A_239 = arith.constant 0 : i32
    %dma_wait3A_240 = arith.constant 0 : i32
    %dma_wait3A_241 = tpu.memref_slice %arg4[%dma_wait3A_232, %dma_wait3A_233, %add3A, %dma_wait3A_239, %dma_wait3A_240] : memref<200x8x32x8x128xf32, #tpu.memory_space<hbm>> -> memref<1x1x1x8x128xf32, #tpu.memory_space<hbm>>
    %dma_wait3A_242 = tpu.memref_squeeze %dma_wait3A_241 : memref<1x1x1x8x128xf32, #tpu.memory_space<hbm>> -> memref<8x128xf32, #tpu.memory_space<hbm>>
    %dma_wait3A_243 = tpu.memref_slice %arg9[%dma_wait3A_234] : memref<2x!tpu.dma_semaphore, #tpu.memory_space<semaphore_mem>> -> memref<1x!tpu.dma_semaphore, #tpu.memory_space<semaphore_mem>>
    %dma_wait3A_244 = tpu.memref_squeeze %dma_wait3A_243 : memref<1x!tpu.dma_semaphore, #tpu.memory_space<semaphore_mem>> -> memref<!tpu.dma_semaphore, #tpu.memory_space<semaphore_mem>>
    %dma_wait3A_245 = arith.constant 0 : i32
    %dma_wait3A_246 = arith.constant 0 : i32
    %dma_wait3A_247 = tpu.memref_slice %arg4[%dma_wait3A_232, %dma_wait3A_233, %add3A, %dma_wait3A_245, %dma_wait3A_246] : memref<200x8x32x8x128xf32, #tpu.memory_space<hbm>> -> memref<1x1x1x8x128xf32, #tpu.memory_space<hbm>>
    %dma_wait3A_248 = tpu.memref_squeeze %dma_wait3A_247 : memref<1x1x1x8x128xf32, #tpu.memory_space<hbm>> -> memref<8x128xf32, #tpu.memory_space<hbm>>
    %dma_wait3A_249 = arith.constant 8 : i32
    %dma_wait3A_250 = arith.constant 0 : i32
    %dma_wait3A_251 = tpu.memref_slice %arg7[%dma_wait3A_231, %dma_wait3A_249, %dma_wait3A_250] : memref<2x64x129xf32, #tpu.memory_space<vmem>> -> memref<1x8x128xf32, #tpu.memory_space<vmem>>
    %dma_wait3A_252 = tpu.memref_squeeze %dma_wait3A_251 : memref<1x8x128xf32, #tpu.memory_space<vmem>> -> memref<8x128xf32, #tpu.memory_space<vmem>>
    tpu.wait_dma2 semaphore(%dma_wait3A_244 : memref<!tpu.dma_semaphore, #tpu.memory_space<semaphore_mem>>) src(%dma_wait3A_252 : memref<8x128xf32, #tpu.memory_space<vmem>>) dst(%dma_wait3A_248 : memref<8x128xf32, #tpu.memory_space<hbm>>)
    %dma_wait3A_253 = arith.constant 1 : i32
    %dma_wait3A_254 = arith.constant 0 : i32
    %dma_wait3A_255 = arith.constant 2 : i32
    %dma_wait3A_256 = arith.constant 1 : i32
    %dma_wait3A_257 = arith.constant 16 : i32
    %dma_wait3A_258 = arith.constant 0 : i32
    %dma_wait3A_259 = tpu.memref_slice %arg7[%dma_wait3A_253, %dma_wait3A_257, %dma_wait3A_258] : memref<2x64x129xf32, #tpu.memory_space<vmem>> -> memref<1x8x128xf32, #tpu.memory_space<vmem>>
    %dma_wait3A_260 = tpu.memref_squeeze %dma_wait3A_259 : memref<1x8x128xf32, #tpu.memory_space<vmem>> -> memref<8x128xf32, #tpu.memory_space<vmem>>
    %dma_wait3A_261 = arith.constant 0 : i32
    %dma_wait3A_262 = arith.constant 0 : i32
    %dma_wait3A_263 = tpu.memref_slice %arg4[%dma_wait3A_254, %dma_wait3A_255, %add3A, %dma_wait3A_261, %dma_wait3A_262] : memref<200x8x32x8x128xf32, #tpu.memory_space<hbm>> -> memref<1x1x1x8x128xf32, #tpu.memory_space<hbm>>
    %dma_wait3A_264 = tpu.memref_squeeze %dma_wait3A_263 : memref<1x1x1x8x128xf32, #tpu.memory_space<hbm>> -> memref<8x128xf32, #tpu.memory_space<hbm>>
    %dma_wait3A_265 = tpu.memref_slice %arg9[%dma_wait3A_256] : memref<2x!tpu.dma_semaphore, #tpu.memory_space<semaphore_mem>> -> memref<1x!tpu.dma_semaphore, #tpu.memory_space<semaphore_mem>>
    %dma_wait3A_266 = tpu.memref_squeeze %dma_wait3A_265 : memref<1x!tpu.dma_semaphore, #tpu.memory_space<semaphore_mem>> -> memref<!tpu.dma_semaphore, #tpu.memory_space<semaphore_mem>>
    %dma_wait3A_267 = arith.constant 0 : i32
    %dma_wait3A_268 = arith.constant 0 : i32
    %dma_wait3A_269 = tpu.memref_slice %arg4[%dma_wait3A_254, %dma_wait3A_255, %add3A, %dma_wait3A_267, %dma_wait3A_268] : memref<200x8x32x8x128xf32, #tpu.memory_space<hbm>> -> memref<1x1x1x8x128xf32, #tpu.memory_space<hbm>>
    %dma_wait3A_270 = tpu.memref_squeeze %dma_wait3A_269 : memref<1x1x1x8x128xf32, #tpu.memory_space<hbm>> -> memref<8x128xf32, #tpu.memory_space<hbm>>
    %dma_wait3A_271 = arith.constant 16 : i32
    %dma_wait3A_272 = arith.constant 0 : i32
    %dma_wait3A_273 = tpu.memref_slice %arg7[%dma_wait3A_253, %dma_wait3A_271, %dma_wait3A_272] : memref<2x64x129xf32, #tpu.memory_space<vmem>> -> memref<1x8x128xf32, #tpu.memory_space<vmem>>
    %dma_wait3A_274 = tpu.memref_squeeze %dma_wait3A_273 : memref<1x8x128xf32, #tpu.memory_space<vmem>> -> memref<8x128xf32, #tpu.memory_space<vmem>>
    tpu.wait_dma2 semaphore(%dma_wait3A_266 : memref<!tpu.dma_semaphore, #tpu.memory_space<semaphore_mem>>) src(%dma_wait3A_274 : memref<8x128xf32, #tpu.memory_space<vmem>>) dst(%dma_wait3A_270 : memref<8x128xf32, #tpu.memory_space<hbm>>)
    %dma_wait3A_275 = arith.constant 1 : i32
    %dma_wait3A_276 = arith.constant 0 : i32
    %dma_wait3A_277 = arith.constant 3 : i32
    %dma_wait3A_278 = arith.constant 1 : i32
    %dma_wait3A_279 = arith.constant 24 : i32
    %dma_wait3A_280 = arith.constant 0 : i32
    %dma_wait3A_281 = tpu.memref_slice %arg7[%dma_wait3A_275, %dma_wait3A_279, %dma_wait3A_280] : memref<2x64x129xf32, #tpu.memory_space<vmem>> -> memref<1x8x128xf32, #tpu.memory_space<vmem>>
    %dma_wait3A_282 = tpu.memref_squeeze %dma_wait3A_281 : memref<1x8x128xf32, #tpu.memory_space<vmem>> -> memref<8x128xf32, #tpu.memory_space<vmem>>
    %dma_wait3A_283 = arith.constant 0 : i32
    %dma_wait3A_284 = arith.constant 0 : i32
    %dma_wait3A_285 = tpu.memref_slice %arg4[%dma_wait3A_276, %dma_wait3A_277, %add3A, %dma_wait3A_283, %dma_wait3A_284] : memref<200x8x32x8x128xf32, #tpu.memory_space<hbm>> -> memref<1x1x1x8x128xf32, #tpu.memory_space<hbm>>
    %dma_wait3A_286 = tpu.memref_squeeze %dma_wait3A_285 : memref<1x1x1x8x128xf32, #tpu.memory_space<hbm>> -> memref<8x128xf32, #tpu.memory_space<hbm>>
    %dma_wait3A_287 = tpu.memref_slice %arg9[%dma_wait3A_278] : memref<2x!tpu.dma_semaphore, #tpu.memory_space<semaphore_mem>> -> memref<1x!tpu.dma_semaphore, #tpu.memory_space<semaphore_mem>>
    %dma_wait3A_288 = tpu.memref_squeeze %dma_wait3A_287 : memref<1x!tpu.dma_semaphore, #tpu.memory_space<semaphore_mem>> -> memref<!tpu.dma_semaphore, #tpu.memory_space<semaphore_mem>>
    %dma_wait3A_289 = arith.constant 0 : i32
    %dma_wait3A_290 = arith.constant 0 : i32
    %dma_wait3A_291 = tpu.memref_slice %arg4[%dma_wait3A_276, %dma_wait3A_277, %add3A, %dma_wait3A_289, %dma_wait3A_290] : memref<200x8x32x8x128xf32, #tpu.memory_space<hbm>> -> memref<1x1x1x8x128xf32, #tpu.memory_space<hbm>>
    %dma_wait3A_292 = tpu.memref_squeeze %dma_wait3A_291 : memref<1x1x1x8x128xf32, #tpu.memory_space<hbm>> -> memref<8x128xf32, #tpu.memory_space<hbm>>
    %dma_wait3A_293 = arith.constant 24 : i32
    %dma_wait3A_294 = arith.constant 0 : i32
    %dma_wait3A_295 = tpu.memref_slice %arg7[%dma_wait3A_275, %dma_wait3A_293, %dma_wait3A_294] : memref<2x64x129xf32, #tpu.memory_space<vmem>> -> memref<1x8x128xf32, #tpu.memory_space<vmem>>
    %dma_wait3A_296 = tpu.memref_squeeze %dma_wait3A_295 : memref<1x8x128xf32, #tpu.memory_space<vmem>> -> memref<8x128xf32, #tpu.memory_space<vmem>>
    tpu.wait_dma2 semaphore(%dma_wait3A_288 : memref<!tpu.dma_semaphore, #tpu.memory_space<semaphore_mem>>) src(%dma_wait3A_296 : memref<8x128xf32, #tpu.memory_space<vmem>>) dst(%dma_wait3A_292 : memref<8x128xf32, #tpu.memory_space<hbm>>)
    %dma_wait3A_297 = arith.constant 1 : i32
    %dma_wait3A_298 = arith.constant 0 : i32
    %dma_wait3A_299 = arith.constant 4 : i32
    %dma_wait3A_300 = arith.constant 1 : i32
    %dma_wait3A_301 = arith.constant 32 : i32
    %dma_wait3A_302 = arith.constant 0 : i32
    %dma_wait3A_303 = tpu.memref_slice %arg7[%dma_wait3A_297, %dma_wait3A_301, %dma_wait3A_302] : memref<2x64x129xf32, #tpu.memory_space<vmem>> -> memref<1x8x128xf32, #tpu.memory_space<vmem>>
    %dma_wait3A_304 = tpu.memref_squeeze %dma_wait3A_303 : memref<1x8x128xf32, #tpu.memory_space<vmem>> -> memref<8x128xf32, #tpu.memory_space<vmem>>
    %dma_wait3A_305 = arith.constant 0 : i32
    %dma_wait3A_306 = arith.constant 0 : i32
    %dma_wait3A_307 = tpu.memref_slice %arg4[%dma_wait3A_298, %dma_wait3A_299, %add3A, %dma_wait3A_305, %dma_wait3A_306] : memref<200x8x32x8x128xf32, #tpu.memory_space<hbm>> -> memref<1x1x1x8x128xf32, #tpu.memory_space<hbm>>
    %dma_wait3A_308 = tpu.memref_squeeze %dma_wait3A_307 : memref<1x1x1x8x128xf32, #tpu.memory_space<hbm>> -> memref<8x128xf32, #tpu.memory_space<hbm>>
    %dma_wait3A_309 = tpu.memref_slice %arg9[%dma_wait3A_300] : memref<2x!tpu.dma_semaphore, #tpu.memory_space<semaphore_mem>> -> memref<1x!tpu.dma_semaphore, #tpu.memory_space<semaphore_mem>>
    %dma_wait3A_310 = tpu.memref_squeeze %dma_wait3A_309 : memref<1x!tpu.dma_semaphore, #tpu.memory_space<semaphore_mem>> -> memref<!tpu.dma_semaphore, #tpu.memory_space<semaphore_mem>>
    %dma_wait3A_311 = arith.constant 0 : i32
    %dma_wait3A_312 = arith.constant 0 : i32
    %dma_wait3A_313 = tpu.memref_slice %arg4[%dma_wait3A_298, %dma_wait3A_299, %add3A, %dma_wait3A_311, %dma_wait3A_312] : memref<200x8x32x8x128xf32, #tpu.memory_space<hbm>> -> memref<1x1x1x8x128xf32, #tpu.memory_space<hbm>>
    %dma_wait3A_314 = tpu.memref_squeeze %dma_wait3A_313 : memref<1x1x1x8x128xf32, #tpu.memory_space<hbm>> -> memref<8x128xf32, #tpu.memory_space<hbm>>
    %dma_wait3A_315 = arith.constant 32 : i32
    %dma_wait3A_316 = arith.constant 0 : i32
    %dma_wait3A_317 = tpu.memref_slice %arg7[%dma_wait3A_297, %dma_wait3A_315, %dma_wait3A_316] : memref<2x64x129xf32, #tpu.memory_space<vmem>> -> memref<1x8x128xf32, #tpu.memory_space<vmem>>
    %dma_wait3A_318 = tpu.memref_squeeze %dma_wait3A_317 : memref<1x8x128xf32, #tpu.memory_space<vmem>> -> memref<8x128xf32, #tpu.memory_space<vmem>>
    tpu.wait_dma2 semaphore(%dma_wait3A_310 : memref<!tpu.dma_semaphore, #tpu.memory_space<semaphore_mem>>) src(%dma_wait3A_318 : memref<8x128xf32, #tpu.memory_space<vmem>>) dst(%dma_wait3A_314 : memref<8x128xf32, #tpu.memory_space<hbm>>)
    %dma_wait3A_319 = arith.constant 1 : i32
    %dma_wait3A_320 = arith.constant 0 : i32
    %dma_wait3A_321 = arith.constant 5 : i32
    %dma_wait3A_322 = arith.constant 1 : i32
    %dma_wait3A_323 = arith.constant 40 : i32
    %dma_wait3A_324 = arith.constant 0 : i32
    %dma_wait3A_325 = tpu.memref_slice %arg7[%dma_wait3A_319, %dma_wait3A_323, %dma_wait3A_324] : memref<2x64x129xf32, #tpu.memory_space<vmem>> -> memref<1x8x128xf32, #tpu.memory_space<vmem>>
    %dma_wait3A_326 = tpu.memref_squeeze %dma_wait3A_325 : memref<1x8x128xf32, #tpu.memory_space<vmem>> -> memref<8x128xf32, #tpu.memory_space<vmem>>
    %dma_wait3A_327 = arith.constant 0 : i32
    %dma_wait3A_328 = arith.constant 0 : i32
    %dma_wait3A_329 = tpu.memref_slice %arg4[%dma_wait3A_320, %dma_wait3A_321, %add3A, %dma_wait3A_327, %dma_wait3A_328] : memref<200x8x32x8x128xf32, #tpu.memory_space<hbm>> -> memref<1x1x1x8x128xf32, #tpu.memory_space<hbm>>
    %dma_wait3A_330 = tpu.memref_squeeze %dma_wait3A_329 : memref<1x1x1x8x128xf32, #tpu.memory_space<hbm>> -> memref<8x128xf32, #tpu.memory_space<hbm>>
    %dma_wait3A_331 = tpu.memref_slice %arg9[%dma_wait3A_322] : memref<2x!tpu.dma_semaphore, #tpu.memory_space<semaphore_mem>> -> memref<1x!tpu.dma_semaphore, #tpu.memory_space<semaphore_mem>>
    %dma_wait3A_332 = tpu.memref_squeeze %dma_wait3A_331 : memref<1x!tpu.dma_semaphore, #tpu.memory_space<semaphore_mem>> -> memref<!tpu.dma_semaphore, #tpu.memory_space<semaphore_mem>>
    %dma_wait3A_333 = arith.constant 0 : i32
    %dma_wait3A_334 = arith.constant 0 : i32
    %dma_wait3A_335 = tpu.memref_slice %arg4[%dma_wait3A_320, %dma_wait3A_321, %add3A, %dma_wait3A_333, %dma_wait3A_334] : memref<200x8x32x8x128xf32, #tpu.memory_space<hbm>> -> memref<1x1x1x8x128xf32, #tpu.memory_space<hbm>>
    %dma_wait3A_336 = tpu.memref_squeeze %dma_wait3A_335 : memref<1x1x1x8x128xf32, #tpu.memory_space<hbm>> -> memref<8x128xf32, #tpu.memory_space<hbm>>
    %dma_wait3A_337 = arith.constant 40 : i32
    %dma_wait3A_338 = arith.constant 0 : i32
    %dma_wait3A_339 = tpu.memref_slice %arg7[%dma_wait3A_319, %dma_wait3A_337, %dma_wait3A_338] : memref<2x64x129xf32, #tpu.memory_space<vmem>> -> memref<1x8x128xf32, #tpu.memory_space<vmem>>
    %dma_wait3A_340 = tpu.memref_squeeze %dma_wait3A_339 : memref<1x8x128xf32, #tpu.memory_space<vmem>> -> memref<8x128xf32, #tpu.memory_space<vmem>>
    tpu.wait_dma2 semaphore(%dma_wait3A_332 : memref<!tpu.dma_semaphore, #tpu.memory_space<semaphore_mem>>) src(%dma_wait3A_340 : memref<8x128xf32, #tpu.memory_space<vmem>>) dst(%dma_wait3A_336 : memref<8x128xf32, #tpu.memory_space<hbm>>)
    %dma_wait3A_341 = arith.constant 1 : i32
    %dma_wait3A_342 = arith.constant 0 : i32
    %dma_wait3A_343 = arith.constant 6 : i32
    %dma_wait3A_344 = arith.constant 1 : i32
    %dma_wait3A_345 = arith.constant 48 : i32
    %dma_wait3A_346 = arith.constant 0 : i32
    %dma_wait3A_347 = tpu.memref_slice %arg7[%dma_wait3A_341, %dma_wait3A_345, %dma_wait3A_346] : memref<2x64x129xf32, #tpu.memory_space<vmem>> -> memref<1x8x128xf32, #tpu.memory_space<vmem>>
    %dma_wait3A_348 = tpu.memref_squeeze %dma_wait3A_347 : memref<1x8x128xf32, #tpu.memory_space<vmem>> -> memref<8x128xf32, #tpu.memory_space<vmem>>
    %dma_wait3A_349 = arith.constant 0 : i32
    %dma_wait3A_350 = arith.constant 0 : i32
    %dma_wait3A_351 = tpu.memref_slice %arg4[%dma_wait3A_342, %dma_wait3A_343, %add3A, %dma_wait3A_349, %dma_wait3A_350] : memref<200x8x32x8x128xf32, #tpu.memory_space<hbm>> -> memref<1x1x1x8x128xf32, #tpu.memory_space<hbm>>
    %dma_wait3A_352 = tpu.memref_squeeze %dma_wait3A_351 : memref<1x1x1x8x128xf32, #tpu.memory_space<hbm>> -> memref<8x128xf32, #tpu.memory_space<hbm>>
    %dma_wait3A_353 = tpu.memref_slice %arg9[%dma_wait3A_344] : memref<2x!tpu.dma_semaphore, #tpu.memory_space<semaphore_mem>> -> memref<1x!tpu.dma_semaphore, #tpu.memory_space<semaphore_mem>>
    %dma_wait3A_354 = tpu.memref_squeeze %dma_wait3A_353 : memref<1x!tpu.dma_semaphore, #tpu.memory_space<semaphore_mem>> -> memref<!tpu.dma_semaphore, #tpu.memory_space<semaphore_mem>>
    %dma_wait3A_355 = arith.constant 0 : i32
    %dma_wait3A_356 = arith.constant 0 : i32
    %dma_wait3A_357 = tpu.memref_slice %arg4[%dma_wait3A_342, %dma_wait3A_343, %add3A, %dma_wait3A_355, %dma_wait3A_356] : memref<200x8x32x8x128xf32, #tpu.memory_space<hbm>> -> memref<1x1x1x8x128xf32, #tpu.memory_space<hbm>>
    %dma_wait3A_358 = tpu.memref_squeeze %dma_wait3A_357 : memref<1x1x1x8x128xf32, #tpu.memory_space<hbm>> -> memref<8x128xf32, #tpu.memory_space<hbm>>
    %dma_wait3A_359 = arith.constant 48 : i32
    %dma_wait3A_360 = arith.constant 0 : i32
    %dma_wait3A_361 = tpu.memref_slice %arg7[%dma_wait3A_341, %dma_wait3A_359, %dma_wait3A_360] : memref<2x64x129xf32, #tpu.memory_space<vmem>> -> memref<1x8x128xf32, #tpu.memory_space<vmem>>
    %dma_wait3A_362 = tpu.memref_squeeze %dma_wait3A_361 : memref<1x8x128xf32, #tpu.memory_space<vmem>> -> memref<8x128xf32, #tpu.memory_space<vmem>>
    tpu.wait_dma2 semaphore(%dma_wait3A_354 : memref<!tpu.dma_semaphore, #tpu.memory_space<semaphore_mem>>) src(%dma_wait3A_362 : memref<8x128xf32, #tpu.memory_space<vmem>>) dst(%dma_wait3A_358 : memref<8x128xf32, #tpu.memory_space<hbm>>)
    %dma_wait3A_363 = arith.constant 1 : i32
    %dma_wait3A_364 = arith.constant 0 : i32
    %dma_wait3A_365 = arith.constant 7 : i32
    %dma_wait3A_366 = arith.constant 1 : i32
    %dma_wait3A_367 = arith.constant 56 : i32
    %dma_wait3A_368 = arith.constant 0 : i32
    %dma_wait3A_369 = tpu.memref_slice %arg7[%dma_wait3A_363, %dma_wait3A_367, %dma_wait3A_368] : memref<2x64x129xf32, #tpu.memory_space<vmem>> -> memref<1x8x128xf32, #tpu.memory_space<vmem>>
    %dma_wait3A_370 = tpu.memref_squeeze %dma_wait3A_369 : memref<1x8x128xf32, #tpu.memory_space<vmem>> -> memref<8x128xf32, #tpu.memory_space<vmem>>
    %dma_wait3A_371 = arith.constant 0 : i32
    %dma_wait3A_372 = arith.constant 0 : i32
    %dma_wait3A_373 = tpu.memref_slice %arg4[%dma_wait3A_364, %dma_wait3A_365, %add3A, %dma_wait3A_371, %dma_wait3A_372] : memref<200x8x32x8x128xf32, #tpu.memory_space<hbm>> -> memref<1x1x1x8x128xf32, #tpu.memory_space<hbm>>
    %dma_wait3A_374 = tpu.memref_squeeze %dma_wait3A_373 : memref<1x1x1x8x128xf32, #tpu.memory_space<hbm>> -> memref<8x128xf32, #tpu.memory_space<hbm>>
    %dma_wait3A_375 = tpu.memref_slice %arg9[%dma_wait3A_366] : memref<2x!tpu.dma_semaphore, #tpu.memory_space<semaphore_mem>> -> memref<1x!tpu.dma_semaphore, #tpu.memory_space<semaphore_mem>>
    %dma_wait3A_376 = tpu.memref_squeeze %dma_wait3A_375 : memref<1x!tpu.dma_semaphore, #tpu.memory_space<semaphore_mem>> -> memref<!tpu.dma_semaphore, #tpu.memory_space<semaphore_mem>>
    %dma_wait3A_377 = arith.constant 0 : i32
    %dma_wait3A_378 = arith.constant 0 : i32
    %dma_wait3A_379 = tpu.memref_slice %arg4[%dma_wait3A_364, %dma_wait3A_365, %add3A, %dma_wait3A_377, %dma_wait3A_378] : memref<200x8x32x8x128xf32, #tpu.memory_space<hbm>> -> memref<1x1x1x8x128xf32, #tpu.memory_space<hbm>>
    %dma_wait3A_380 = tpu.memref_squeeze %dma_wait3A_379 : memref<1x1x1x8x128xf32, #tpu.memory_space<hbm>> -> memref<8x128xf32, #tpu.memory_space<hbm>>
    %dma_wait3A_381 = arith.constant 56 : i32
    %dma_wait3A_382 = arith.constant 0 : i32
    %dma_wait3A_383 = tpu.memref_slice %arg7[%dma_wait3A_363, %dma_wait3A_381, %dma_wait3A_382] : memref<2x64x129xf32, #tpu.memory_space<vmem>> -> memref<1x8x128xf32, #tpu.memory_space<vmem>>
    %dma_wait3A_384 = tpu.memref_squeeze %dma_wait3A_383 : memref<1x8x128xf32, #tpu.memory_space<vmem>> -> memref<8x128xf32, #tpu.memory_space<vmem>>
    tpu.wait_dma2 semaphore(%dma_wait3A_376 : memref<!tpu.dma_semaphore, #tpu.memory_space<semaphore_mem>>) src(%dma_wait3A_384 : memref<8x128xf32, #tpu.memory_space<vmem>>) dst(%dma_wait3A_380 : memref<8x128xf32, #tpu.memory_space<hbm>>)
    return
  }
}

</mosaic_0001>

<sc_bundles>
// kernel: kernel.3.cloned.1.call-start
scs
__scs_entry_jumppad:
0x0: {  	(pc) =	sbr.rel $0x88, $3  }
0x1: {  	(tag) =	ssettag $0x0;
	lr =	simm.s32 $0x1  }
0x2: {  	[smem:$0x3F9F] =	sst lr;
	_ =	strace $0xD0000000  }
0x3: {  	_ = 	snop  }
0x4: {  	_ = 	snop  }
0x5: {  	_ = 	snop  }
0x6: {  	_ = 	snop  }
0x7: {  	_ = 	snop  }
__scs_overlays_trampoline_lowered:
0x8: {  	[smem:$0x3FAE] =	sst s0  }
0x9: {  	[smem:$0x3FAF] =	sst s1  }
0xa: {  	[smem:$0x3FB0] =	sst s2  }
0xb: {  	[smem:$0x3FB1] =	sst s3  }
0xc: {  	[smem:$0x3FB2] =	sst s4  }
0xd: {  	[smem:$0x3FB3] =	sst s5  }
0xe: {  	[smem:$0x3FB4] =	sst s6  }
0xf: {  	[smem:$0x3FB5] =	sst s7  }
0x10: {  	[smem:$0x3FB6] =	sst s8  }
0x11: {  	[smem:$0x3FB7] =	sst s9;
	s0 =	simm.s32 @!p0 $0x0  }
0x12: {  	s1 =	sld [smem:$0x3F9D];
	s0 =	simm.s32 @p0 $0x1  }
0x13: {  	[smem:$0x3FB8] =	sst s0;
	s0 =	simm.s32 @!p1 $0x0  }
0x14: {  	s2 =	sld [smem:$0x3F9C];
	s0 =	simm.s32 @p1 $0x1  }
0x15: {  	[smem:$0x3FB9] =	sst s0;
	s0 =	simm.s32 @!p2 $0x0  }
0x16: {  	s3 =	sld [smem:$0x3FDB];
	s0 =	simm.s32 @p2 $0x1  }
0x17: {  	s4 =	simm.s32 $0x1BF5;
	[smem:$0x3FBB] =	sst s0  }
0x18: {  	s0 =	sld [smem:$0x3F9E];
	_ =	swait.ge [sflag:s4], $0x0  }
0x19: {  	s7 =	sld [smem:$0x3F9F]  }
0x1a: {  	s8 =	sadd.s32 $0xFFFFE003, lr  }
0x1b: {  	s9 =	sadd.s32 $0xFFFFFEF7, lr;
	s5 =	simm.s32 $0xFFFFFFFF;
	p2 =	slt.u32 s8, $0xFFFFF086  }
0x1c: {  	p1 =	slt.u32 s9, $0xF7A;
	s5 =	simm.s32 @!p2 $0x0  }
0x1d: {  	s5 =	simm.s32 @p1 $0x1;
	p0 =	seq.s32 s7, s2  }
0x1e: {  	s7 =	smul.u32 @!p0 $0xF7A, s2;
	p2 =	seq.s32 @!p0 s5, $0x0  }
0x1f: {  	s9 =	smul.u32 $0xF7A, s1;
	s8 =	simm.s32 @!p0 $0x1BF5;
	p2 =	por !p2, p0  }
0x20: {  	[sflag:s8] =	ssyncset.s32 @!p0 $0xFFFFF086;
	s6 =	sadd.s32 @!p0 s3, s7;
	s7 =	simm.s32 @!p0 $0x108  }
0x21: {  	s3 =	sadd.s32 s3, s9;
	s6 =	sadd.s32 @!p0 $0x88, s6;
	s7 =	simm.s32 @p2 $0x1082  }
0x22: {  	[simem:s7], [sflag:s8] =	dma.local @!p0 [hbm:s6], $0xF7A  }
0x23: {  	s9 =	sor.u32 $0xD0000000, s2;
	s6 =	simm.s32 $0x108;
	_ =	swait.ge @!p0 [sflag:s8], $0x0  }
0x24: {  	s3 =	sadd.s32 $0x88, s3;
	s6 =	simm.s32 @!p1 $0x1082;
	[sflag:s4] =	ssyncset.s32 $0xFFFFF086  }
0x25: {  	[simem:s6], [sflag:s4] =	dma.local [hbm:s3], $0xF7A  }
0x26: {  	[smem:$0x3F9F] =	sst s1;
	(tag) =	ssettag s2;
	_ =	strace s9  }
0x27: {  	s1 =	sld [smem:$0x3FAF]  }
0x28: {  	s2 =	sld [smem:$0x3FB0]  }
0x29: {  	s4 =	sld [smem:$0x3FB2]  }
0x2a: {  	p0 =	seq.s32 s5, $0x0;
	s5 =	sld [smem:$0x3FB3]  }
0x2b: {  	s6 =	sld [smem:$0x3FB4]  }
0x2c: {  	s7 =	sld [smem:$0x3FB5]  }
0x2d: {  	s3 =	simm.s32 $0x108;
	s8 =	sld [smem:$0x3FB6]  }
0x2e: {  	s3 =	simm.s32 @!p0 $0x1082;
	s9 =	sld [smem:$0x3FB7]  }
0x2f: {  	lr =	sadd.s32 s0, s3;
	s0 =	sld [smem:$0x3FAE]  }
0x30: {  	s3 =	sld [smem:$0x3FB1]  }
0x31: {  	[smem:$0x3FBA] =	sst s10  }
0x32: {  	s10 =	sld [smem:$0x3FB8];
	_ =	sdelay $0x3  }
0x33: {  	p0 =	seq.s32 s10, $0x1;
	s10 =	sld [smem:$0x3FBA];
	_ =	sdelay $0x3  }
0x34: {  	[smem:$0x3FBA] =	sst s10  }
0x35: {  	s10 =	sld [smem:$0x3FB9];
	_ =	sdelay $0x3  }
0x36: {  	p1 =	seq.s32 s10, $0x1;
	s10 =	sld [smem:$0x3FBA];
	_ =	sdelay $0x3  }
0x37: {  	[smem:$0x3FBA] =	sst s10  }
0x38: {  	s10 =	sld [smem:$0x3FBB]  }
0x39: {  	_ = 	snop;
	(pc) =	sbr.ind lr, $3  }
0x3a: {  	_ = 	snop  }
0x3b: {  	_ = 	snop  }
0x3c: {  	p2 =	seq.s32 s10, $0x1;
	s10 =	sld [smem:$0x3FBA]  }
0x3d: {  	_ =	shalt  }
0x3e: {  	_ =	shalt  }
0x3f: {  	_ =	shalt  }
0x40: {  	_ =	shalt  }
0x41: {  	_ =	shalt  }
0x42: {  	_ =	shalt  }
0x43: {  	_ =	shalt  }
0x44: {  	_ =	shalt  }
0x45: {  	_ =	shalt  }
0x46: {  	_ =	shalt  }
0x47: {  	_ =	shalt  }
0x48: {  	_ =	shalt  }
0x49: {  	_ =	shalt  }
0x4a: {  	_ =	shalt  }
0x4b: {  	_ =	shalt  }
0x4c: {  	_ =	shalt  }
0x4d: {  	_ =	shalt  }
0x4e: {  	_ =	shalt  }
0x4f: {  	_ =	shalt  }
0x50: {  	_ =	shalt  }
0x51: {  	_ =	shalt  }
0x52: {  	_ =	shalt  }
0x53: {  	_ =	shalt  }
0x54: {  	_ =	shalt  }
0x55: {  	_ =	shalt  }
0x56: {  	_ =	shalt  }
0x57: {  	_ =	shalt  }
0x58: {  	_ =	shalt  }
0x59: {  	_ =	shalt  }
0x5a: {  	_ =	shalt  }
0x5b: {  	_ =	shalt  }
0x5c: {  	_ =	shalt  }
0x5d: {  	_ =	shalt  }
0x5e: {  	_ =	shalt  }
0x5f: {  	_ =	shalt  }
0x60: {  	_ =	shalt  }
0x61: {  	_ =	shalt  }
0x62: {  	_ =	shalt  }
0x63: {  	_ =	shalt  }
0x64: {  	_ =	shalt  }
0x65: {  	_ =	shalt  }
0x66: {  	_ =	shalt  }
0x67: {  	_ =	shalt  }
0x68: {  	_ =	shalt  }
0x69: {  	_ =	shalt  }
0x6a: {  	_ =	shalt  }
0x6b: {  	_ =	shalt  }
0x6c: {  	_ =	shalt  }
0x6d: {  	_ =	shalt  }
0x6e: {  	_ =	shalt  }
0x6f: {  	_ =	shalt  }
0x70: {  	_ =	shalt  }
0x71: {  	_ =	shalt  }
0x72: {  	_ =	shalt  }
0x73: {  	_ =	shalt  }
0x74: {  	_ =	shalt  }
0x75: {  	_ =	shalt  }
0x76: {  	_ =	shalt  }
0x77: {  	_ =	shalt  }
0x78: {  	_ =	shalt  }
0x79: {  	_ =	shalt  }
0x7a: {  	_ =	shalt  }
0x7b: {  	_ =	shalt  }
0x7c: {  	_ =	shalt  }
0x7d: {  	_ =	shalt  }
0x7e: {  	_ =	shalt  }
0x7f: {  	_ =	shalt  }
0x80: {  	_ =	shalt  }
0x81: {  	_ =	shalt  }
0x82: {  	_ =	shalt  }
0x83: {  	_ =	shalt  }
0x84: {  	_ =	shalt  }
0x85: {  	_ =	shalt  }
0x86: {  	_ =	shalt  }
0x87: {  	_ =	shalt  }
.Lfunc_end0:
.L_simem_size_0:
called_computation_lowered:
.L_overlay_start_0:
0x88: {  	s2 =	sld [smem:$0x3FD9]  }
0x89: {  	s3 =	sld [smem:$0x3FFE];
	_ =	sdelay $0x1  }
0x8a: {  	s1 =	srdreg.scid  }
0x8b: {  	s0 =	sand.u32 $0x1, s1  }
0x8c: {  	s17 =	sshll.u32 s0, $0xA;
	s2 =	sadd.s32 s3, s2  }
0x8d: {  	s2 =	sadd.s32 s2, s17  }
0x8e: {  	[smem:$0x3FC6] =	sst s2  }
0x8f: {  	_ = 	snop  }
0x90: {  	s2 =	sld [smem:$0x3FD0];
	(tm) =	ssettm $0x1  }
0x91: {  	s18 =	sld [smem:$0x3FFB];
	_ =	sdelay $0x3  }
0x92: {  	_ =	strace s18  }
0x93: {  	s3 =	sld [smem:$0x3FFC];
	_ =	sdelay $0x3  }
0x94: {  	_ =	strace s3  }
0x95: {  	s3 =	sld [smem:$0x3FFD];
	_ =	sdelay $0x3  }
0x96: {  	_ =	strace s3  }
0x97: {  	_ =	strace $0x8FFFFFFF  }
0x98: {  	s19 =	sld [smem:$0x3FDB];
	_ =	sdelay $0x1  }
0x99: {  	s4 =	simm.s32 $_scs_section_size  }
0x9a: {  	s5 =	simm.s32 $_size__tile_overlayer_lowered;
	s6 =	simm.s32 $_tile_overlayer_lowered  }
0x9b: {  	s22 =	simm.s32 $0x1BFF;
	s21 =	sshll.u32 s6, $0x1;
	s3 =	sadd.s32 s4, s19  }
0x9c: {  	s7 =	simm.s32 $0x0;
	s20 =	sshll.u32 s5, $0x1;
	s5 =	sadd.s32 s21, s3  }
0x9d: {  	[timem:s7], [sflag:s22] =	dma.local [hbm:s5], s20  }
0x9e: {  	_ =	swait.ge [sflag:s22], s20  }
0x9f: {  	s4 =	ssub.s32 $0x0, s20;
	[sflag:s22] =	ssyncset.done $0x0  }
0xa0: {  	[sflag:s22] =	ssyncadd.s32 s4;
	_ =	sdelay $0x1  }
0xa1: {  	s23 =	simm.s32 $0x1B8B  }
0xa2: {  	_ =	swait.ge [sflag:s23], $0x1  }
0xa3: {  	[sflag:s23] =	ssyncset.done $0x0  }
0xa4: {  	s25 =	simm.s32 $0x1B8E;
	s24 =	sld [smem:$0x3FFE];
	[sflag:s23] =	ssyncadd.s32 $0xFFFFFFFF  }
0xa5: {  	s26 =	simm.s32 $execute0_lowered;
	[smem:$0x3FD2] =	sst s25  }
0xa6: {  	s5 =	sshll.u32 s26, $0x1;
	_ =	strace $0x80000046;
	[dreg:$0x1] =	wrdreg $0xFFFFFFFF  }
0xa7: {  	s28 =	simm.s32 $_size_execute0_lowered;
	s3 =	sadd.s32 s3, s5;
	[dreg:$0x0] =	wrdreg $0x0  }
0xa8: {  	s5 =	sshll.u32 s28, $0x1;
	[dreg:$0x2] =	wrdreg s3  }
0xa9: {  	[dreg:$0x3] =	wrdreg s5  }
0xaa: {  	[dreg:$0x4] =	wrdreg $0xC0  }
0xab: {  	_ =	task [dreg:s7], $0x5FFFF  }
0xac: {  	[dreg:$0x1] =	wrdreg $0xFFFFFFFF  }
0xad: {  	[dreg:$0x0] =	wrdreg $0x60  }
0xae: {  	[dreg:$0x2] =	wrdreg s24  }
0xaf: {  	[dreg:$0x3] =	wrdreg s2  }
0xb0: {  	[dreg:$0x4] =	wrdreg $0x9  }
0xb1: {  	_ =	task.clear_ibuf [dreg:s7], $0x5FFFF;
	_ =	strace $0x90000046  }
0xb2: {  	s29 =	simm.s32 $0x9;
	_ =	strace $0x80000048  }
0xb3: {  	_ =	swait.ge [sflag:s29], $0x1  }
0xb4: {  	[sflag:s29] =	ssyncadd.s32 $0xFFFFFFFF  }
0xb5: {  	_ =	strace $0x90000048  }
0xb6: {  	_ =	sfence  }
0xb7: {  	s30 =	sld [smem:$0x0];
	_ =	sdelay $0x2  }
0xb8: {  	s31 =	sshll.u32 s1, $0xD;
	s1 =	sshrl.u32 s1, $0x2  }
0xb9: {  	s3 =	sand.u32 $0x4000, s31;
	s1 =	sadd.s32 s1, s30  }
0xba: {  	s0 =	sor.u32 s3, s0;
	s1 =	sshll.u32 s1, $0x11  }
0xbb: {  	s0 =	sor.u32 s1, s0  }
0xbc: {  	s0 =	sadd.s32 $0x8F2B, s0  }
0xbd: {  	[sflag:s0] =	ssyncadd.remote.s32 $0x1  }
0xbe: {  	_ =	sfence.sel $0xFFFF  }
0xbf: {  	[dreg:$0x0] =	wrdreg $0xFFFFFFFF;
	(pc) =	sbr.abs _section_cstart, $3  }
0xc0: {  	[dreg:$0x1] =	wrdreg $0xFFFFFFFF  }
0xc1: {  	_ =	task.clear_ibuf [dreg:s7], $0x2FFFF;
	_ =	strace $0x9FFFFFFF  }
0xc2: {  	(tm) =	ssettm $0x7FFFFFFF  }
0xc3: {  	_ =	shalt  }
tec
execute0_lowered:
.L_overlay_start_1:
0x0: {  	(tag) =	ssettag $0x1  }
0x1: {  	s0 =	rddreg [dreg:$0x0];
	s1 =	srdreg.scid  }
0x2: {  	s3 =	stileid.u32;
	s2 =	rddreg [dreg:$0x1];
	v0 =	vlaneseq.u32  }
0x3: {  	s15 =	simm.s32 $0x80;
	s20 =	simm.s32 $0x1;
	s21 =	simm.s32 $0xA400;
	v0 =	vmul.u32 $0x88, v0  }
0x4: {  	s14 =	simm.s32 $0x4;
	s17 =	simm.s32 $0xC600;
	v1 =	vimm.s32 $0x0;
	vm0 =	vcmask $0x300;
	s16 =	simm.s32 $0xE3C0  }
0x5: {  	s18 =	simm.s32 $0xE448;
	s19 =	simm.s32 $0xE4D0;
	s22 =	simm.s32 $0xE558;
	v1 =	vsel vm0, $0x3, v1;
	v2 =	vadd.s32 $0x880, v0  }
0x6: {  	s23 =	simm.s32 $0xE5E0;
	s24 =	simm.s32 $0xE668;
	s25 =	simm.s32 $0xE6F0;
	v3 =	vadd.s32 $0x1100, v0;
	v4 =	vadd.s32 $0x1980, v0;
	v5 =	vor.u32 $0x1, v0  }
0x7: {  	s26 =	simm.s32 $0xE778;
	s1 =	sand.u32 $0x1, s1;
	s4 =	sshll.u32 s3, $0x1;
	v6 =	vadd.s32 $0x881, v0;
	v7 =	vadd.s32 $0x1101, v0;
	v8 =	vadd.s32 $0x1981, v0  }
0x8: {  	s3 =	simm.s32 $0x0;
	s8 =	sadd.s32 $0x2000, s2;
	s9 =	sadd.s32 $0x3000, s2;
	v9 =	vor.u32 $0x2, v0;
	v10 =	vadd.s32 $0x882, v0;
	v11 =	vadd.s32 $0x1102, v0  }
0x9: {  	s10 =	sadd.s32 $0x4000, s2;
	s11 =	sadd.s32 $0x5000, s2;
	s12 =	sadd.s32 $0x6000, s2;
	v12 =	vadd.s32 $0x1982, v0;
	v13 =	vor.u32 $0x3, v0;
	v14 =	vadd.s32 $0x883, v0  }
0xa: {  	s13 =	sadd.s32 $0x7000, s2;
	s5 =	sor.u32 s1, s4;
	[smem:$0x7FF] =	sst s3;
	v15 =	vadd.s32 $0x1103, v0;
	v16 =	vadd.s32 $0x1983, v0;
	v17 =	vor.u32 $0x4, v0  }
0xb: {  	s1 =	ssub.s32 $0x2, s1;
	s4 =	sshll.u32 s5, $0x4;
	_ =	strace $0x80000047;
	v18 =	vadd.s32 $0x884, v0;
	v19 =	vadd.s32 $0x1104, v0;
	v20 =	vadd.s32 $0x1984, v0  }
0xc: {  	s7 =	sshrl.u32 s1, $0x1;
	v21 =	vor.u32 $0x5, v0;
	v22 =	vadd.s32 $0x885, v0;
	v23 =	vadd.s32 $0x1105, v0;
	s6 =	sadd.s32 s4, s0;
	s4 =	sadd.s32 $0xF42A00, s0  }
0xd: {  	v24 =	vadd.s32 $0x1985, v0;
	v25 =	vor.u32 $0x6, v0;
	v26 =	vadd.s32 $0x886, v0;
	s30 =	ssub.s32 s1, s7;
	s7 =	sadd.s32 $0x1000, s2;
	s31 =	sadd.s32 $0x600, s6  }
0xe: {  	v27 =	vadd.s32 $0x1106, v0;
	v28 =	vadd.s32 $0x1986, v0;
	v29 =	vor.u32 $0x7, v0;
	s1 =	simm.s32 $0x0;
	s0 =	smax.u32 s30, $0x1;
	[dreg:$0x3] =	wrdreg s31  }
0xf: {  	v30 =	vadd.s32 $0x887, v0;
	v31 =	vadd.s32 $0x1107, v0;
	v32 =	vadd.s32 $0x1987, v0;
	s6 =	sshll.u32 s5, $0xA;
	s5 =	simm.s32 $0x2;
	[dreg:$0x4] =	wrdreg s0  }
.LBB2_1:
0x10: {  	[dreg:$0x5] =	wrdreg s1  }
0x11: {  	s0 =	rddreg [dreg:$0x3];
	s29 =	simm.s32 $0x1000;
	s30 =	simm.s32 $0x5  }
0x12: {  	[tilespmem:s3], [sflag:$0x5] =	stream.strided.gather [hbm4b:s0+s15], $0x6400, s29, s15, $0x38;
	[tilespmem:$0xE800] =	vst v63  }
0x13: {  	_ =	swait.ge [sflag:s30], $0x6400  }
0x14: {  	[sflag:s30] =	ssyncset.done $0x0  }
0x15: {  	s31 =	simm.s32 $0x6400;
	s28 =	simm.s32 $0x0;
	[sflag:s30] =	ssyncadd.s32 $0xFFFF9C00  }
0x16: {  	[tilespmem:s31], [sflag:$0x1] =	stream.indirect.gather [hbm4b:s4+s15], $0x40, s3, s15, $0xb8;
	[tilespmem:$0xE800] =	vst v63  }
.LBB2_2:
0x17: {  	s29 =	sshllo.u32 s28, $0x1  }
0x18: {  	s1 =	sshll.u32 s29, $0x7  }
0x19: {  	s0 =	simm.s32 $0x8400;
	s1 =	sand.u32 $0x3FFFFF80, s1  }
0x1a: {  	[tilespmem:s0], [sflag:$0x2] =	stream.indirect.gather [hbm4b:s4+s15], $0x40, s1, s15, $0xb8;
	[tilespmem:$0xE800] =	vst v63  }
0x1b: {  	_ =	swait.ge [sflag:s20], $0x2000  }
0x1c: {  	p0 =	seq.s32 s28, $0x0;
	[sflag:s20] =	ssyncset.done $0x0  }
0x1d: {  	s1 =	simm.s32 @!p0 $0x3;
	[sflag:s20] =	ssyncadd.s32 $0xFFFFE000  }
0x1e: {  	_ =	swait.ge @!p0 [sflag:s1], $0x400  }
0x1f: {  	[sflag:s1] =	ssyncset.done @!p0 $0x0  }
0x20: {  	[sflag:s1] =	ssyncadd.s32 @!p0 $0xFFFFFC00  }
0x21: {  	_ =	swait.ge @!p0 [sflag:s1], $0x400  }
0x22: {  	[sflag:s1] =	ssyncset.done @!p0 $0x0  }
0x23: {  	[sflag:s1] =	ssyncadd.s32 @!p0 $0xFFFFFC00  }
0x24: {  	_ =	swait.ge @!p0 [sflag:s1], $0x400  }
0x25: {  	[sflag:s1] =	ssyncset.done @!p0 $0x0  }
0x26: {  	[sflag:s1] =	ssyncadd.s32 @!p0 $0xFFFFFC00  }
0x27: {  	_ =	swait.ge @!p0 [sflag:s1], $0x400  }
0x28: {  	[sflag:s1] =	ssyncset.done @!p0 $0x0  }
0x29: {  	[sflag:s1] =	ssyncadd.s32 @!p0 $0xFFFFFC00  }
0x2a: {  	_ =	swait.ge @!p0 [sflag:s1], $0x400  }
0x2b: {  	[sflag:s1] =	ssyncset.done @!p0 $0x0  }
0x2c: {  	[sflag:s1] =	ssyncadd.s32 @!p0 $0xFFFFFC00  }
0x2d: {  	s30 =	simm.s32 $0x0;
	_ =	swait.ge @!p0 [sflag:s1], $0x400  }
0x2e: {  	s31 =	simm.s32 $0x2;
	v33 =	vmov s30;
	s30 =	simm.s32 $0x1;
	[sflag:s1] =	ssyncset.done @!p0 $0x0  }
0x2f: {  	v35 =	vmov s31;
	v34 =	vmov s30;
	s30 =	simm.s32 $0x7;
	[sflag:s1] =	ssyncadd.s32 @!p0 $0xFFFFFC00  }
0x30: {  	v33 =	vshrl.u32 v33, $0x3;
	v35 =	vshrl.u32 v35, $0x3;
	v38 =	vmov s30;
	_ =	swait.ge @!p0 [sflag:s1], $0x400  }
0x31: {  	s0 =	simm.s32 $0x3;
	v33 =	vshll.u32 v33, v1;
	v34 =	vshrl.u32 v34, $0x3;
	v52 =	vshll.u32 v35, v1;
	[sflag:s1] =	ssyncset.done @!p0 $0x0  }
0x32: {  	v36 =	vmov s0;
	v38 =	vshrl.u32 v38, $0x3;
	v33 =	vbroadcast v33, $0x0;
	[sflag:s1] =	ssyncadd.s32 @!p0 $0xFFFFFC00  }
0x33: {  	s0 =	simm.s32 $0x4;
	v34 =	vshll.u32 v34, v1;
	v52 =	vbroadcast v52, $0x0;
	v38 =	vshll.u32 v38, v1;
	_ =	swait.ge @!p0 [sflag:s1], $0x400  }
0x34: {  	v37 =	vmov s0;
	s0 =	simm.s32 $0x5;
	v36 =	vshrl.u32 v36, $0x3;
	v38 =	vbroadcast v38, $0x0;
	[sflag:s1] =	ssyncset.done @!p0 $0x0  }
0x35: {  	s30 =	simm.s32 $0x6500;
	v45 =	vbroadcast v34, $0x0;
	v39 =	vmov s0;
	v37 =	vshrl.u32 v37, $0x3;
	[sflag:s1] =	ssyncadd.s32 @!p0 $0xFFFFFC00  }
0x36: {  	s0 =	simm.s32 $0x6;
	v44 =	vadd.s32 v0, v33;
	v53 =	vshll.u32 v36, v1;
	v42 =	vadd.s32 v29, v38;
	v41 =	vld [tilespmem:s30+$0xC0]  }
0x37: {  	v49 =	vadd.s32 v9, v52;
	v40 =	vmov s0;
	v47 =	vadd.s32 v5, v45;
	v43 =	vld [tilespmem:s30+$0xFFFFFF00]  }
0x38: {  	v35 =	vbroadcast v53, $0x0;
	v54 =	vshll.u32 v37, v1;
	v55 =	vshrl.u32 v39, $0x3;
	v46 =	vld [tilespmem:s30+$0xFFFFFF40]  }
0x39: {  	v34 =	vbroadcast v54, $0x0;
	v36 =	vshll.u32 v55, v1;
	v40 =	vshrl.u32 v40, $0x3;
	v48 =	vld [tilespmem:s30+$0xFFFFFF80]  }
0x3a: {  	v50 =	vadd.s32 v13, v35;
	v37 =	vbroadcast v36, $0x0;
	v56 =	vshll.u32 v40, v1;
	v39 =	vld [tilespmem:s30+$0xFFFFFFC0]  }
0x3b: {  	v53 =	vadd.s32 v17, v34;
	v36 =	vbroadcast v56, $0x0;
	v51 =	vld [tilespmem:s30+$0x0];
	[tilespmem:v42+s21+$0x0] =	vst.idx.msk $0xffff, v41  }
0x3c: {  	v60 =	vadd.s32 v21, v37;
	v59 =	vld [tilespmem:s30+$0x40];
	[tilespmem:v44+s21+$0x0] =	vst.idx.msk $0xffff, v43  }
0x3d: {  	v62 =	vadd.s32 v25, v36;
	v61 =	vld [tilespmem:s30+$0x80];
	[tilespmem:v47+s21+$0x0] =	vst.idx.msk $0xffff, v46  }
0x3e: {  	v58 =	vadd.s32 v30, v38;
	[tilespmem:v49+s21+$0x0] =	vst.idx.msk $0xffff, v48;
	v57 =	vld [tilespmem:s30+$0xD0]  }
0x3f: {  	v63 =	vadd.s32 v6, v45;
	[tilespmem:v50+s21+$0x0] =	vst.idx.msk $0xffff, v39;
	v47 =	vld [tilespmem:s30+$0xFFFFFF50]  }
0x40: {  	v55 =	vadd.s32 v10, v52;
	[tilespmem:v53+s21+$0x0] =	vst.idx.msk $0xffff, v51;
	v54 =	vld [tilespmem:s30+$0xFFFFFF90]  }
0x41: {  	v56 =	vadd.s32 v14, v35;
	[tilespmem:v60+s21+$0x0] =	vst.idx.msk $0xffff, v59;
	v50 =	vld [tilespmem:s30+$0xFFFFFFD0]  }
0x42: {  	[tilespmem:v62+s21+$0x0] =	vst.idx.msk $0xffff, v61;
	v46 =	vadd.s32 v22, v37;
	v44 =	vld [tilespmem:s30+$0x50]  }
0x43: {  	v59 =	vadd.s32 v18, v34;
	[tilespmem:v58+s21+$0x0] =	vst.idx.msk $0xffff, v57;
	v58 =	vld [tilespmem:s30+$0x10]  }
0x44: {  	v57 =	vadd.s32 v31, v38;
	[tilespmem:v63+s21+$0x0] =	vst.idx.msk $0xffff, v47;
	v40 =	vld [tilespmem:s30+$0xE0]  }
0x45: {  	v62 =	vadd.s32 v2, v33;
	v61 =	vld [tilespmem:s30+$0xFFFFFF10];
	[tilespmem:v55+s21+$0x0] =	vst.idx.msk $0xffff, v54  }
0x46: {  	v60 =	vadd.s32 v26, v36;
	v63 =	vld [tilespmem:s30+$0x90];
	[tilespmem:v56+s21+$0x0] =	vst.idx.msk $0xffff, v50  }
0x47: {  	v51 =	vadd.s32 v7, v45;
	[tilespmem:v46+s21+$0x0] =	vst.idx.msk $0xffff, v44;
	v50 =	vld [tilespmem:s30+$0xFFFFFF60]  }
0x48: {  	v56 =	vadd.s32 v11, v52;
	v55 =	vld [tilespmem:s30+$0xFFFFFFA0];
	[tilespmem:v59+s21+$0x0] =	vst.idx.msk $0xffff, v58  }
0x49: {  	v58 =	vadd.s32 v15, v35;
	[tilespmem:v57+s21+$0x0] =	vst.idx.msk $0xffff, v40;
	v57 =	vld [tilespmem:s30+$0xFFFFFFE0]  }
0x4a: {  	v38 =	vadd.s32 v32, v38;
	[tilespmem:v62+s21+$0x0] =	vst.idx.msk $0xffff, v61;
	v54 =	vld [tilespmem:s30+$0xF0]  }
0x4b: {  	s1 =	simm.s32 $0x8;
	[tilespmem:v60+s21+$0x0] =	vst.idx.msk $0xffff, v63;
	v60 =	vadd.s32 v19, v34;
	v59 =	vld [tilespmem:s30+$0x20]  }
0x4c: {  	v41 =	vadd.s32 v23, v37;
	v63 =	vmov s1;
	s1 =	simm.s32 $0x9;
	[tilespmem:v51+s21+$0x0] =	vst.idx.msk $0xffff, v50;
	v40 =	vld [tilespmem:s30+$0x60]  }
0x4d: {  	v43 =	vadd.s32 v27, v36;
	v48 =	vadd.s32 v3, v33;
	v53 =	vmov s1;
	s1 =	simm.s32 $0xB;
	v42 =	vld [tilespmem:s30+$0xA0];
	[tilespmem:v56+s21+$0x0] =	vst.idx.msk $0xffff, v55  }
0x4e: {  	s0 =	simm.s32 $0xA;
	v52 =	vadd.s32 v12, v52;
	v46 =	vld [tilespmem:s30+$0xFFFFFF20];
	v39 =	vshrl.u32 v63, $0x3;
	v44 =	vmov s1;
	s1 =	simm.s32 $0xD;
	[tilespmem:v58+s21+$0x0] =	vst.idx.msk $0xffff, v57  }
0x4f: {  	v51 =	vadd.s32 v8, v45;
	v49 =	vld [tilespmem:s30+$0xFFFFFF70];
	[tilespmem:v38+s21+$0x0] =	vst.idx.msk $0xffff, v54;
	v54 =	vmov s0;
	s0 =	simm.s32 $0xC;
	v38 =	vmov s1;
	s1 =	simm.s32 $0xE  }
0x50: {  	s31 =	simm.s32 $0x10;
	v45 =	vshll.u32 v39, v1;
	v50 =	vld [tilespmem:s30+$0xFFFFFFB0];
	[tilespmem:v60+s21+$0x0] =	vst.idx.msk $0xffff, v59;
	v47 =	vmov s0;
	v39 =	vmov s1;
	s1 =	simm.s32 $0xF  }
.LBB2_3:
0x51: {  	p1 =	slt.u32 s31, $0x78;
	v53 =	vshrl.u32 v53, $0x3;
	v55 =	vmov s1;
	v56 =	vld [tilespmem:s30+$0xFFFFFFF0];
	v35 =	vadd.s32 v16, v35;
	[tilespmem:v41+s21+$0x0] =	vst.idx.msk $0xffff, v40  }
0x52: {  	v40 =	vshrl.u32 v54, $0x3;
	v34 =	vadd.s32 v20, v34;
	v41 =	vshrl.u32 v55, $0x3;
	v54 =	vld [tilespmem:s30+$0x30];
	[tilespmem:v43+s21+$0x0] =	vst.idx.msk $0xffff, v42  }
0x53: {  	v37 =	vadd.s32 v24, v37;
	v42 =	vshrl.u32 v44, $0x3;
	v41 =	vshll.u32 v41, v1;
	[tilespmem:v48+s21+$0x0] =	vst.idx.msk $0xffff, v46;
	v43 =	vld [tilespmem:s30+$0x70]  }
0x54: {  	v36 =	vadd.s32 v28, v36;
	v44 =	vshrl.u32 v47, $0x3;
	v41 =	vbroadcast v41, $0x0;
	[tilespmem:v51+s21+$0x0] =	vst.idx.msk $0xffff, v49;
	v46 =	vld [tilespmem:s30+$0xB0]  }
0x55: {  	v47 =	vshll.u32 v53, v1;
	v49 =	vadd.s32 v4, v33;
	v33 =	vbroadcast v45, $0x0;
	v48 =	vld [tilespmem:s30+$0xFFFFFF30];
	[tilespmem:v52+s21+$0x0] =	vst.idx.msk $0xffff, v50;
	s30 =	sadd.s32 $0x200, s30  }
0x56: {  	v40 =	vshll.u32 v40, v1;
	v45 =	vbroadcast v47, $0x0;
	v47 =	vld [tilespmem:s30+$0xC0];
	v50 =	vadd.s32 v29, v41;
	[tilespmem:v35+s21+$0x0] =	vst.idx.msk $0xffff, v56  }
0x57: {  	v55 =	vbroadcast v40, $0x0;
	v52 =	vadd.s32 v0, v33;
	v35 =	vshll.u32 v42, v1;
	v51 =	vld [tilespmem:s30+$0xFFFFFF00];
	[tilespmem:v34+s21+$0x0] =	vst.idx.msk $0xffff, v54  }
0x58: {  	v42 =	vadd.s32 v5, v45;
	v35 =	vbroadcast v35, $0x0;
	v34 =	vshll.u32 v44, v1;
	v40 =	vld [tilespmem:s30+$0xFFFFFF40];
	[tilespmem:v37+s21+$0x0] =	vst.idx.msk $0xffff, v43  }
0x59: {  	v44 =	vadd.s32 v9, v55;
	v34 =	vbroadcast v34, $0x0;
	v37 =	vshrl.u32 v38, $0x3;
	v43 =	vld [tilespmem:s30+$0xFFFFFF80];
	[tilespmem:v36+s21+$0x0] =	vst.idx.msk $0xffff, v46  }
0x5a: {  	v39 =	vshrl.u32 v39, $0x3;
	v46 =	vadd.s32 v13, v35;
	v36 =	vshll.u32 v37, v1;
	v38 =	vld [tilespmem:s30+$0xFFFFFFC0];
	[tilespmem:v49+s21+$0x0] =	vst.idx.msk $0xffff, v48  }
0x5b: {  	v49 =	vadd.s32 v17, v34;
	v37 =	vbroadcast v36, $0x0;
	v36 =	vshll.u32 v39, v1;
	v48 =	vld [tilespmem:s30+$0x0];
	[tilespmem:v50+s21+$0x0] =	vst.idx.msk $0xffff, v47  }
0x5c: {  	v36 =	vbroadcast v36, $0x0;
	v47 =	vadd.s32 v30, v41;
	[tilespmem:v52+s21+$0x0] =	vst.idx.msk $0xffff, v51;
	v39 =	vld [tilespmem:s30+$0xD0]  }
0x5d: {  	[tilespmem:v42+s21+$0x0] =	vst.idx.msk $0xffff, v40;
	v40 =	vld [tilespmem:s30+$0x40];
	v42 =	vadd.s32 v21, v37  }
0x5e: {  	[tilespmem:v44+s21+$0x0] =	vst.idx.msk $0xffff, v43;
	v43 =	vld [tilespmem:s30+$0x80];
	v44 =	vadd.s32 v25, v36  }
0x5f: {  	v51 =	vadd.s32 v6, v45;
	v50 =	vld [tilespmem:s30+$0xFFFFFF50];
	[tilespmem:v46+s21+$0x0] =	vst.idx.msk $0xffff, v38  }
0x60: {  	v46 =	vadd.s32 v10, v55;
	v38 =	vld [tilespmem:s30+$0xFFFFFF90];
	[tilespmem:v49+s21+$0x0] =	vst.idx.msk $0xffff, v48  }
0x61: {  	v49 =	vadd.s32 v14, v35;
	v48 =	vld [tilespmem:s30+$0xFFFFFFD0];
	[tilespmem:v47+s21+$0x0] =	vst.idx.msk $0xffff, v39  }
0x62: {  	[tilespmem:v42+s21+$0x0] =	vst.idx.msk $0xffff, v40;
	v39 =	vld [tilespmem:s30+$0xE0];
	v40 =	vadd.s32 v31, v41  }
0x63: {  	v47 =	vadd.s32 v18, v34;
	v42 =	vld [tilespmem:s30+$0x10];
	[tilespmem:v44+s21+$0x0] =	vst.idx.msk $0xffff, v43  }
0x64: {  	v44 =	vadd.s32 v22, v37;
	[tilespmem:v51+s21+$0x0] =	vst.idx.msk $0xffff, v50;
	v43 =	vld [tilespmem:s30+$0x50]  }
0x65: {  	[tilespmem:v46+s21+$0x0] =	vst.idx.msk $0xffff, v38;
	v38 =	vld [tilespmem:s30+$0x90];
	v46 =	vadd.s32 v26, v36  }
0x66: {  	v51 =	vadd.s32 v2, v33;
	v50 =	vld [tilespmem:s30+$0xFFFFFF10];
	[tilespmem:v49+s21+$0x0] =	vst.idx.msk $0xffff, v48  }
0x67: {  	v49 =	vadd.s32 v7, v45;
	v48 =	vld [tilespmem:s30+$0xFFFFFF60];
	[tilespmem:v40+s21+$0x0] =	vst.idx.msk $0xffff, v39  }
0x68: {  	[tilespmem:v47+s21+$0x0] =	vst.idx.msk $0xffff, v42;
	v39 =	vld [tilespmem:s30+$0xF0];
	v47 =	vadd.s32 v32, v41  }
0x69: {  	v56 =	vadd.s32 v11, v55;
	v52 =	vld [tilespmem:s30+$0xFFFFFFA0];
	[tilespmem:v44+s21+$0x0] =	vst.idx.msk $0xffff, v43  }
0x6a: {  	v58 =	vadd.s32 v15, v35;
	v57 =	vld [tilespmem:s30+$0xFFFFFFE0];
	[tilespmem:v46+s21+$0x0] =	vst.idx.msk $0xffff, v38  }
0x6b: {  	v60 =	vadd.s32 v19, v34;
	[tilespmem:v51+s21+$0x0] =	vst.idx.msk $0xffff, v50;
	v59 =	vld [tilespmem:s30+$0x20]  }
.Ltmp0:
0x6c: {  	s0 =	sadd.s32 $0x1, s31;
	v41 =	vadd.s32 v23, v37;
	v38 =	vmov s31;
	[tilespmem:v49+s21+$0x0] =	vst.idx.msk $0xffff, v48;
	v40 =	vld [tilespmem:s30+$0x60];
	(pc) =	sbr.rel @p1 .LBB2_3-.Ltmp0, $4  }
0x6d: {  	s1 =	sadd.s32 $0x3, s31;
	v53 =	vmov s0;
	s0 =	sadd.s32 $0x2, s31;
	v43 =	vadd.s32 v27, v36;
	v50 =	vshrl.u32 v38, $0x3;
	v42 =	vld [tilespmem:s30+$0xA0];
	[tilespmem:v47+s21+$0x0] =	vst.idx.msk $0xffff, v39  }
0x6e: {  	v54 =	vmov s0;
	s0 =	sadd.s32 $0x4, s31;
	v44 =	vmov s1;
	s1 =	sadd.s32 $0x5, s31;
	v48 =	vadd.s32 v3, v33;
	v46 =	vld [tilespmem:s30+$0xFFFFFF20];
	[tilespmem:v56+s21+$0x0] =	vst.idx.msk $0xffff, v52  }
0x6f: {  	v38 =	vmov s1;
	v51 =	vadd.s32 v8, v45;
	v47 =	vmov s0;
	s0 =	sadd.s32 $0x6, s31;
	v49 =	vld [tilespmem:s30+$0xFFFFFF70];
	[tilespmem:v58+s21+$0x0] =	vst.idx.msk $0xffff, v57  }
0x70: {  	s1 =	sadd.s32 $0x7, s31;
	v45 =	vshll.u32 v50, v1;
	s31 =	sadd.s32 $0x8, s31;
	v39 =	vmov s0;
	v52 =	vadd.s32 v12, v55;
	v50 =	vld [tilespmem:s30+$0xFFFFFFB0];
	[tilespmem:v60+s21+$0x0] =	vst.idx.msk $0xffff, v59  }
0x71: {  	_ =	sdelay $0x2  }
0x72: {  	v53 =	vshrl.u32 v53, $0x3  }
0x73: {  	v55 =	vmov s1;
	v56 =	vld [tilespmem:s30+$0xFFFFFFF0];
	v35 =	vadd.s32 v16, v35;
	[tilespmem:v41+s21+$0x0] =	vst.idx.msk $0xffff, v40;
	v57 =	vshrl.u32 v54, $0x3  }
0x74: {  	v59 =	vld [tilespmem:s30+$0x30];
	v34 =	vadd.s32 v20, v34;
	v60 =	vshrl.u32 v44, $0x3;
	v58 =	vshrl.u32 v55, $0x3;
	[tilespmem:v43+s21+$0x0] =	vst.idx.msk $0xffff, v42  }
0x75: {  	v37 =	vadd.s32 v24, v37;
	v62 =	vshrl.u32 v47, $0x3;
	v61 =	vld [tilespmem:s30+$0x70];
	v41 =	vshll.u32 v58, v1;
	[tilespmem:v48+s21+$0x0] =	vst.idx.msk $0xffff, v46  }
0x76: {  	v36 =	vadd.s32 v28, v36;
	v45 =	vbroadcast v45, $0x0;
	v63 =	vld [tilespmem:s30+$0xB0];
	v41 =	vbroadcast v41, $0x0;
	[tilespmem:v51+s21+$0x0] =	vst.idx.msk $0xffff, v49  }
0x77: {  	v33 =	vadd.s32 v4, v33;
	s1 =	sadd.s32 $0x200, s30;
	v38 =	vshrl.u32 v38, $0x3;
	v55 =	vshll.u32 v53, v1;
	v48 =	vld [tilespmem:s30+$0xFFFFFF30];
	[tilespmem:v52+s21+$0x0] =	vst.idx.msk $0xffff, v50  }
0x78: {  	v40 =	vshll.u32 v57, v1;
	v47 =	vbroadcast v55, $0x0;
	v49 =	vld [tilespmem:s1+$0xC0];
	v50 =	vadd.s32 v29, v41;
	[tilespmem:v35+s21+$0x0] =	vst.idx.msk $0xffff, v56  }
0x79: {  	v42 =	vshll.u32 v60, v1;
	v40 =	vbroadcast v40, $0x0;
	v35 =	vld [tilespmem:s1+$0xFFFFFF00];
	v56 =	vadd.s32 v0, v45;
	[tilespmem:v34+s21+$0x0] =	vst.idx.msk $0xffff, v59  }
0x7a: {  	v57 =	vld [tilespmem:s1+$0xFFFFFF40];
	v44 =	vshll.u32 v62, v1;
	v42 =	vbroadcast v42, $0x0;
	v58 =	vadd.s32 v5, v47;
	[tilespmem:v37+s21+$0x0] =	vst.idx.msk $0xffff, v61  }
0x7b: {  	v38 =	vshll.u32 v38, v1;
	v44 =	vbroadcast v44, $0x0;
	v60 =	vadd.s32 v9, v40;
	v59 =	vld [tilespmem:s1+$0xFFFFFF80];
	[tilespmem:v36+s21+$0x0] =	vst.idx.msk $0xffff, v63  }
0x7c: {  	v38 =	vbroadcast v38, $0x0;
	v62 =	vadd.s32 v13, v42;
	v61 =	vld [tilespmem:s1+$0xFFFFFFC0];
	[tilespmem:v33+s21+$0x0] =	vst.idx.msk $0xffff, v48  }
0x7d: {  	v39 =	vshrl.u32 v39, $0x3;
	v63 =	vadd.s32 v17, v44;
	v33 =	vld [tilespmem:s1+$0x0];
	[tilespmem:v50+s21+$0x0] =	vst.idx.msk $0xffff, v49  }
0x7e: {  	v39 =	vshll.u32 v39, v1;
	v34 =	vld [tilespmem:s1+$0x40];
	[tilespmem:v56+s21+$0x0] =	vst.idx.msk $0xffff, v35;
	v56 =	vadd.s32 v21, v38  }
0x7f: {  	[tilespmem:v58+s21+$0x0] =	vst.idx.msk $0xffff, v57;
	v35 =	vbroadcast v39, $0x0;
	v49 =	vadd.s32 v30, v41;
	v39 =	vld [tilespmem:s1+$0xD0]  }
0x80: {  	[tilespmem:v60+s21+$0x0] =	vst.idx.msk $0xffff, v59;
	v59 =	vld [tilespmem:s1+$0xFFFFFF50];
	v60 =	vadd.s32 v6, v47  }
0x81: {  	v57 =	vld [tilespmem:s1+$0x80];
	[tilespmem:v62+s21+$0x0] =	vst.idx.msk $0xffff, v61;
	v58 =	vadd.s32 v25, v35  }
0x82: {  	v61 =	vld [tilespmem:s1+$0xFFFFFF90];
	v62 =	vadd.s32 v10, v40;
	[tilespmem:v63+s21+$0x0] =	vst.idx.msk $0xffff, v33  }
0x83: {  	v33 =	vld [tilespmem:s1+$0xFFFFFFD0];
	v63 =	vadd.s32 v14, v42;
	[tilespmem:v56+s21+$0x0] =	vst.idx.msk $0xffff, v34  }
0x84: {  	v56 =	vadd.s32 v18, v44;
	[tilespmem:v49+s21+$0x0] =	vst.idx.msk $0xffff, v39;
	v49 =	vld [tilespmem:s1+$0x10]  }
0x85: {  	[tilespmem:v60+s21+$0x0] =	vst.idx.msk $0xffff, v59;
	v39 =	vadd.s32 v31, v41;
	v34 =	vld [tilespmem:s1+$0xE0]  }
0x86: {  	[tilespmem:v58+s21+$0x0] =	vst.idx.msk $0xffff, v57;
	v57 =	vld [tilespmem:s1+$0x50];
	v58 =	vadd.s32 v22, v38  }
0x87: {  	[tilespmem:v62+s21+$0x0] =	vst.idx.msk $0xffff, v61;
	v61 =	vld [tilespmem:s1+$0xFFFFFF10];
	v62 =	vadd.s32 v2, v45  }
0x88: {  	v60 =	vadd.s32 v26, v35;
	v59 =	vld [tilespmem:s1+$0x90];
	[tilespmem:v63+s21+$0x0] =	vst.idx.msk $0xffff, v33  }
0x89: {  	v55 =	vadd.s32 v11, v40;
	v54 =	vadd.s32 v32, v41;
	v41 =	vld [tilespmem:s1+$0xFFFFFFA0];
	[tilespmem:v56+s21+$0x0] =	vst.idx.msk $0xffff, v49  }
0x8a: {  	v53 =	vadd.s32 v7, v47;
	v63 =	vld [tilespmem:s1+$0xFFFFFF60];
	[tilespmem:v39+s21+$0x0] =	vst.idx.msk $0xffff, v34  }
0x8b: {  	v56 =	vld [tilespmem:s1+$0xFFFFFFE0];
	[tilespmem:v58+s21+$0x0] =	vst.idx.msk $0xffff, v57;
	v57 =	vadd.s32 v15, v42  }
0x8c: {  	[tilespmem:v62+s21+$0x0] =	vst.idx.msk $0xffff, v61;
	v34 =	vld [tilespmem:s1+$0xF0]  }
0x8d: {  	v58 =	vld [tilespmem:s1+$0x20];
	[tilespmem:v60+s21+$0x0] =	vst.idx.msk $0xffff, v59;
	v59 =	vadd.s32 v19, v44  }
0x8e: {  	v61 =	vadd.s32 v23, v38;
	[tilespmem:v55+s21+$0x0] =	vst.idx.msk $0xffff, v41;
	v60 =	vld [tilespmem:s1+$0x60]  }
0x8f: {  	[tilespmem:v53+s21+$0x0] =	vst.idx.msk $0xffff, v63;
	v63 =	vadd.s32 v27, v35;
	v62 =	vld [tilespmem:s1+$0xA0]  }
0x90: {  	v47 =	vadd.s32 v8, v47;
	v55 =	vld [tilespmem:s1+$0xFFFFFF70];
	[tilespmem:v57+s21+$0x0] =	vst.idx.msk $0xffff, v56  }
0x91: {  	v53 =	vld [tilespmem:s1+$0xFFFFFF20];
	[tilespmem:v54+s21+$0x0] =	vst.idx.msk $0xffff, v34;
	v54 =	vadd.s32 v3, v45  }
0x92: {  	v40 =	vadd.s32 v12, v40;
	v56 =	vld [tilespmem:s1+$0xFFFFFFB0];
	[tilespmem:v59+s21+$0x0] =	vst.idx.msk $0xffff, v58  }
0x93: {  	v42 =	vadd.s32 v16, v42;
	v57 =	vld [tilespmem:s1+$0xFFFFFFF0];
	[tilespmem:v61+s21+$0x0] =	vst.idx.msk $0xffff, v60  }
0x94: {  	v59 =	vadd.s32 v20, v44;
	v58 =	vld [tilespmem:s1+$0x30];
	[tilespmem:v63+s21+$0x0] =	vst.idx.msk $0xffff, v62  }
0x95: {  	v38 =	vadd.s32 v24, v38;
	v60 =	vld [tilespmem:s1+$0x70];
	[tilespmem:v47+s21+$0x0] =	vst.idx.msk $0xffff, v55  }
0x96: {  	v35 =	vadd.s32 v28, v35;
	v61 =	vld [tilespmem:s1+$0xB0];
	[tilespmem:v54+s21+$0x0] =	vst.idx.msk $0xffff, v53  }
0x97: {  	v63 =	vadd.s32 v4, v45;
	[tilespmem:v40+s21+$0x0] =	vst.idx.msk $0xffff, v56;
	v62 =	vld [tilespmem:s1+$0xFFFFFF30]  }
0x98: {  	[tilespmem:v42+s21+$0x0] =	vst.idx.msk $0xffff, v57  }
0x99: {  	s0 =	sshll.u32 s28, $0x13;
	[tilespmem:v59+s21+$0x0] =	vst.idx.msk $0xffff, v58  }
0x9a: {  	s0 =	sor.u32 s6, s0;
	[tilespmem:v38+s21+$0x0] =	vst.idx.msk $0xffff, v60  }
0x9b: {  	s30 =	sshrl.u32 s0, $0x3;
	[tilespmem:v35+s21+$0x0] =	vst.idx.msk $0xffff, v61  }
0x9c: {  	s0 =	sadd.s32 s2, s30;
	[tilespmem:v63+s21+$0x0] =	vst.idx.msk $0xffff, v62  }
0x9d: {  	[hbm4b:s0+s3] =	stream.linear.scatter [tilespmem:s21], [sflag:$0x3], $0x80, $0x38;
	[tilespmem:$0xE800] =	vst v63  }
0x9e: {  	s31 =	simm.s32 $0xA488;
	s1 =	sadd.s32 $0x10, s0  }
0x9f: {  	[hbm4b:s1+s3] =	stream.linear.scatter [tilespmem:s31], [sflag:$0x3], $0x80, $0x38;
	[tilespmem:$0xE800] =	vst v63  }
0xa0: {  	s1 =	sadd.s32 $0x20, s0;
	s31 =	simm.s32 $0xA510  }
0xa1: {  	[hbm4b:s1+s3] =	stream.linear.scatter [tilespmem:s31], [sflag:$0x3], $0x80, $0x38;
	[tilespmem:$0xE800] =	vst v63  }
0xa2: {  	s1 =	sadd.s32 $0x30, s0;
	s31 =	simm.s32 $0xA598  }
0xa3: {  	[hbm4b:s1+s3] =	stream.linear.scatter [tilespmem:s31], [sflag:$0x3], $0x80, $0x38;
	[tilespmem:$0xE800] =	vst v63  }
0xa4: {  	s1 =	sadd.s32 $0x40, s0;
	s31 =	simm.s32 $0xA620  }
0xa5: {  	[hbm4b:s1+s3] =	stream.linear.scatter [tilespmem:s31], [sflag:$0x3], $0x80, $0x38;
	[tilespmem:$0xE800] =	vst v63  }
0xa6: {  	s1 =	sadd.s32 $0x50, s0;
	s31 =	simm.s32 $0xA6A8  }
0xa7: {  	[hbm4b:s1+s3] =	stream.linear.scatter [tilespmem:s31], [sflag:$0x3], $0x80, $0x38;
	[tilespmem:$0xE800] =	vst v63  }
0xa8: {  	s1 =	sadd.s32 $0x60, s0;
	s31 =	simm.s32 $0xA730  }
0xa9: {  	[hbm4b:s1+s3] =	stream.linear.scatter [tilespmem:s31], [sflag:$0x3], $0x80, $0x38;
	[tilespmem:$0xE800] =	vst v63  }
0xaa: {  	s0 =	sadd.s32 $0x70, s0;
	s31 =	simm.s32 $0xA7B8  }
0xab: {  	[hbm4b:s0+s3] =	stream.linear.scatter [tilespmem:s31], [sflag:$0x3], $0x80, $0x38;
	[tilespmem:$0xE800] =	vst v63  }
0xac: {  	s0 =	sadd.s32 s30, s7;
	s31 =	simm.s32 $0xA840  }
0xad: {  	[hbm4b:s0+s3] =	stream.linear.scatter [tilespmem:s31], [sflag:$0x3], $0x80, $0x38;
	[tilespmem:$0xE800] =	vst v63  }
0xae: {  	s1 =	sadd.s32 $0x10, s0;
	s31 =	simm.s32 $0xA8C8  }
0xaf: {  	[hbm4b:s1+s3] =	stream.linear.scatter [tilespmem:s31], [sflag:$0x3], $0x80, $0x38;
	[tilespmem:$0xE800] =	vst v63  }
0xb0: {  	s1 =	sadd.s32 $0x20, s0;
	s31 =	simm.s32 $0xA950  }
0xb1: {  	[hbm4b:s1+s3] =	stream.linear.scatter [tilespmem:s31], [sflag:$0x3], $0x80, $0x38;
	[tilespmem:$0xE800] =	vst v63  }
0xb2: {  	s1 =	sadd.s32 $0x30, s0;
	s31 =	simm.s32 $0xA9D8  }
0xb3: {  	[hbm4b:s1+s3] =	stream.linear.scatter [tilespmem:s31], [sflag:$0x3], $0x80, $0x38;
	[tilespmem:$0xE800] =	vst v63  }
0xb4: {  	s1 =	sadd.s32 $0x40, s0;
	s31 =	simm.s32 $0xAA60  }
0xb5: {  	[hbm4b:s1+s3] =	stream.linear.scatter [tilespmem:s31], [sflag:$0x3], $0x80, $0x38;
	[tilespmem:$0xE800] =	vst v63  }
0xb6: {  	s1 =	sadd.s32 $0x50, s0;
	s31 =	simm.s32 $0xAAE8  }
0xb7: {  	[hbm4b:s1+s3] =	stream.linear.scatter [tilespmem:s31], [sflag:$0x3], $0x80, $0x38;
	[tilespmem:$0xE800] =	vst v63  }
0xb8: {  	s1 =	sadd.s32 $0x60, s0;
	s31 =	simm.s32 $0xAB70  }
0xb9: {  	[hbm4b:s1+s3] =	stream.linear.scatter [tilespmem:s31], [sflag:$0x3], $0x80, $0x38;
	[tilespmem:$0xE800] =	vst v63  }
0xba: {  	s0 =	sadd.s32 $0x70, s0;
	s31 =	simm.s32 $0xABF8  }
0xbb: {  	[hbm4b:s0+s3] =	stream.linear.scatter [tilespmem:s31], [sflag:$0x3], $0x80, $0x38;
	[tilespmem:$0xE800] =	vst v63  }
0xbc: {  	s0 =	sadd.s32 s30, s8;
	s31 =	simm.s32 $0xAC80  }
0xbd: {  	[hbm4b:s0+s3] =	stream.linear.scatter [tilespmem:s31], [sflag:$0x3], $0x80, $0x38;
	[tilespmem:$0xE800] =	vst v63  }
0xbe: {  	s1 =	sadd.s32 $0x10, s0;
	s31 =	simm.s32 $0xAD08  }
0xbf: {  	[hbm4b:s1+s3] =	stream.linear.scatter [tilespmem:s31], [sflag:$0x3], $0x80, $0x38;
	[tilespmem:$0xE800] =	vst v63  }
0xc0: {  	s1 =	sadd.s32 $0x20, s0;
	s31 =	simm.s32 $0xAD90  }
0xc1: {  	[hbm4b:s1+s3] =	stream.linear.scatter [tilespmem:s31], [sflag:$0x3], $0x80, $0x38;
	[tilespmem:$0xE800] =	vst v63  }
0xc2: {  	s1 =	sadd.s32 $0x30, s0;
	s31 =	simm.s32 $0xAE18  }
0xc3: {  	[hbm4b:s1+s3] =	stream.linear.scatter [tilespmem:s31], [sflag:$0x3], $0x80, $0x38;
	[tilespmem:$0xE800] =	vst v63  }
0xc4: {  	s1 =	sadd.s32 $0x40, s0;
	s31 =	simm.s32 $0xAEA0  }
0xc5: {  	[hbm4b:s1+s3] =	stream.linear.scatter [tilespmem:s31], [sflag:$0x3], $0x80, $0x38;
	[tilespmem:$0xE800] =	vst v63  }
0xc6: {  	s1 =	sadd.s32 $0x50, s0;
	s31 =	simm.s32 $0xAF28  }
0xc7: {  	[hbm4b:s1+s3] =	stream.linear.scatter [tilespmem:s31], [sflag:$0x3], $0x80, $0x38;
	[tilespmem:$0xE800] =	vst v63  }
0xc8: {  	s1 =	sadd.s32 $0x60, s0;
	s31 =	simm.s32 $0xAFB0  }
0xc9: {  	[hbm4b:s1+s3] =	stream.linear.scatter [tilespmem:s31], [sflag:$0x3], $0x80, $0x38;
	[tilespmem:$0xE800] =	vst v63  }
0xca: {  	s0 =	sadd.s32 $0x70, s0;
	s31 =	simm.s32 $0xB038  }
0xcb: {  	[hbm4b:s0+s3] =	stream.linear.scatter [tilespmem:s31], [sflag:$0x3], $0x80, $0x38;
	[tilespmem:$0xE800] =	vst v63  }
0xcc: {  	s0 =	sadd.s32 s30, s9;
	s31 =	simm.s32 $0xB0C0  }
0xcd: {  	[hbm4b:s0+s3] =	stream.linear.scatter [tilespmem:s31], [sflag:$0x3], $0x80, $0x38;
	[tilespmem:$0xE800] =	vst v63  }
0xce: {  	s1 =	sadd.s32 $0x10, s0;
	s31 =	simm.s32 $0xB148  }
0xcf: {  	[hbm4b:s1+s3] =	stream.linear.scatter [tilespmem:s31], [sflag:$0x3], $0x80, $0x38;
	[tilespmem:$0xE800] =	vst v63  }
0xd0: {  	s1 =	sadd.s32 $0x20, s0;
	s31 =	simm.s32 $0xB1D0  }
0xd1: {  	[hbm4b:s1+s3] =	stream.linear.scatter [tilespmem:s31], [sflag:$0x3], $0x80, $0x38;
	[tilespmem:$0xE800] =	vst v63  }
0xd2: {  	s1 =	sadd.s32 $0x30, s0;
	s31 =	simm.s32 $0xB258  }
0xd3: {  	[hbm4b:s1+s3] =	stream.linear.scatter [tilespmem:s31], [sflag:$0x3], $0x80, $0x38;
	[tilespmem:$0xE800] =	vst v63  }
0xd4: {  	s1 =	sadd.s32 $0x40, s0;
	s31 =	simm.s32 $0xB2E0  }
0xd5: {  	[hbm4b:s1+s3] =	stream.linear.scatter [tilespmem:s31], [sflag:$0x3], $0x80, $0x38;
	[tilespmem:$0xE800] =	vst v63  }
0xd6: {  	s1 =	sadd.s32 $0x50, s0;
	s31 =	simm.s32 $0xB368  }
0xd7: {  	[hbm4b:s1+s3] =	stream.linear.scatter [tilespmem:s31], [sflag:$0x3], $0x80, $0x38;
	[tilespmem:$0xE800] =	vst v63  }
0xd8: {  	s1 =	sadd.s32 $0x60, s0;
	s31 =	simm.s32 $0xB3F0  }
0xd9: {  	[hbm4b:s1+s3] =	stream.linear.scatter [tilespmem:s31], [sflag:$0x3], $0x80, $0x38;
	[tilespmem:$0xE800] =	vst v63  }
0xda: {  	s0 =	sadd.s32 $0x70, s0;
	s31 =	simm.s32 $0xB478  }
0xdb: {  	[hbm4b:s0+s3] =	stream.linear.scatter [tilespmem:s31], [sflag:$0x3], $0x80, $0x38;
	[tilespmem:$0xE800] =	vst v63  }
0xdc: {  	s0 =	sadd.s32 s30, s10;
	s31 =	simm.s32 $0xB500  }
0xdd: {  	[hbm4b:s0+s3] =	stream.linear.scatter [tilespmem:s31], [sflag:$0x3], $0x80, $0x38;
	[tilespmem:$0xE800] =	vst v63  }
0xde: {  	s1 =	sadd.s32 $0x10, s0;
	s31 =	simm.s32 $0xB588  }
0xdf: {  	[hbm4b:s1+s3] =	stream.linear.scatter [tilespmem:s31], [sflag:$0x3], $0x80, $0x38;
	[tilespmem:$0xE800] =	vst v63  }
0xe0: {  	s1 =	sadd.s32 $0x20, s0;
	s31 =	simm.s32 $0xB610  }
0xe1: {  	[hbm4b:s1+s3] =	stream.linear.scatter [tilespmem:s31], [sflag:$0x3], $0x80, $0x38;
	[tilespmem:$0xE800] =	vst v63  }
0xe2: {  	s1 =	sadd.s32 $0x30, s0;
	s31 =	simm.s32 $0xB698  }
0xe3: {  	[hbm4b:s1+s3] =	stream.linear.scatter [tilespmem:s31], [sflag:$0x3], $0x80, $0x38;
	[tilespmem:$0xE800] =	vst v63  }
0xe4: {  	s1 =	sadd.s32 $0x40, s0;
	s31 =	simm.s32 $0xB720  }
0xe5: {  	[hbm4b:s1+s3] =	stream.linear.scatter [tilespmem:s31], [sflag:$0x3], $0x80, $0x38;
	[tilespmem:$0xE800] =	vst v63  }
0xe6: {  	s1 =	sadd.s32 $0x50, s0;
	s31 =	simm.s32 $0xB7A8  }
0xe7: {  	[hbm4b:s1+s3] =	stream.linear.scatter [tilespmem:s31], [sflag:$0x3], $0x80, $0x38;
	[tilespmem:$0xE800] =	vst v63  }
0xe8: {  	s1 =	sadd.s32 $0x60, s0;
	s31 =	simm.s32 $0xB830  }
0xe9: {  	[hbm4b:s1+s3] =	stream.linear.scatter [tilespmem:s31], [sflag:$0x3], $0x80, $0x38;
	[tilespmem:$0xE800] =	vst v63  }
0xea: {  	s0 =	sadd.s32 $0x70, s0;
	s31 =	simm.s32 $0xB8B8  }
0xeb: {  	[hbm4b:s0+s3] =	stream.linear.scatter [tilespmem:s31], [sflag:$0x3], $0x80, $0x38;
	[tilespmem:$0xE800] =	vst v63  }
0xec: {  	s0 =	sadd.s32 s30, s11;
	s31 =	simm.s32 $0xB940  }
0xed: {  	[hbm4b:s0+s3] =	stream.linear.scatter [tilespmem:s31], [sflag:$0x3], $0x80, $0x38;
	[tilespmem:$0xE800] =	vst v63  }
0xee: {  	s1 =	sadd.s32 $0x10, s0;
	s31 =	simm.s32 $0xB9C8  }
0xef: {  	[hbm4b:s1+s3] =	stream.linear.scatter [tilespmem:s31], [sflag:$0x3], $0x80, $0x38;
	[tilespmem:$0xE800] =	vst v63  }
0xf0: {  	s1 =	sadd.s32 $0x20, s0;
	s31 =	simm.s32 $0xBA50  }
0xf1: {  	[hbm4b:s1+s3] =	stream.linear.scatter [tilespmem:s31], [sflag:$0x3], $0x80, $0x38;
	[tilespmem:$0xE800] =	vst v63  }
0xf2: {  	s1 =	sadd.s32 $0x30, s0;
	s31 =	simm.s32 $0xBAD8  }
0xf3: {  	[hbm4b:s1+s3] =	stream.linear.scatter [tilespmem:s31], [sflag:$0x3], $0x80, $0x38;
	[tilespmem:$0xE800] =	vst v63  }
0xf4: {  	s1 =	sadd.s32 $0x40, s0;
	s31 =	simm.s32 $0xBB60  }
0xf5: {  	[hbm4b:s1+s3] =	stream.linear.scatter [tilespmem:s31], [sflag:$0x3], $0x80, $0x38;
	[tilespmem:$0xE800] =	vst v63  }
0xf6: {  	s1 =	sadd.s32 $0x50, s0;
	s31 =	simm.s32 $0xBBE8  }
0xf7: {  	[hbm4b:s1+s3] =	stream.linear.scatter [tilespmem:s31], [sflag:$0x3], $0x80, $0x38;
	[tilespmem:$0xE800] =	vst v63  }
0xf8: {  	s1 =	sadd.s32 $0x60, s0;
	s31 =	simm.s32 $0xBC70  }
0xf9: {  	[hbm4b:s1+s3] =	stream.linear.scatter [tilespmem:s31], [sflag:$0x3], $0x80, $0x38;
	[tilespmem:$0xE800] =	vst v63  }
0xfa: {  	s0 =	sadd.s32 $0x70, s0;
	s31 =	simm.s32 $0xBCF8  }
0xfb: {  	[hbm4b:s0+s3] =	stream.linear.scatter [tilespmem:s31], [sflag:$0x3], $0x80, $0x38;
	[tilespmem:$0xE800] =	vst v63  }
0xfc: {  	s0 =	sadd.s32 s30, s12;
	s31 =	simm.s32 $0xBD80  }
0xfd: {  	[hbm4b:s0+s3] =	stream.linear.scatter [tilespmem:s31], [sflag:$0x3], $0x80, $0x38;
	[tilespmem:$0xE800] =	vst v63  }
0xfe: {  	s1 =	sadd.s32 $0x10, s0;
	s31 =	simm.s32 $0xBE08  }
0xff: {  	[hbm4b:s1+s3] =	stream.linear.scatter [tilespmem:s31], [sflag:$0x3], $0x80, $0x38;
	[tilespmem:$0xE800] =	vst v63  }
0x100: {  	s1 =	sadd.s32 $0x20, s0;
	s31 =	simm.s32 $0xBE90  }
0x101: {  	[hbm4b:s1+s3] =	stream.linear.scatter [tilespmem:s31], [sflag:$0x3], $0x80, $0x38;
	[tilespmem:$0xE800] =	vst v63  }
0x102: {  	s1 =	sadd.s32 $0x30, s0;
	s31 =	simm.s32 $0xBF18  }
0x103: {  	[hbm4b:s1+s3] =	stream.linear.scatter [tilespmem:s31], [sflag:$0x3], $0x80, $0x38;
	[tilespmem:$0xE800] =	vst v63  }
0x104: {  	s1 =	sadd.s32 $0x40, s0;
	s31 =	simm.s32 $0xBFA0  }
0x105: {  	[hbm4b:s1+s3] =	stream.linear.scatter [tilespmem:s31], [sflag:$0x3], $0x80, $0x38;
	[tilespmem:$0xE800] =	vst v63  }
0x106: {  	s1 =	sadd.s32 $0x50, s0;
	s31 =	simm.s32 $0xC028  }
0x107: {  	[hbm4b:s1+s3] =	stream.linear.scatter [tilespmem:s31], [sflag:$0x3], $0x80, $0x38;
	[tilespmem:$0xE800] =	vst v63  }
0x108: {  	s1 =	sadd.s32 $0x60, s0;
	s31 =	simm.s32 $0xC0B0  }
0x109: {  	[hbm4b:s1+s3] =	stream.linear.scatter [tilespmem:s31], [sflag:$0x3], $0x80, $0x38;
	[tilespmem:$0xE800] =	vst v63  }
0x10a: {  	s0 =	sadd.s32 $0x70, s0;
	s31 =	simm.s32 $0xC138  }
0x10b: {  	[hbm4b:s0+s3] =	stream.linear.scatter [tilespmem:s31], [sflag:$0x3], $0x80, $0x38;
	[tilespmem:$0xE800] =	vst v63  }
0x10c: {  	s0 =	sadd.s32 s30, s13;
	s30 =	simm.s32 $0xC1C0  }
0x10d: {  	[hbm4b:s0+s3] =	stream.linear.scatter [tilespmem:s30], [sflag:$0x3], $0x80, $0x38;
	[tilespmem:$0xE800] =	vst v63  }
0x10e: {  	s31 =	simm.s32 $0xC248;
	s1 =	sadd.s32 $0x10, s0  }
0x10f: {  	[hbm4b:s1+s3] =	stream.linear.scatter [tilespmem:s31], [sflag:$0x3], $0x80, $0x38;
	[tilespmem:$0xE800] =	vst v63  }
0x110: {  	s1 =	sadd.s32 $0x20, s0;
	s31 =	simm.s32 $0xC2D0  }
0x111: {  	[hbm4b:s1+s3] =	stream.linear.scatter [tilespmem:s31], [sflag:$0x3], $0x80, $0x38;
	[tilespmem:$0xE800] =	vst v63  }
0x112: {  	s1 =	sadd.s32 $0x30, s0;
	s31 =	simm.s32 $0xC358  }
0x113: {  	[hbm4b:s1+s3] =	stream.linear.scatter [tilespmem:s31], [sflag:$0x3], $0x80, $0x38;
	[tilespmem:$0xE800] =	vst v63  }
0x114: {  	s1 =	sadd.s32 $0x40, s0;
	s31 =	simm.s32 $0xC3E0  }
0x115: {  	[hbm4b:s1+s3] =	stream.linear.scatter [tilespmem:s31], [sflag:$0x3], $0x80, $0x38;
	[tilespmem:$0xE800] =	vst v63  }
0x116: {  	p1 =	sne.s32 s28, $0x63;
	s1 =	sadd.s32 $0x50, s0;
	s31 =	simm.s32 $0xC468  }
0x117: {  	[hbm4b:s1+s3] =	stream.linear.scatter [tilespmem:s31], [sflag:$0x3], $0x80, $0x38;
	[tilespmem:$0xE800] =	vst v63  }
.Ltmp1:
0x118: {  	_ = 	snop;
	(pc) =	sbr.rel @p1 .LBB2_6-.Ltmp1, $4  }
0x119: {  	s1 =	sadd.s32 $0x60, s0;
	s31 =	simm.s32 $0xC4F0  }
0x11a: {  	[hbm4b:s1+s3] =	stream.linear.scatter [tilespmem:s31], [sflag:$0x3], $0x80, $0x38;
	[tilespmem:$0xE800] =	vst v63  }
0x11b: {  	s0 =	sadd.s32 $0x70, s0;
	s31 =	simm.s32 $0xC578  }
0x11c: {  	[hbm4b:s0+s3] =	stream.linear.scatter [tilespmem:s31], [sflag:$0x3], $0x80, $0x38;
	[tilespmem:$0xE800] =	vst v63  }
.Ltmp2:
0x11d: {  	(pc) =	sbr.rel .LBB2_7-.Ltmp2, $4  }
0x11e: {  	_ = 	snop  }
0x11f: {  	_ =	swait.ge [sflag:s5], $0x2000  }
0x120: {  	[sflag:s5] =	ssyncset.done $0x0  }
0x121: {  	[sflag:s5] =	ssyncadd.s32 $0xFFFFE000  }
.LBB2_6:
0x122: {  	s0 =	sshll.u32 s28, $0x8  }
0x123: {  	s0 =	sand.u32 $0x3FFFFF00, s0  }
.Ltmp3:
0x124: {  	s1 =	simm.s32 $0x6400;
	s0 =	sadd.s32 $0x100, s0;
	(pc) =	sbr.rel @p0 .LBB2_8-.Ltmp3, $4  }
0x125: {  	[tilespmem:s1], [sflag:$0x1] =	stream.indirect.gather [hbm4b:s4+s15], $0x40, s0, s15, $0xb8;
	[tilespmem:$0xE800] =	vst v63  }
0x126: {  	_ =	swait.ge [sflag:s5], $0x2000  }
0x127: {  	[sflag:s5] =	ssyncset.done $0x0  }
0x128: {  	[sflag:s5] =	ssyncadd.s32 $0xFFFFE000  }
.LBB2_7:
0x129: {  	_ =	swait.ge [sflag:s14], $0x400  }
0x12a: {  	[sflag:s14] =	ssyncset.done $0x0  }
0x12b: {  	[sflag:s14] =	ssyncadd.s32 $0xFFFFFC00  }
0x12c: {  	_ =	swait.ge [sflag:s14], $0x400  }
0x12d: {  	[sflag:s14] =	ssyncset.done $0x0  }
0x12e: {  	[sflag:s14] =	ssyncadd.s32 $0xFFFFFC00  }
0x12f: {  	_ =	swait.ge [sflag:s14], $0x400  }
0x130: {  	[sflag:s14] =	ssyncset.done $0x0  }
0x131: {  	[sflag:s14] =	ssyncadd.s32 $0xFFFFFC00  }
0x132: {  	_ =	swait.ge [sflag:s14], $0x400  }
0x133: {  	[sflag:s14] =	ssyncset.done $0x0  }
0x134: {  	[sflag:s14] =	ssyncadd.s32 $0xFFFFFC00  }
0x135: {  	_ =	swait.ge [sflag:s14], $0x400  }
0x136: {  	[sflag:s14] =	ssyncset.done $0x0  }
0x137: {  	[sflag:s14] =	ssyncadd.s32 $0xFFFFFC00  }
0x138: {  	_ =	swait.ge [sflag:s14], $0x400  }
0x139: {  	[sflag:s14] =	ssyncset.done $0x0  }
0x13a: {  	[sflag:s14] =	ssyncadd.s32 $0xFFFFFC00  }
0x13b: {  	_ =	swait.ge [sflag:s14], $0x400  }
0x13c: {  	[sflag:s14] =	ssyncset.done $0x0  }
0x13d: {  	[sflag:s14] =	ssyncadd.s32 $0xFFFFFC00  }
0x13e: {  	_ =	swait.ge [sflag:s14], $0x400  }
0x13f: {  	[sflag:s14] =	ssyncset.done $0x0  }
0x140: {  	[sflag:s14] =	ssyncadd.s32 $0xFFFFFC00  }
.LBB2_8:
0x141: {  	s0 =	simm.s32 $0x0;
	s1 =	simm.s32 $0x2;
	s30 =	simm.s32 $0x7  }
0x142: {  	v33 =	vmov s0;
	s0 =	simm.s32 $0x1;
	v35 =	vmov s1;
	s1 =	simm.s32 $0x4;
	v38 =	vmov s30  }
0x143: {  	v33 =	vshrl.u32 v33, $0x3;
	v34 =	vmov s0;
	s0 =	simm.s32 $0x3;
	v37 =	vmov s1  }
0x144: {  	s1 =	simm.s32 $0x6;
	v38 =	vshrl.u32 v38, $0x3;
	v35 =	vshrl.u32 v35, $0x3;
	v36 =	vmov s0  }
0x145: {  	v33 =	vshll.u32 v33, v1;
	v40 =	vmov s1;
	v34 =	vshrl.u32 v34, $0x3  }
0x146: {  	s0 =	simm.s32 $0x5;
	v38 =	vshll.u32 v38, v1;
	v37 =	vshrl.u32 v37, $0x3;
	v52 =	vshll.u32 v35, v1  }
0x147: {  	v39 =	vmov s0;
	v36 =	vshrl.u32 v36, $0x3;
	v38 =	vbroadcast v38, $0x0  }
0x148: {  	s30 =	simm.s32 $0x85F0;
	v33 =	vbroadcast v33, $0x0;
	v34 =	vshll.u32 v34, v1;
	v52 =	vbroadcast v52, $0x0  }
0x149: {  	v41 =	vld [tilespmem:s30+$0xFFFFFFD0];
	v54 =	vshll.u32 v37, v1;
	v40 =	vshrl.u32 v40, $0x3;
	v42 =	vadd.s32 v29, v38  }
0x14a: {  	v43 =	vld [tilespmem:s30+$0xFFFFFE10];
	v45 =	vbroadcast v34, $0x0;
	v53 =	vshll.u32 v36, v1;
	v44 =	vadd.s32 v0, v33  }
0x14b: {  	v48 =	vld [tilespmem:s30+$0xFFFFFE90];
	v34 =	vbroadcast v54, $0x0;
	v55 =	vshrl.u32 v39, $0x3;
	v49 =	vadd.s32 v9, v52  }
0x14c: {  	v46 =	vld [tilespmem:s30+$0xFFFFFE50];
	v35 =	vbroadcast v53, $0x0;
	v36 =	vshll.u32 v55, v1;
	v47 =	vadd.s32 v5, v45  }
0x14d: {  	v51 =	vld [tilespmem:s30+$0xFFFFFF10];
	v56 =	vshll.u32 v40, v1;
	v53 =	vadd.s32 v17, v34;
	v37 =	vbroadcast v36, $0x0  }
0x14e: {  	v39 =	vld [tilespmem:s30+$0xFFFFFED0];
	v36 =	vbroadcast v56, $0x0;
	v50 =	vadd.s32 v13, v35;
	[tilespmem:v42+s17+$0x0] =	vst.idx.msk $0xffff, v41  }
0x14f: {  	v59 =	vld [tilespmem:s30+$0xFFFFFF50];
	v60 =	vadd.s32 v21, v37;
	[tilespmem:v44+s17+$0x0] =	vst.idx.msk $0xffff, v43  }
0x150: {  	v61 =	vld [tilespmem:s30+$0xFFFFFF90];
	v62 =	vadd.s32 v25, v36;
	[tilespmem:v49+s17+$0x0] =	vst.idx.msk $0xffff, v48  }
0x151: {  	v58 =	vadd.s32 v30, v38;
	v57 =	vld [tilespmem:s30+$0xFFFFFFE0];
	[tilespmem:v47+s17+$0x0] =	vst.idx.msk $0xffff, v46  }
0x152: {  	v55 =	vadd.s32 v10, v52;
	v54 =	vld [tilespmem:s30+$0xFFFFFEA0];
	[tilespmem:v53+s17+$0x0] =	vst.idx.msk $0xffff, v51  }
0x153: {  	v63 =	vadd.s32 v6, v45;
	v47 =	vld [tilespmem:s30+$0xFFFFFE60];
	[tilespmem:v50+s17+$0x0] =	vst.idx.msk $0xffff, v39  }
0x154: {  	v56 =	vadd.s32 v14, v35;
	v50 =	vld [tilespmem:s30+$0xFFFFFEE0];
	[tilespmem:v60+s17+$0x0] =	vst.idx.msk $0xffff, v59  }
0x155: {  	[tilespmem:v62+s17+$0x0] =	vst.idx.msk $0xffff, v61;
	v61 =	vld [tilespmem:s30+$0xFFFFFE20];
	v62 =	vadd.s32 v2, v33  }
0x156: {  	v59 =	vadd.s32 v18, v34;
	[tilespmem:v58+s17+$0x0] =	vst.idx.msk $0xffff, v57;
	v58 =	vld [tilespmem:s30+$0xFFFFFF20]  }
0x157: {  	v57 =	vadd.s32 v31, v38;
	[tilespmem:v55+s17+$0x0] =	vst.idx.msk $0xffff, v54;
	v40 =	vld [tilespmem:s30+$0xFFFFFFF0]  }
0x158: {  	v46 =	vadd.s32 v22, v37;
	v44 =	vld [tilespmem:s30+$0xFFFFFF60];
	[tilespmem:v63+s17+$0x0] =	vst.idx.msk $0xffff, v47  }
0x159: {  	v60 =	vadd.s32 v26, v36;
	v63 =	vld [tilespmem:s30+$0xFFFFFFA0];
	[tilespmem:v56+s17+$0x0] =	vst.idx.msk $0xffff, v50  }
0x15a: {  	v51 =	vadd.s32 v7, v45;
	v50 =	vld [tilespmem:s30+$0xFFFFFE70];
	[tilespmem:v62+s17+$0x0] =	vst.idx.msk $0xffff, v61  }
0x15b: {  	v55 =	vld [tilespmem:s30+$0xFFFFFEB0];
	v56 =	vadd.s32 v11, v52;
	[tilespmem:v59+s17+$0x0] =	vst.idx.msk $0xffff, v58  }
0x15c: {  	v58 =	vadd.s32 v15, v35;
	[tilespmem:v57+s17+$0x0] =	vst.idx.msk $0xffff, v40;
	v57 =	vld [tilespmem:s30+$0xFFFFFEF0]  }
0x15d: {  	v38 =	vadd.s32 v32, v38;
	[tilespmem:v46+s17+$0x0] =	vst.idx.msk $0xffff, v44;
	v54 =	vld [tilespmem:s30+$0x0]  }
0x15e: {  	s1 =	simm.s32 $0x8;
	[tilespmem:v60+s17+$0x0] =	vst.idx.msk $0xffff, v63;
	v59 =	vld [tilespmem:s30+$0xFFFFFF30];
	v60 =	vadd.s32 v19, v34  }
0x15f: {  	v41 =	vadd.s32 v23, v37;
	v63 =	vmov s1;
	s1 =	simm.s32 $0x9;
	v40 =	vld [tilespmem:s30+$0xFFFFFF70];
	[tilespmem:v51+s17+$0x0] =	vst.idx.msk $0xffff, v50  }
0x160: {  	v43 =	vadd.s32 v27, v36;
	v48 =	vadd.s32 v3, v33;
	v53 =	vmov s1;
	s1 =	simm.s32 $0xB;
	v42 =	vld [tilespmem:s30+$0xFFFFFFB0];
	[tilespmem:v56+s17+$0x0] =	vst.idx.msk $0xffff, v55  }
0x161: {  	s0 =	simm.s32 $0xA;
	v52 =	vadd.s32 v12, v52;
	v46 =	vld [tilespmem:s30+$0xFFFFFE30];
	v39 =	vshrl.u32 v63, $0x3;
	v44 =	vmov s1;
	s1 =	simm.s32 $0xD;
	[tilespmem:v58+s17+$0x0] =	vst.idx.msk $0xffff, v57  }
0x162: {  	v51 =	vadd.s32 v8, v45;
	v49 =	vld [tilespmem:s30+$0xFFFFFE80];
	[tilespmem:v38+s17+$0x0] =	vst.idx.msk $0xffff, v54;
	v54 =	vmov s0;
	s0 =	simm.s32 $0xC;
	v38 =	vmov s1;
	s1 =	simm.s32 $0xE  }
0x163: {  	s31 =	simm.s32 $0x10;
	v45 =	vshll.u32 v39, v1;
	v50 =	vld [tilespmem:s30+$0xFFFFFEC0];
	[tilespmem:v60+s17+$0x0] =	vst.idx.msk $0xffff, v59;
	v47 =	vmov s0;
	v39 =	vmov s1;
	s1 =	simm.s32 $0xF  }
.LBB2_9:
0x164: {  	p0 =	slt.u32 s31, $0x78;
	v53 =	vshrl.u32 v53, $0x3;
	v55 =	vmov s1;
	v56 =	vld [tilespmem:s30+$0xFFFFFF00];
	v35 =	vadd.s32 v16, v35;
	[tilespmem:v41+s17+$0x0] =	vst.idx.msk $0xffff, v40  }
0x165: {  	v40 =	vshrl.u32 v54, $0x3;
	v34 =	vadd.s32 v20, v34;
	v41 =	vshrl.u32 v55, $0x3;
	v54 =	vld [tilespmem:s30+$0xFFFFFF40];
	[tilespmem:v43+s17+$0x0] =	vst.idx.msk $0xffff, v42  }
0x166: {  	v37 =	vadd.s32 v24, v37;
	v42 =	vshrl.u32 v44, $0x3;
	v41 =	vshll.u32 v41, v1;
	[tilespmem:v48+s17+$0x0] =	vst.idx.msk $0xffff, v46;
	v43 =	vld [tilespmem:s30+$0xFFFFFF80]  }
0x167: {  	v36 =	vadd.s32 v28, v36;
	v44 =	vshrl.u32 v47, $0x3;
	v41 =	vbroadcast v41, $0x0;
	[tilespmem:v51+s17+$0x0] =	vst.idx.msk $0xffff, v49;
	v46 =	vld [tilespmem:s30+$0xFFFFFFC0]  }
0x168: {  	v47 =	vshll.u32 v53, v1;
	v49 =	vadd.s32 v4, v33;
	v33 =	vbroadcast v45, $0x0;
	v48 =	vld [tilespmem:s30+$0xFFFFFE40];
	[tilespmem:v52+s17+$0x0] =	vst.idx.msk $0xffff, v50;
	s30 =	sadd.s32 $0x200, s30  }
0x169: {  	v40 =	vshll.u32 v40, v1;
	v45 =	vbroadcast v47, $0x0;
	v47 =	vld [tilespmem:s30+$0xFFFFFFD0];
	v50 =	vadd.s32 v29, v41;
	[tilespmem:v35+s17+$0x0] =	vst.idx.msk $0xffff, v56  }
0x16a: {  	v55 =	vbroadcast v40, $0x0;
	v52 =	vadd.s32 v0, v33;
	v35 =	vshll.u32 v42, v1;
	v51 =	vld [tilespmem:s30+$0xFFFFFE10];
	[tilespmem:v34+s17+$0x0] =	vst.idx.msk $0xffff, v54  }
0x16b: {  	v42 =	vadd.s32 v5, v45;
	v35 =	vbroadcast v35, $0x0;
	v34 =	vshll.u32 v44, v1;
	v40 =	vld [tilespmem:s30+$0xFFFFFE50];
	[tilespmem:v37+s17+$0x0] =	vst.idx.msk $0xffff, v43  }
0x16c: {  	v44 =	vadd.s32 v9, v55;
	v34 =	vbroadcast v34, $0x0;
	v37 =	vshrl.u32 v38, $0x3;
	v43 =	vld [tilespmem:s30+$0xFFFFFE90];
	[tilespmem:v36+s17+$0x0] =	vst.idx.msk $0xffff, v46  }
0x16d: {  	v39 =	vshrl.u32 v39, $0x3;
	v46 =	vadd.s32 v13, v35;
	v36 =	vshll.u32 v37, v1;
	v38 =	vld [tilespmem:s30+$0xFFFFFED0];
	[tilespmem:v49+s17+$0x0] =	vst.idx.msk $0xffff, v48  }
0x16e: {  	v49 =	vadd.s32 v17, v34;
	v37 =	vbroadcast v36, $0x0;
	v36 =	vshll.u32 v39, v1;
	v48 =	vld [tilespmem:s30+$0xFFFFFF10];
	[tilespmem:v50+s17+$0x0] =	vst.idx.msk $0xffff, v47  }
0x16f: {  	v36 =	vbroadcast v36, $0x0;
	v47 =	vadd.s32 v30, v41;
	[tilespmem:v52+s17+$0x0] =	vst.idx.msk $0xffff, v51;
	v39 =	vld [tilespmem:s30+$0xFFFFFFE0]  }
0x170: {  	[tilespmem:v42+s17+$0x0] =	vst.idx.msk $0xffff, v40;
	v40 =	vld [tilespmem:s30+$0xFFFFFF50];
	v42 =	vadd.s32 v21, v37  }
0x171: {  	[tilespmem:v44+s17+$0x0] =	vst.idx.msk $0xffff, v43;
	v43 =	vld [tilespmem:s30+$0xFFFFFF90];
	v44 =	vadd.s32 v25, v36  }
0x172: {  	v51 =	vadd.s32 v6, v45;
	v50 =	vld [tilespmem:s30+$0xFFFFFE60];
	[tilespmem:v46+s17+$0x0] =	vst.idx.msk $0xffff, v38  }
0x173: {  	v46 =	vadd.s32 v10, v55;
	v38 =	vld [tilespmem:s30+$0xFFFFFEA0];
	[tilespmem:v49+s17+$0x0] =	vst.idx.msk $0xffff, v48  }
0x174: {  	v49 =	vadd.s32 v14, v35;
	v48 =	vld [tilespmem:s30+$0xFFFFFEE0];
	[tilespmem:v47+s17+$0x0] =	vst.idx.msk $0xffff, v39  }
0x175: {  	[tilespmem:v42+s17+$0x0] =	vst.idx.msk $0xffff, v40;
	v39 =	vld [tilespmem:s30+$0xFFFFFFF0];
	v40 =	vadd.s32 v31, v41  }
0x176: {  	v47 =	vadd.s32 v18, v34;
	v42 =	vld [tilespmem:s30+$0xFFFFFF20];
	[tilespmem:v44+s17+$0x0] =	vst.idx.msk $0xffff, v43  }
0x177: {  	v44 =	vadd.s32 v22, v37;
	[tilespmem:v51+s17+$0x0] =	vst.idx.msk $0xffff, v50;
	v43 =	vld [tilespmem:s30+$0xFFFFFF60]  }
0x178: {  	[tilespmem:v46+s17+$0x0] =	vst.idx.msk $0xffff, v38;
	v38 =	vld [tilespmem:s30+$0xFFFFFFA0];
	v46 =	vadd.s32 v26, v36  }
0x179: {  	v51 =	vadd.s32 v2, v33;
	v50 =	vld [tilespmem:s30+$0xFFFFFE20];
	[tilespmem:v49+s17+$0x0] =	vst.idx.msk $0xffff, v48  }
0x17a: {  	v49 =	vadd.s32 v7, v45;
	v48 =	vld [tilespmem:s30+$0xFFFFFE70];
	[tilespmem:v40+s17+$0x0] =	vst.idx.msk $0xffff, v39  }
0x17b: {  	[tilespmem:v47+s17+$0x0] =	vst.idx.msk $0xffff, v42;
	v39 =	vld [tilespmem:s30+$0x0];
	v47 =	vadd.s32 v32, v41  }
0x17c: {  	v56 =	vadd.s32 v11, v55;
	v52 =	vld [tilespmem:s30+$0xFFFFFEB0];
	[tilespmem:v44+s17+$0x0] =	vst.idx.msk $0xffff, v43  }
0x17d: {  	v58 =	vadd.s32 v15, v35;
	v57 =	vld [tilespmem:s30+$0xFFFFFEF0];
	[tilespmem:v46+s17+$0x0] =	vst.idx.msk $0xffff, v38  }
0x17e: {  	v60 =	vadd.s32 v19, v34;
	[tilespmem:v51+s17+$0x0] =	vst.idx.msk $0xffff, v50;
	v59 =	vld [tilespmem:s30+$0xFFFFFF30]  }
.Ltmp4:
0x17f: {  	s0 =	sadd.s32 $0x1, s31;
	v41 =	vadd.s32 v23, v37;
	v38 =	vmov s31;
	[tilespmem:v49+s17+$0x0] =	vst.idx.msk $0xffff, v48;
	v40 =	vld [tilespmem:s30+$0xFFFFFF70];
	(pc) =	sbr.rel @p0 .LBB2_9-.Ltmp4, $4  }
0x180: {  	s1 =	sadd.s32 $0x3, s31;
	v53 =	vmov s0;
	s0 =	sadd.s32 $0x2, s31;
	v43 =	vadd.s32 v27, v36;
	v50 =	vshrl.u32 v38, $0x3;
	v42 =	vld [tilespmem:s30+$0xFFFFFFB0];
	[tilespmem:v47+s17+$0x0] =	vst.idx.msk $0xffff, v39  }
0x181: {  	v54 =	vmov s0;
	s0 =	sadd.s32 $0x4, s31;
	v44 =	vmov s1;
	s1 =	sadd.s32 $0x5, s31;
	v48 =	vadd.s32 v3, v33;
	v46 =	vld [tilespmem:s30+$0xFFFFFE30];
	[tilespmem:v56+s17+$0x0] =	vst.idx.msk $0xffff, v52  }
0x182: {  	v38 =	vmov s1;
	v51 =	vadd.s32 v8, v45;
	v47 =	vmov s0;
	s0 =	sadd.s32 $0x6, s31;
	v49 =	vld [tilespmem:s30+$0xFFFFFE80];
	[tilespmem:v58+s17+$0x0] =	vst.idx.msk $0xffff, v57  }
0x183: {  	s1 =	sadd.s32 $0x7, s31;
	v45 =	vshll.u32 v50, v1;
	s31 =	sadd.s32 $0x8, s31;
	v39 =	vmov s0;
	v52 =	vadd.s32 v12, v55;
	v50 =	vld [tilespmem:s30+$0xFFFFFEC0];
	[tilespmem:v60+s17+$0x0] =	vst.idx.msk $0xffff, v59  }
0x184: {  	_ =	sdelay $0x2  }
0x185: {  	v53 =	vshrl.u32 v53, $0x3  }
0x186: {  	v55 =	vmov s1;
	v56 =	vld [tilespmem:s30+$0xFFFFFF00];
	v35 =	vadd.s32 v16, v35;
	[tilespmem:v41+s17+$0x0] =	vst.idx.msk $0xffff, v40;
	v57 =	vshrl.u32 v54, $0x3  }
0x187: {  	v59 =	vld [tilespmem:s30+$0xFFFFFF40];
	v34 =	vadd.s32 v20, v34;
	v60 =	vshrl.u32 v44, $0x3;
	v58 =	vshrl.u32 v55, $0x3;
	[tilespmem:v43+s17+$0x0] =	vst.idx.msk $0xffff, v42  }
0x188: {  	v37 =	vadd.s32 v24, v37;
	v62 =	vshrl.u32 v47, $0x3;
	v61 =	vld [tilespmem:s30+$0xFFFFFF80];
	v41 =	vshll.u32 v58, v1;
	[tilespmem:v48+s17+$0x0] =	vst.idx.msk $0xffff, v46  }
0x189: {  	v36 =	vadd.s32 v28, v36;
	v45 =	vbroadcast v45, $0x0;
	v63 =	vld [tilespmem:s30+$0xFFFFFFC0];
	v41 =	vbroadcast v41, $0x0;
	[tilespmem:v51+s17+$0x0] =	vst.idx.msk $0xffff, v49  }
0x18a: {  	v33 =	vadd.s32 v4, v33;
	s1 =	sadd.s32 $0x200, s30;
	v38 =	vshrl.u32 v38, $0x3;
	v55 =	vshll.u32 v53, v1;
	v48 =	vld [tilespmem:s30+$0xFFFFFE40];
	[tilespmem:v52+s17+$0x0] =	vst.idx.msk $0xffff, v50  }
0x18b: {  	v40 =	vshll.u32 v57, v1;
	v47 =	vbroadcast v55, $0x0;
	v49 =	vld [tilespmem:s1+$0xFFFFFFD0];
	v50 =	vadd.s32 v29, v41;
	[tilespmem:v35+s17+$0x0] =	vst.idx.msk $0xffff, v56  }
0x18c: {  	v42 =	vshll.u32 v60, v1;
	v40 =	vbroadcast v40, $0x0;
	v35 =	vld [tilespmem:s1+$0xFFFFFE10];
	v56 =	vadd.s32 v0, v45;
	[tilespmem:v34+s17+$0x0] =	vst.idx.msk $0xffff, v59  }
0x18d: {  	v57 =	vld [tilespmem:s1+$0xFFFFFE50];
	v44 =	vshll.u32 v62, v1;
	v42 =	vbroadcast v42, $0x0;
	v58 =	vadd.s32 v5, v47;
	[tilespmem:v37+s17+$0x0] =	vst.idx.msk $0xffff, v61  }
0x18e: {  	v38 =	vshll.u32 v38, v1;
	v44 =	vbroadcast v44, $0x0;
	v60 =	vadd.s32 v9, v40;
	v59 =	vld [tilespmem:s1+$0xFFFFFE90];
	[tilespmem:v36+s17+$0x0] =	vst.idx.msk $0xffff, v63  }
0x18f: {  	v38 =	vbroadcast v38, $0x0;
	v62 =	vadd.s32 v13, v42;
	v61 =	vld [tilespmem:s1+$0xFFFFFED0];
	[tilespmem:v33+s17+$0x0] =	vst.idx.msk $0xffff, v48  }
0x190: {  	v39 =	vshrl.u32 v39, $0x3;
	v63 =	vadd.s32 v17, v44;
	v33 =	vld [tilespmem:s1+$0xFFFFFF10];
	[tilespmem:v50+s17+$0x0] =	vst.idx.msk $0xffff, v49  }
0x191: {  	v39 =	vshll.u32 v39, v1;
	v34 =	vld [tilespmem:s1+$0xFFFFFF50];
	[tilespmem:v56+s17+$0x0] =	vst.idx.msk $0xffff, v35;
	v56 =	vadd.s32 v21, v38  }
0x192: {  	[tilespmem:v58+s17+$0x0] =	vst.idx.msk $0xffff, v57;
	v35 =	vbroadcast v39, $0x0;
	v49 =	vadd.s32 v30, v41;
	v39 =	vld [tilespmem:s1+$0xFFFFFFE0]  }
0x193: {  	[tilespmem:v60+s17+$0x0] =	vst.idx.msk $0xffff, v59;
	v59 =	vld [tilespmem:s1+$0xFFFFFE60];
	v60 =	vadd.s32 v6, v47  }
0x194: {  	v57 =	vld [tilespmem:s1+$0xFFFFFF90];
	[tilespmem:v62+s17+$0x0] =	vst.idx.msk $0xffff, v61;
	v58 =	vadd.s32 v25, v35  }
0x195: {  	v61 =	vld [tilespmem:s1+$0xFFFFFEA0];
	v62 =	vadd.s32 v10, v40;
	[tilespmem:v63+s17+$0x0] =	vst.idx.msk $0xffff, v33  }
0x196: {  	v33 =	vld [tilespmem:s1+$0xFFFFFEE0];
	v63 =	vadd.s32 v14, v42;
	[tilespmem:v56+s17+$0x0] =	vst.idx.msk $0xffff, v34  }
0x197: {  	v56 =	vadd.s32 v18, v44;
	[tilespmem:v49+s17+$0x0] =	vst.idx.msk $0xffff, v39;
	v49 =	vld [tilespmem:s1+$0xFFFFFF20]  }
0x198: {  	[tilespmem:v60+s17+$0x0] =	vst.idx.msk $0xffff, v59;
	v39 =	vadd.s32 v31, v41;
	v34 =	vld [tilespmem:s1+$0xFFFFFFF0]  }
0x199: {  	[tilespmem:v58+s17+$0x0] =	vst.idx.msk $0xffff, v57;
	v57 =	vld [tilespmem:s1+$0xFFFFFF60];
	v58 =	vadd.s32 v22, v38  }
0x19a: {  	[tilespmem:v62+s17+$0x0] =	vst.idx.msk $0xffff, v61;
	v61 =	vld [tilespmem:s1+$0xFFFFFE20];
	v62 =	vadd.s32 v2, v45  }
0x19b: {  	v60 =	vadd.s32 v26, v35;
	v59 =	vld [tilespmem:s1+$0xFFFFFFA0];
	[tilespmem:v63+s17+$0x0] =	vst.idx.msk $0xffff, v33  }
0x19c: {  	v55 =	vadd.s32 v11, v40;
	v54 =	vadd.s32 v32, v41;
	v41 =	vld [tilespmem:s1+$0xFFFFFEB0];
	[tilespmem:v56+s17+$0x0] =	vst.idx.msk $0xffff, v49  }
0x19d: {  	v53 =	vadd.s32 v7, v47;
	v63 =	vld [tilespmem:s1+$0xFFFFFE70];
	[tilespmem:v39+s17+$0x0] =	vst.idx.msk $0xffff, v34  }
0x19e: {  	v56 =	vld [tilespmem:s1+$0xFFFFFEF0];
	[tilespmem:v58+s17+$0x0] =	vst.idx.msk $0xffff, v57;
	v57 =	vadd.s32 v15, v42  }
0x19f: {  	[tilespmem:v62+s17+$0x0] =	vst.idx.msk $0xffff, v61;
	v34 =	vld [tilespmem:s1+$0x0]  }
0x1a0: {  	v58 =	vld [tilespmem:s1+$0xFFFFFF30];
	[tilespmem:v60+s17+$0x0] =	vst.idx.msk $0xffff, v59;
	v59 =	vadd.s32 v19, v44  }
0x1a1: {  	v61 =	vadd.s32 v23, v38;
	[tilespmem:v55+s17+$0x0] =	vst.idx.msk $0xffff, v41;
	v60 =	vld [tilespmem:s1+$0xFFFFFF70]  }
0x1a2: {  	[tilespmem:v53+s17+$0x0] =	vst.idx.msk $0xffff, v63;
	v63 =	vadd.s32 v27, v35;
	v62 =	vld [tilespmem:s1+$0xFFFFFFB0]  }
0x1a3: {  	v47 =	vadd.s32 v8, v47;
	v55 =	vld [tilespmem:s1+$0xFFFFFE80];
	[tilespmem:v57+s17+$0x0] =	vst.idx.msk $0xffff, v56  }
0x1a4: {  	v53 =	vld [tilespmem:s1+$0xFFFFFE30];
	[tilespmem:v54+s17+$0x0] =	vst.idx.msk $0xffff, v34;
	v54 =	vadd.s32 v3, v45  }
0x1a5: {  	v40 =	vadd.s32 v12, v40;
	v56 =	vld [tilespmem:s1+$0xFFFFFEC0];
	[tilespmem:v59+s17+$0x0] =	vst.idx.msk $0xffff, v58  }
0x1a6: {  	v42 =	vadd.s32 v16, v42;
	v57 =	vld [tilespmem:s1+$0xFFFFFF00];
	[tilespmem:v61+s17+$0x0] =	vst.idx.msk $0xffff, v60  }
0x1a7: {  	v59 =	vadd.s32 v20, v44;
	v58 =	vld [tilespmem:s1+$0xFFFFFF40];
	[tilespmem:v63+s17+$0x0] =	vst.idx.msk $0xffff, v62  }
0x1a8: {  	v38 =	vadd.s32 v24, v38;
	v60 =	vld [tilespmem:s1+$0xFFFFFF80];
	[tilespmem:v47+s17+$0x0] =	vst.idx.msk $0xffff, v55  }
0x1a9: {  	v35 =	vadd.s32 v28, v35;
	v61 =	vld [tilespmem:s1+$0xFFFFFFC0];
	[tilespmem:v54+s17+$0x0] =	vst.idx.msk $0xffff, v53  }
0x1aa: {  	v63 =	vadd.s32 v4, v45;
	[tilespmem:v40+s17+$0x0] =	vst.idx.msk $0xffff, v56;
	v62 =	vld [tilespmem:s1+$0xFFFFFE40]  }
0x1ab: {  	[tilespmem:v42+s17+$0x0] =	vst.idx.msk $0xffff, v57  }
0x1ac: {  	s0 =	sshll.u32 s29, $0x12;
	[tilespmem:v59+s17+$0x0] =	vst.idx.msk $0xffff, v58  }
0x1ad: {  	s0 =	sor.u32 s6, s0;
	[tilespmem:v38+s17+$0x0] =	vst.idx.msk $0xffff, v60  }
0x1ae: {  	s29 =	sshrl.u32 s0, $0x3;
	[tilespmem:v35+s17+$0x0] =	vst.idx.msk $0xffff, v61  }
0x1af: {  	s0 =	sadd.s32 s2, s29;
	[tilespmem:v63+s17+$0x0] =	vst.idx.msk $0xffff, v62  }
0x1b0: {  	[hbm4b:s0+s3] =	stream.linear.scatter [tilespmem:s17], [sflag:$0x4], $0x80, $0x38;
	[tilespmem:$0xE800] =	vst v63  }
0x1b1: {  	s31 =	simm.s32 $0xC688;
	s1 =	sadd.s32 $0x10, s0  }
0x1b2: {  	[hbm4b:s1+s3] =	stream.linear.scatter [tilespmem:s31], [sflag:$0x4], $0x80, $0x38;
	[tilespmem:$0xE800] =	vst v63  }
0x1b3: {  	s1 =	sadd.s32 $0x20, s0;
	s31 =	simm.s32 $0xC710  }
0x1b4: {  	[hbm4b:s1+s3] =	stream.linear.scatter [tilespmem:s31], [sflag:$0x4], $0x80, $0x38;
	[tilespmem:$0xE800] =	vst v63  }
0x1b5: {  	s1 =	sadd.s32 $0x30, s0;
	s31 =	simm.s32 $0xC798  }
0x1b6: {  	[hbm4b:s1+s3] =	stream.linear.scatter [tilespmem:s31], [sflag:$0x4], $0x80, $0x38;
	[tilespmem:$0xE800] =	vst v63  }
0x1b7: {  	s1 =	sadd.s32 $0x40, s0;
	s31 =	simm.s32 $0xC820  }
0x1b8: {  	[hbm4b:s1+s3] =	stream.linear.scatter [tilespmem:s31], [sflag:$0x4], $0x80, $0x38;
	[tilespmem:$0xE800] =	vst v63  }
0x1b9: {  	s1 =	sadd.s32 $0x50, s0;
	s31 =	simm.s32 $0xC8A8  }
0x1ba: {  	[hbm4b:s1+s3] =	stream.linear.scatter [tilespmem:s31], [sflag:$0x4], $0x80, $0x38;
	[tilespmem:$0xE800] =	vst v63  }
0x1bb: {  	s1 =	sadd.s32 $0x60, s0;
	s31 =	simm.s32 $0xC930  }
0x1bc: {  	[hbm4b:s1+s3] =	stream.linear.scatter [tilespmem:s31], [sflag:$0x4], $0x80, $0x38;
	[tilespmem:$0xE800] =	vst v63  }
0x1bd: {  	s0 =	sadd.s32 $0x70, s0;
	s31 =	simm.s32 $0xC9B8  }
0x1be: {  	[hbm4b:s0+s3] =	stream.linear.scatter [tilespmem:s31], [sflag:$0x4], $0x80, $0x38;
	[tilespmem:$0xE800] =	vst v63  }
0x1bf: {  	s30 =	simm.s32 $0xCA40;
	s0 =	sadd.s32 s29, s7  }
0x1c0: {  	[hbm4b:s0+s3] =	stream.linear.scatter [tilespmem:s30], [sflag:$0x4], $0x80, $0x38;
	[tilespmem:$0xE800] =	vst v63  }
0x1c1: {  	s31 =	simm.s32 $0xCAC8;
	s1 =	sadd.s32 $0x10, s0  }
0x1c2: {  	[hbm4b:s1+s3] =	stream.linear.scatter [tilespmem:s31], [sflag:$0x4], $0x80, $0x38;
	[tilespmem:$0xE800] =	vst v63  }
0x1c3: {  	s1 =	sadd.s32 $0x20, s0;
	s31 =	simm.s32 $0xCB50  }
0x1c4: {  	[hbm4b:s1+s3] =	stream.linear.scatter [tilespmem:s31], [sflag:$0x4], $0x80, $0x38;
	[tilespmem:$0xE800] =	vst v63  }
0x1c5: {  	s1 =	sadd.s32 $0x30, s0;
	s31 =	simm.s32 $0xCBD8  }
0x1c6: {  	[hbm4b:s1+s3] =	stream.linear.scatter [tilespmem:s31], [sflag:$0x4], $0x80, $0x38;
	[tilespmem:$0xE800] =	vst v63  }
0x1c7: {  	s1 =	sadd.s32 $0x40, s0;
	s31 =	simm.s32 $0xCC60  }
0x1c8: {  	[hbm4b:s1+s3] =	stream.linear.scatter [tilespmem:s31], [sflag:$0x4], $0x80, $0x38;
	[tilespmem:$0xE800] =	vst v63  }
0x1c9: {  	s1 =	sadd.s32 $0x50, s0;
	s31 =	simm.s32 $0xCCE8  }
0x1ca: {  	[hbm4b:s1+s3] =	stream.linear.scatter [tilespmem:s31], [sflag:$0x4], $0x80, $0x38;
	[tilespmem:$0xE800] =	vst v63  }
0x1cb: {  	s1 =	sadd.s32 $0x60, s0;
	s31 =	simm.s32 $0xCD70  }
0x1cc: {  	[hbm4b:s1+s3] =	stream.linear.scatter [tilespmem:s31], [sflag:$0x4], $0x80, $0x38;
	[tilespmem:$0xE800] =	vst v63  }
0x1cd: {  	s0 =	sadd.s32 $0x70, s0;
	s31 =	simm.s32 $0xCDF8  }
0x1ce: {  	[hbm4b:s0+s3] =	stream.linear.scatter [tilespmem:s31], [sflag:$0x4], $0x80, $0x38;
	[tilespmem:$0xE800] =	vst v63  }
0x1cf: {  	s30 =	simm.s32 $0xCE80;
	s0 =	sadd.s32 s29, s8  }
0x1d0: {  	[hbm4b:s0+s3] =	stream.linear.scatter [tilespmem:s30], [sflag:$0x4], $0x80, $0x38;
	[tilespmem:$0xE800] =	vst v63  }
0x1d1: {  	s31 =	simm.s32 $0xCF08;
	s1 =	sadd.s32 $0x10, s0  }
0x1d2: {  	[hbm4b:s1+s3] =	stream.linear.scatter [tilespmem:s31], [sflag:$0x4], $0x80, $0x38;
	[tilespmem:$0xE800] =	vst v63  }
0x1d3: {  	s1 =	sadd.s32 $0x20, s0;
	s31 =	simm.s32 $0xCF90  }
0x1d4: {  	[hbm4b:s1+s3] =	stream.linear.scatter [tilespmem:s31], [sflag:$0x4], $0x80, $0x38;
	[tilespmem:$0xE800] =	vst v63  }
0x1d5: {  	s1 =	sadd.s32 $0x30, s0;
	s31 =	simm.s32 $0xD018  }
0x1d6: {  	[hbm4b:s1+s3] =	stream.linear.scatter [tilespmem:s31], [sflag:$0x4], $0x80, $0x38;
	[tilespmem:$0xE800] =	vst v63  }
0x1d7: {  	s1 =	sadd.s32 $0x40, s0;
	s31 =	simm.s32 $0xD0A0  }
0x1d8: {  	[hbm4b:s1+s3] =	stream.linear.scatter [tilespmem:s31], [sflag:$0x4], $0x80, $0x38;
	[tilespmem:$0xE800] =	vst v63  }
0x1d9: {  	s1 =	sadd.s32 $0x50, s0;
	s31 =	simm.s32 $0xD128  }
0x1da: {  	[hbm4b:s1+s3] =	stream.linear.scatter [tilespmem:s31], [sflag:$0x4], $0x80, $0x38;
	[tilespmem:$0xE800] =	vst v63  }
0x1db: {  	s1 =	sadd.s32 $0x60, s0;
	s31 =	simm.s32 $0xD1B0  }
0x1dc: {  	[hbm4b:s1+s3] =	stream.linear.scatter [tilespmem:s31], [sflag:$0x4], $0x80, $0x38;
	[tilespmem:$0xE800] =	vst v63  }
0x1dd: {  	s0 =	sadd.s32 $0x70, s0;
	s31 =	simm.s32 $0xD238  }
0x1de: {  	[hbm4b:s0+s3] =	stream.linear.scatter [tilespmem:s31], [sflag:$0x4], $0x80, $0x38;
	[tilespmem:$0xE800] =	vst v63  }
0x1df: {  	s30 =	simm.s32 $0xD2C0;
	s0 =	sadd.s32 s29, s9  }
0x1e0: {  	[hbm4b:s0+s3] =	stream.linear.scatter [tilespmem:s30], [sflag:$0x4], $0x80, $0x38;
	[tilespmem:$0xE800] =	vst v63  }
0x1e1: {  	s31 =	simm.s32 $0xD348;
	s1 =	sadd.s32 $0x10, s0  }
0x1e2: {  	[hbm4b:s1+s3] =	stream.linear.scatter [tilespmem:s31], [sflag:$0x4], $0x80, $0x38;
	[tilespmem:$0xE800] =	vst v63  }
0x1e3: {  	s1 =	sadd.s32 $0x20, s0;
	s31 =	simm.s32 $0xD3D0  }
0x1e4: {  	[hbm4b:s1+s3] =	stream.linear.scatter [tilespmem:s31], [sflag:$0x4], $0x80, $0x38;
	[tilespmem:$0xE800] =	vst v63  }
0x1e5: {  	s1 =	sadd.s32 $0x30, s0;
	s31 =	simm.s32 $0xD458  }
0x1e6: {  	[hbm4b:s1+s3] =	stream.linear.scatter [tilespmem:s31], [sflag:$0x4], $0x80, $0x38;
	[tilespmem:$0xE800] =	vst v63  }
0x1e7: {  	s1 =	sadd.s32 $0x40, s0;
	s31 =	simm.s32 $0xD4E0  }
0x1e8: {  	[hbm4b:s1+s3] =	stream.linear.scatter [tilespmem:s31], [sflag:$0x4], $0x80, $0x38;
	[tilespmem:$0xE800] =	vst v63  }
0x1e9: {  	s1 =	sadd.s32 $0x50, s0;
	s31 =	simm.s32 $0xD568  }
0x1ea: {  	[hbm4b:s1+s3] =	stream.linear.scatter [tilespmem:s31], [sflag:$0x4], $0x80, $0x38;
	[tilespmem:$0xE800] =	vst v63  }
0x1eb: {  	s1 =	sadd.s32 $0x60, s0;
	s31 =	simm.s32 $0xD5F0  }
0x1ec: {  	[hbm4b:s1+s3] =	stream.linear.scatter [tilespmem:s31], [sflag:$0x4], $0x80, $0x38;
	[tilespmem:$0xE800] =	vst v63  }
0x1ed: {  	s0 =	sadd.s32 $0x70, s0;
	s31 =	simm.s32 $0xD678  }
0x1ee: {  	[hbm4b:s0+s3] =	stream.linear.scatter [tilespmem:s31], [sflag:$0x4], $0x80, $0x38;
	[tilespmem:$0xE800] =	vst v63  }
0x1ef: {  	s30 =	simm.s32 $0xD700;
	s0 =	sadd.s32 s29, s10  }
0x1f0: {  	[hbm4b:s0+s3] =	stream.linear.scatter [tilespmem:s30], [sflag:$0x4], $0x80, $0x38;
	[tilespmem:$0xE800] =	vst v63  }
0x1f1: {  	s31 =	simm.s32 $0xD788;
	s1 =	sadd.s32 $0x10, s0  }
0x1f2: {  	[hbm4b:s1+s3] =	stream.linear.scatter [tilespmem:s31], [sflag:$0x4], $0x80, $0x38;
	[tilespmem:$0xE800] =	vst v63  }
0x1f3: {  	s1 =	sadd.s32 $0x20, s0;
	s31 =	simm.s32 $0xD810  }
0x1f4: {  	[hbm4b:s1+s3] =	stream.linear.scatter [tilespmem:s31], [sflag:$0x4], $0x80, $0x38;
	[tilespmem:$0xE800] =	vst v63  }
0x1f5: {  	s1 =	sadd.s32 $0x30, s0;
	s31 =	simm.s32 $0xD898  }
0x1f6: {  	[hbm4b:s1+s3] =	stream.linear.scatter [tilespmem:s31], [sflag:$0x4], $0x80, $0x38;
	[tilespmem:$0xE800] =	vst v63  }
0x1f7: {  	s1 =	sadd.s32 $0x40, s0;
	s31 =	simm.s32 $0xD920  }
0x1f8: {  	[hbm4b:s1+s3] =	stream.linear.scatter [tilespmem:s31], [sflag:$0x4], $0x80, $0x38;
	[tilespmem:$0xE800] =	vst v63  }
0x1f9: {  	s1 =	sadd.s32 $0x50, s0;
	s31 =	simm.s32 $0xD9A8  }
0x1fa: {  	[hbm4b:s1+s3] =	stream.linear.scatter [tilespmem:s31], [sflag:$0x4], $0x80, $0x38;
	[tilespmem:$0xE800] =	vst v63  }
0x1fb: {  	s1 =	sadd.s32 $0x60, s0;
	s31 =	simm.s32 $0xDA30  }
0x1fc: {  	[hbm4b:s1+s3] =	stream.linear.scatter [tilespmem:s31], [sflag:$0x4], $0x80, $0x38;
	[tilespmem:$0xE800] =	vst v63  }
0x1fd: {  	s0 =	sadd.s32 $0x70, s0;
	s31 =	simm.s32 $0xDAB8  }
0x1fe: {  	[hbm4b:s0+s3] =	stream.linear.scatter [tilespmem:s31], [sflag:$0x4], $0x80, $0x38;
	[tilespmem:$0xE800] =	vst v63  }
0x1ff: {  	s30 =	simm.s32 $0xDB40;
	s0 =	sadd.s32 s29, s11  }
0x200: {  	[hbm4b:s0+s3] =	stream.linear.scatter [tilespmem:s30], [sflag:$0x4], $0x80, $0x38;
	[tilespmem:$0xE800] =	vst v63  }
0x201: {  	s31 =	simm.s32 $0xDBC8;
	s1 =	sadd.s32 $0x10, s0  }
0x202: {  	[hbm4b:s1+s3] =	stream.linear.scatter [tilespmem:s31], [sflag:$0x4], $0x80, $0x38;
	[tilespmem:$0xE800] =	vst v63  }
0x203: {  	s1 =	sadd.s32 $0x20, s0;
	s31 =	simm.s32 $0xDC50  }
0x204: {  	[hbm4b:s1+s3] =	stream.linear.scatter [tilespmem:s31], [sflag:$0x4], $0x80, $0x38;
	[tilespmem:$0xE800] =	vst v63  }
0x205: {  	s1 =	sadd.s32 $0x30, s0;
	s31 =	simm.s32 $0xDCD8  }
0x206: {  	[hbm4b:s1+s3] =	stream.linear.scatter [tilespmem:s31], [sflag:$0x4], $0x80, $0x38;
	[tilespmem:$0xE800] =	vst v63  }
0x207: {  	s1 =	sadd.s32 $0x40, s0;
	s31 =	simm.s32 $0xDD60  }
0x208: {  	[hbm4b:s1+s3] =	stream.linear.scatter [tilespmem:s31], [sflag:$0x4], $0x80, $0x38;
	[tilespmem:$0xE800] =	vst v63  }
0x209: {  	s1 =	sadd.s32 $0x50, s0;
	s31 =	simm.s32 $0xDDE8  }
0x20a: {  	[hbm4b:s1+s3] =	stream.linear.scatter [tilespmem:s31], [sflag:$0x4], $0x80, $0x38;
	[tilespmem:$0xE800] =	vst v63  }
0x20b: {  	s1 =	sadd.s32 $0x60, s0;
	s31 =	simm.s32 $0xDE70  }
0x20c: {  	[hbm4b:s1+s3] =	stream.linear.scatter [tilespmem:s31], [sflag:$0x4], $0x80, $0x38;
	[tilespmem:$0xE800] =	vst v63  }
0x20d: {  	s0 =	sadd.s32 $0x70, s0;
	s31 =	simm.s32 $0xDEF8  }
0x20e: {  	[hbm4b:s0+s3] =	stream.linear.scatter [tilespmem:s31], [sflag:$0x4], $0x80, $0x38;
	[tilespmem:$0xE800] =	vst v63  }
0x20f: {  	s30 =	simm.s32 $0xDF80;
	s0 =	sadd.s32 s29, s12  }
0x210: {  	[hbm4b:s0+s3] =	stream.linear.scatter [tilespmem:s30], [sflag:$0x4], $0x80, $0x38;
	[tilespmem:$0xE800] =	vst v63  }
0x211: {  	s31 =	simm.s32 $0xE008;
	s1 =	sadd.s32 $0x10, s0  }
0x212: {  	[hbm4b:s1+s3] =	stream.linear.scatter [tilespmem:s31], [sflag:$0x4], $0x80, $0x38;
	[tilespmem:$0xE800] =	vst v63  }
0x213: {  	s1 =	sadd.s32 $0x20, s0;
	s31 =	simm.s32 $0xE090  }
0x214: {  	[hbm4b:s1+s3] =	stream.linear.scatter [tilespmem:s31], [sflag:$0x4], $0x80, $0x38;
	[tilespmem:$0xE800] =	vst v63  }
0x215: {  	s1 =	sadd.s32 $0x30, s0;
	s31 =	simm.s32 $0xE118  }
0x216: {  	[hbm4b:s1+s3] =	stream.linear.scatter [tilespmem:s31], [sflag:$0x4], $0x80, $0x38;
	[tilespmem:$0xE800] =	vst v63  }
0x217: {  	s1 =	sadd.s32 $0x40, s0;
	s31 =	simm.s32 $0xE1A0  }
0x218: {  	[hbm4b:s1+s3] =	stream.linear.scatter [tilespmem:s31], [sflag:$0x4], $0x80, $0x38;
	[tilespmem:$0xE800] =	vst v63  }
0x219: {  	s1 =	sadd.s32 $0x50, s0;
	s31 =	simm.s32 $0xE228  }
0x21a: {  	[hbm4b:s1+s3] =	stream.linear.scatter [tilespmem:s31], [sflag:$0x4], $0x80, $0x38;
	[tilespmem:$0xE800] =	vst v63  }
0x21b: {  	s1 =	sadd.s32 $0x60, s0;
	s31 =	simm.s32 $0xE2B0  }
0x21c: {  	[hbm4b:s1+s3] =	stream.linear.scatter [tilespmem:s31], [sflag:$0x4], $0x80, $0x38;
	[tilespmem:$0xE800] =	vst v63  }
0x21d: {  	s0 =	sadd.s32 $0x70, s0;
	s31 =	simm.s32 $0xE338  }
0x21e: {  	[hbm4b:s0+s3] =	stream.linear.scatter [tilespmem:s31], [sflag:$0x4], $0x80, $0x38;
	[tilespmem:$0xE800] =	vst v63  }
0x21f: {  	s0 =	sadd.s32 s29, s13  }
0x220: {  	[hbm4b:s0+s3] =	stream.linear.scatter [tilespmem:s16], [sflag:$0x4], $0x80, $0x38;
	[tilespmem:$0xE800] =	vst v63  }
0x221: {  	s29 =	sadd.s32 $0x10, s0  }
0x222: {  	[hbm4b:s29+s3] =	stream.linear.scatter [tilespmem:s18], [sflag:$0x4], $0x80, $0x38;
	[tilespmem:$0xE800] =	vst v63  }
0x223: {  	s30 =	sadd.s32 $0x20, s0  }
0x224: {  	[hbm4b:s30+s3] =	stream.linear.scatter [tilespmem:s19], [sflag:$0x4], $0x80, $0x38;
	[tilespmem:$0xE800] =	vst v63  }
0x225: {  	s31 =	sadd.s32 $0x30, s0  }
0x226: {  	[hbm4b:s31+s3] =	stream.linear.scatter [tilespmem:s22], [sflag:$0x4], $0x80, $0x38;
	[tilespmem:$0xE800] =	vst v63  }
0x227: {  	s28 =	sadd.s32 $0x1, s28;
	s29 =	sadd.s32 $0x40, s0  }
0x228: {  	[hbm4b:s29+s3] =	stream.linear.scatter [tilespmem:s23], [sflag:$0x4], $0x80, $0x38;
	[tilespmem:$0xE800] =	vst v63  }
0x229: {  	p0 =	sne.s32 s28, $0x64;
	s30 =	sadd.s32 $0x50, s0  }
0x22a: {  	[hbm4b:s30+s3] =	stream.linear.scatter [tilespmem:s24], [sflag:$0x4], $0x80, $0x38;
	[tilespmem:$0xE800] =	vst v63  }
.Ltmp5:
0x22b: {  	_ = 	snop;
	(pc) =	sbr.rel @p0 .LBB2_2-.Ltmp5, $4  }
0x22c: {  	s31 =	sadd.s32 $0x60, s0  }
0x22d: {  	[hbm4b:s31+s3] =	stream.linear.scatter [tilespmem:s25], [sflag:$0x4], $0x80, $0x38;
	[tilespmem:$0xE800] =	vst v63  }
0x22e: {  	s0 =	sadd.s32 $0x70, s0  }
0x22f: {  	[hbm4b:s0+s3] =	stream.linear.scatter [tilespmem:s26], [sflag:$0x4], $0x80, $0x38;
	[tilespmem:$0xE800] =	vst v63  }
0x230: {  	s0 =	simm.s32 $0x3  }
0x231: {  	_ =	swait.ge [sflag:s0], $0x400  }
0x232: {  	[sflag:s0] =	ssyncset.done $0x0  }
0x233: {  	[sflag:s0] =	ssyncadd.s32 $0xFFFFFC00  }
0x234: {  	_ =	swait.ge [sflag:s0], $0x400  }
0x235: {  	[sflag:s0] =	ssyncset.done $0x0  }
0x236: {  	[sflag:s0] =	ssyncadd.s32 $0xFFFFFC00  }
0x237: {  	_ =	swait.ge [sflag:s0], $0x400  }
0x238: {  	[sflag:s0] =	ssyncset.done $0x0  }
0x239: {  	[sflag:s0] =	ssyncadd.s32 $0xFFFFFC00  }
0x23a: {  	_ =	swait.ge [sflag:s0], $0x400  }
0x23b: {  	[sflag:s0] =	ssyncset.done $0x0  }
0x23c: {  	[sflag:s0] =	ssyncadd.s32 $0xFFFFFC00  }
0x23d: {  	_ =	swait.ge [sflag:s0], $0x400  }
0x23e: {  	[sflag:s0] =	ssyncset.done $0x0  }
0x23f: {  	[sflag:s0] =	ssyncadd.s32 $0xFFFFFC00  }
0x240: {  	_ =	swait.ge [sflag:s0], $0x400  }
0x241: {  	[sflag:s0] =	ssyncset.done $0x0  }
0x242: {  	[sflag:s0] =	ssyncadd.s32 $0xFFFFFC00  }
0x243: {  	_ =	swait.ge [sflag:s0], $0x400  }
0x244: {  	[sflag:s0] =	ssyncset.done $0x0  }
0x245: {  	[sflag:s0] =	ssyncadd.s32 $0xFFFFFC00  }
0x246: {  	_ =	swait.ge [sflag:s0], $0x400  }
0x247: {  	[sflag:s0] =	ssyncset.done $0x0  }
0x248: {  	[sflag:s0] =	ssyncadd.s32 $0xFFFFFC00  }
0x249: {  	_ =	swait.ge [sflag:s14], $0x400  }
0x24a: {  	[sflag:s14] =	ssyncset.done $0x0  }
0x24b: {  	[sflag:s14] =	ssyncadd.s32 $0xFFFFFC00  }
0x24c: {  	_ =	swait.ge [sflag:s14], $0x400  }
0x24d: {  	[sflag:s14] =	ssyncset.done $0x0  }
0x24e: {  	[sflag:s14] =	ssyncadd.s32 $0xFFFFFC00  }
0x24f: {  	_ =	swait.ge [sflag:s14], $0x400  }
0x250: {  	[sflag:s14] =	ssyncset.done $0x0  }
0x251: {  	[sflag:s14] =	ssyncadd.s32 $0xFFFFFC00  }
0x252: {  	_ =	swait.ge [sflag:s14], $0x400  }
0x253: {  	[sflag:s14] =	ssyncset.done $0x0  }
0x254: {  	[sflag:s14] =	ssyncadd.s32 $0xFFFFFC00  }
0x255: {  	_ =	swait.ge [sflag:s14], $0x400  }
0x256: {  	[sflag:s14] =	ssyncset.done $0x0  }
0x257: {  	[sflag:s14] =	ssyncadd.s32 $0xFFFFFC00  }
0x258: {  	_ =	swait.ge [sflag:s14], $0x400  }
0x259: {  	[sflag:s14] =	ssyncset.done $0x0  }
0x25a: {  	[sflag:s14] =	ssyncadd.s32 $0xFFFFFC00  }
0x25b: {  	_ =	swait.ge [sflag:s14], $0x400  }
0x25c: {  	[sflag:s14] =	ssyncset.done $0x0  }
0x25d: {  	[sflag:s14] =	ssyncadd.s32 $0xFFFFFC00  }
0x25e: {  	_ =	swait.ge [sflag:s14], $0x400  }
0x25f: {  	s1 =	rddreg [dreg:$0x5]  }
0x260: {  	s31 =	rddreg [dreg:$0x4];
	s1 =	sadd.s32 $0x1, s1  }
0x261: {  	p0 =	sne.s32 s1, s31  }
.Ltmp6:
0x262: {  	_ = 	snop;
	(pc) =	sbr.rel @p0 .LBB2_1-.Ltmp6, $3  }
0x263: {  	_ =	sdelay $0x1  }
0x264: {  	[sflag:s14] =	ssyncset.done $0x0  }
0x265: {  	[sflag:s14] =	ssyncadd.s32 $0xFFFFFC00  }
0x266: {  	_ =	sfence.sel $0x180000  }
0x267: {  	[bflag:$0x0] =	sbarrier.arrive $0xFFFF  }
0x268: {  	_ =	strace $0x90000047  }
0x269: {  	s0 =	stileid.u32;
	[bflag:$0x2] =	sbarrier.arrive $0xFFFF  }
0x26a: {  	p0 =	sne.s32 s0, $0x0;
	s0 =	rddreg [dreg:$0x2]  }
0x26b: {  	s0 =	sadd.s32 @!p0 $0x100000, s0  }
0x26c: {  	[sflag:s0] =	ssyncadd.tile.s32 @!p0 $0x1;
	_ =	shalt  }
.Lfunc_end2:
_tile_overlayer_lowered:
.L_overlay_start_2:
0x26d: {  	(tag) =	ssettag $0x2  }
0x26e: {  	s0 =	rddreg [dreg:$0x0];
	s2 =	stileid.u32  }
0x26f: {  	s1 =	rddreg [dreg:$0x1];
	p0 =	sne.s32 s2, $0x0  }
0x270: {  	s3 =	rddreg [dreg:$0x2];
	[bflag:$0x3] =	sbarrier.arrive $0xFFFF;
	s2 =	simm.s32 @!p0 $0x1C05  }
0x271: {  	[timem:s3], [sflag:s2] =	dma.local @!p0 [hbm:s0], s1  }
0x272: {  	s0 =	simm.s32 @!p0 $0x5  }
0x273: {  	_ =	swait.ge @!p0 [sflag:s0], s1  }
0x274: {  	s1 =	ssub.s32 @!p0 $0x0, s1;
	[sflag:s0] =	ssyncset.done @!p0 $0x0  }
0x275: {  	[sflag:s0] =	ssyncadd.s32 @!p0 s1  }
0x276: {  	[bflag:$0x3] =	sbarrier.arrive $0xFFFF  }
0x277: {  	_ =	shalt  }

</sc_bundles>
